<compile_context>
chip_gen: v7x
topology: tpu7x:2x2x1
jax: 0.10.2.dev20260603
libtpu: 0.0.44.dev20260713+nightly
codegen_flags: <defaults>
</compile_context>

<pallas_src>
import functools

import jax
import jax.numpy as jnp
from jax import lax
from jax.experimental import pallas as pl
from jax.experimental.pallas import tpu as pltpu
from jax.experimental.pallas import tpu_sc as plsc

N = 10000
D = 256
K = 16
NP = 10112
RB = 200
NBLK = N // RB
NEG = -1.0e30

NSC = 2
NSUB = 16
NPAD = 10240
RT = NPAD // NSUB
DH = D // 2
DUMP = N + 16


def _mm_kernel(x_ref, wh_ref, bh_ref, wt_ref, bt_ref, eh_ref, et_ref):
    x = x_ref[...]
    eh_ref[...] = jnp.dot(x, wh_ref[...], preferred_element_type=jnp.float32) + bh_ref[...]
    et_ref[...] = jnp.dot(x, wt_ref[...], preferred_element_type=jnp.float32) + bt_ref[...]


def _heads(X, W_head, b_head, W_tail, b_tail):
    return pl.pallas_call(
        _mm_kernel,
        grid=(NBLK,),
        in_specs=[
            pl.BlockSpec((RB, D), lambda i: (i, 0)),
            pl.BlockSpec((D, D), lambda i: (0, 0)),
            pl.BlockSpec((1, D), lambda i: (0, 0)),
            pl.BlockSpec((D, D), lambda i: (0, 0)),
            pl.BlockSpec((1, D), lambda i: (0, 0)),
        ],
        out_specs=[
            pl.BlockSpec((RB, D), lambda i: (i, 0)),
            pl.BlockSpec((RB, D), lambda i: (i, 0)),
        ],
        out_shape=[
            jax.ShapeDtypeStruct((N, D), jnp.float32),
            jax.ShapeDtypeStruct((N, D), jnp.float32),
        ],
    )(X, W_head, b_head.reshape(1, D), W_tail, b_tail.reshape(1, D))


def _topk_kernel(eh_ref, etp_ref, w_ref, idx_ref):
    scale = D ** (-0.5)
    logits = jax.lax.dot_general(
        eh_ref[...], etp_ref[...], (((1,), (1,)), ((), ())),
        preferred_element_type=jnp.float32) * scale
    col = jax.lax.broadcasted_iota(jnp.int32, (RB, NP), 1)
    logits = jnp.where(col < N, logits, NEG)
    vals, idxs = [], []
    l = logits
    for _ in range(K):
        m = jnp.max(l, axis=1, keepdims=True)
        eq = l == m
        am = jnp.min(jnp.where(eq, col, jnp.int32(NP)), axis=1, keepdims=True)
        vals.append(m)
        idxs.append(am)
        l = jnp.where(eq, NEG, l)
    v = jnp.concatenate(vals, axis=1)
    ix = jnp.concatenate(idxs, axis=1)
    e = jnp.exp(v - v[:, 0:1])
    w_ref[...] = e / jnp.sum(e, axis=1, keepdims=True)
    idx_ref[...] = ix


def _topk(e_h, e_tp):
    return pl.pallas_call(
        _topk_kernel,
        grid=(NBLK,),
        in_specs=[
            pl.BlockSpec((RB, D), lambda i: (i, 0)),
            pl.BlockSpec((NP, D), lambda i: (0, 0)),
        ],
        out_specs=[
            pl.BlockSpec((RB, K), lambda i: (i, 0)),
            pl.BlockSpec((RB, K), lambda i: (i, 0)),
        ],
        out_shape=[
            jax.ShapeDtypeStruct((N, K), jnp.float32),
            jax.ShapeDtypeStruct((N, K), jnp.int32),
        ],
    )(e_h, e_tp)


def _sc_scatter_body(xh_ref, idxt_ref, zro_ref, aggr_ref, xv, idxv, agg_sh):
    c = lax.axis_index("c")
    s = lax.axis_index("s")
    rows = pl.ds(RT * s, RT)
    pltpu.sync_copy(zro_ref.at[rows], agg_sh.at[rows])
    pltpu.sync_copy(idxt_ref.at[s], idxv)
    plsc.subcore_barrier()

    def _scat_ch(ch, _):
        pltpu.sync_copy(xh_ref.at[pl.ds(NPAD * c + RT * s + 128 * ch, 128)],
                        xv)

        def _scat_k(k, _):
            pltpu.sync_copy(xv, agg_sh.at[idxv.at[k, ch]], add=True)
            return 0

        lax.fori_loop(0, K, _scat_k, 0)
        return 0

    lax.fori_loop(0, RT // 128, _scat_ch, 0)

    plsc.subcore_barrier()
    pltpu.sync_copy(agg_sh.at[rows], aggr_ref.at[pl.ds(NPAD * c + RT * s, RT)])


@functools.cache
def _get_sc_scatter():
    return pl.kernel(
        _sc_scatter_body,
        out_type=jax.ShapeDtypeStruct((NSC * NPAD, DH), jnp.float32),
        mesh=plsc.VectorSubcoreMesh(core_axis_name="c", subcore_axis_name="s"),
        scratch_types=[
            pltpu.VMEM((128, DH), jnp.float32),
            pltpu.VMEM((K, RT // 128, 128), jnp.int32),
            pltpu.VMEM_SHARED((NPAD, DH), jnp.float32),
        ],
    )


def _sc_gather_body(xc2_ref, idxf_ref, g_ref, idxv, gbuf, xc_sh, sem):
    c = lax.axis_index("c")
    s = lax.axis_index("s")
    rows = pl.ds(RT * s, RT)
    pltpu.sync_copy(xc2_ref.at[pl.ds(c * NPAD + RT * s, RT)], xc_sh.at[rows])
    plsc.subcore_barrier()
    base = c * NPAD * K + s * RT * K

    def _half(h, _):
        pltpu.sync_copy(idxf_ref.at[s * 2 + h], idxv)

        def _gath(chh, _):
            pltpu.async_copy(xc_sh.at[idxv.at[chh]], gbuf, sem).wait()
            pltpu.sync_copy(
                gbuf,
                g_ref.at[pl.ds(base + (h * 40 + chh) * 128, 128)])
            return 0

        lax.fori_loop(0, 40, _gath, 0)
        return 0

    lax.fori_loop(0, 2, _half, 0)


@functools.cache
def _get_sc_gather():
    return pl.kernel(
        _sc_gather_body,
        out_type=jax.ShapeDtypeStruct((NSC * NPAD * K, DH), jnp.float32),
        mesh=plsc.VectorSubcoreMesh(core_axis_name="c", subcore_axis_name="s"),
        scratch_types=[
            pltpu.VMEM((40, 128), jnp.int32),
            pltpu.VMEM((128, DH), jnp.float32),
            pltpu.VMEM_SHARED((NPAD, DH), jnp.float32),
            pltpu.SemaphoreType.DMA,
        ],
    )


def _sage_dense_kernel(a0_ref, a1_ref, cnt_ref, x_ref, wl_ref, bl_ref, wr_ref,
                       o_ref):
    aggr = jnp.concatenate([a0_ref[...], a1_ref[...]], axis=1)
    aggr = aggr / jnp.maximum(cnt_ref[...], 1.0)
    y = (jnp.dot(aggr, wl_ref[...], preferred_element_type=jnp.float32)
         + bl_ref[...]
         + jnp.dot(x_ref[...], wr_ref[...], preferred_element_type=jnp.float32))
    o_ref[...] = jnp.where(y > 0, y, 0.01 * y)


def _sage_dense(a0, a1, cnt, x, Wl, bl, Wr):
    return pl.pallas_call(
        _sage_dense_kernel,
        grid=(NBLK,),
        in_specs=[
            pl.BlockSpec((RB, DH), lambda i: (i, 0)),
            pl.BlockSpec((RB, DH), lambda i: (i, 0)),
            pl.BlockSpec((RB, 1), lambda i: (i, 0)),
            pl.BlockSpec((RB, D), lambda i: (i, 0)),
            pl.BlockSpec((D, D), lambda i: (0, 0)),
            pl.BlockSpec((1, D), lambda i: (0, 0)),
            pl.BlockSpec((D, D), lambda i: (0, 0)),
        ],
        out_specs=pl.BlockSpec((RB, D), lambda i: (i, 0)),
        out_shape=jax.ShapeDtypeStruct((N, D), jnp.float32),
    )(a0, a1, cnt, x, Wl, bl.reshape(1, D), Wr)


def _final_kernel(xc_ref, w_ref, g0_ref, g1_ref, wsum_ref, bsum_ref, wbi_ref,
                  bbi_ref, wgu_ref, bgu_ref, wgv_ref, bgv_ref, wgw_ref,
                  bgw_ref, gamma_ref, beta_ref, o_ref):
    xc = xc_ref[...]
    s = jnp.zeros((RB, D), jnp.float32)
    for k in range(K):
        gk = jnp.concatenate([g0_ref[:, k, :], g1_ref[:, k, :]], axis=1)
        s = s + w_ref[:, k:k + 1] * gk
    dot = lambda a, b: jnp.dot(a, b, preferred_element_type=jnp.float32)
    sum_msg = dot(xc + s, wsum_ref[...]) + bsum_ref[...]
    bi_msg = dot(xc * s, wbi_ref[...]) + bbi_ref[...]
    u = dot(xc, wgu_ref[...]) + bgu_ref[...]
    v = dot(s, wgv_ref[...]) + bgv_ref[...]
    gl = dot(u + v, wgw_ref[...]) + bgw_ref[...]
    g = 1.0 / (1.0 + jnp.exp(-gl))
    y = g * sum_msg + (1.0 - g) * bi_msg
    y = jnp.where(y > 0, y, 0.01 * y)
    res = y + xc
    mu = jnp.mean(res, axis=1, keepdims=True)
    var = jnp.mean((res - mu) ** 2, axis=1, keepdims=True)
    o_ref[...] = (res - mu) / jnp.sqrt(var + 1e-5) * gamma_ref[...] + beta_ref[...]


def _final(xc, w, g0, g1, W_sum, b_sum, W_bi, b_bi, W_gu, b_gu, W_gv, b_gv,
           W_gw, b_gw, gamma, beta):
    H = D // 2
    return pl.pallas_call(
        _final_kernel,
        grid=(NBLK,),
        in_specs=[
            pl.BlockSpec((RB, D), lambda i: (i, 0)),
            pl.BlockSpec((RB, K), lambda i: (i, 0)),
            pl.BlockSpec((RB, K, DH), lambda i: (i, 0, 0)),
            pl.BlockSpec((RB, K, DH), lambda i: (i, 0, 0)),
            pl.BlockSpec((D, D), lambda i: (0, 0)),
            pl.BlockSpec((1, D), lambda i: (0, 0)),
            pl.BlockSpec((D, D), lambda i: (0, 0)),
            pl.BlockSpec((1, D), lambda i: (0, 0)),
            pl.BlockSpec((D, H), lambda i: (0, 0)),
            pl.BlockSpec((1, H), lambda i: (0, 0)),
            pl.BlockSpec((D, H), lambda i: (0, 0)),
            pl.BlockSpec((1, H), lambda i: (0, 0)),
            pl.BlockSpec((H, D), lambda i: (0, 0)),
            pl.BlockSpec((1, D), lambda i: (0, 0)),
            pl.BlockSpec((1, D), lambda i: (0, 0)),
            pl.BlockSpec((1, D), lambda i: (0, 0)),
        ],
        out_specs=pl.BlockSpec((RB, D), lambda i: (i, 0)),
        out_shape=jax.ShapeDtypeStruct((N, D), jnp.float32),
    )(xc, w, g0, g1, W_sum, b_sum.reshape(1, D), W_bi, b_bi.reshape(1, D),
      W_gu, b_gu.reshape(1, H), W_gv, b_gv.reshape(1, H), W_gw,
      b_gw.reshape(1, D), gamma.reshape(1, D), beta.reshape(1, D))


def _split_pad(x):
    xp = jnp.pad(x, ((0, NPAD - N), (0, 0)))
    return jnp.concatenate([xp[:, :DH], xp[:, DH:]], axis=0)


def kernel(X, W_head, b_head, W_tail, b_tail, Wl0, bl0, Wr0, Wl1, bl1, Wr1,
           W_sum, b_sum, W_bi, b_bi, W_gu, b_gu, W_gv, b_gv, W_gw, b_gw,
           gamma, beta):
    e_h, e_t = _heads(X, W_head, b_head, W_tail, b_tail)
    e_tp = jnp.pad(e_t, ((0, NP - N), (0, 0)))
    weights, topk_idx = _topk(e_h, e_tp)

    src = jnp.repeat(jnp.arange(N, dtype=jnp.int32), K)
    dst = topk_idx.reshape(-1)
    edge_index = jnp.stack([src, dst], axis=0)

    idxp = jnp.concatenate(
        [topk_idx, jnp.full((NPAD - N, K), DUMP, jnp.int32)], axis=0)
    idxt = idxp.reshape(NSUB, RT, K).transpose(0, 2, 1).reshape(
        NSUB, K, RT // 128, 128)
    idxf = idxp.reshape(-1).reshape(NSUB * 2, 40, 128)

    zro = jnp.zeros((NPAD, DH), jnp.float32)

    onesf = jnp.ones((NSC * NPAD, DH), jnp.float32)
    cnt = _get_sc_scatter()(onesf, idxt, zro)[:NPAD, 0:1]
    aggr0 = _get_sc_scatter()(_split_pad(X), idxt, zro)
    xc0 = _sage_dense(aggr0[:NPAD], aggr0[NPAD:], cnt, X, Wl0, bl0, Wr0)
    aggr1 = _get_sc_scatter()(_split_pad(xc0), idxt, zro)
    xc1 = _sage_dense(aggr1[:NPAD], aggr1[NPAD:], cnt, xc0, Wl1, bl1, Wr1)

    G = _get_sc_gather()(_split_pad(xc1), idxf)
    g0 = G[:NPAD * K].reshape(NPAD, K, DH)
    g1 = G[NPAD * K:].reshape(NPAD, K, DH)

    out = _final(xc1, weights, g0, g1, W_sum, b_sum, W_bi, b_bi, W_gu, b_gu,
                 W_gv, b_gv, W_gw, b_gw, gamma, beta)
    return (out, edge_index)

# --- scband reference (transcript-rebuilt; emitter-appended) ---
"""Pipeline reference for scband-graph-attention-57251914056270 (READ-ONLY COPY).

The authoritative reference and input builder live on the scoring server;
editing this copy changes nothing except your own understanding.
"""

import jax, jax.numpy as jnp
import numpy as np

N = 10000
D = 256
K = 16


def setup_inputs(seed: int = 0) -> dict:
    key = jax.random.key(seed)
    ks = jax.random.split(key, 24)

    def lin(k, din, dout):
        return jax.random.normal(k, (din, dout), jnp.float32) * (din ** -0.5)

    inp = {}
    inp["X"] = jax.random.normal(ks[0], (N, D), jnp.float32)
    # DynamicGraphBuilder params
    inp["W_head"] = lin(ks[1], D, D)
    inp["b_head"] = jnp.zeros((D,), jnp.float32)
    inp["W_tail"] = lin(ks[2], D, D)
    inp["b_tail"] = jnp.zeros((D,), jnp.float32)
    # SAGEConv 0: lin_l (bias) on aggregated, lin_r (no bias) on self
    inp["Wl0"] = lin(ks[3], D, D)
    inp["bl0"] = jnp.zeros((D,), jnp.float32)
    inp["Wr0"] = lin(ks[4], D, D)
    # SAGEConv 1
    inp["Wl1"] = lin(ks[5], D, D)
    inp["bl1"] = jnp.zeros((D,), jnp.float32)
    inp["Wr1"] = lin(ks[6], D, D)
    # post-aggregation heads
    inp["W_sum"] = lin(ks[7], D, D)
    inp["b_sum"] = jnp.zeros((D,), jnp.float32)
    inp["W_bi"] = lin(ks[8], D, D)
    inp["b_bi"] = jnp.zeros((D,), jnp.float32)
    inp["W_gu"] = lin(ks[9], D, D // 2)
    inp["b_gu"] = jnp.zeros((D // 2,), jnp.float32)
    inp["W_gv"] = lin(ks[10], D, D // 2)
    inp["b_gv"] = jnp.zeros((D // 2,), jnp.float32)
    inp["W_gw"] = lin(ks[11], D // 2, D)
    inp["b_gw"] = jnp.zeros((D,), jnp.float32)
    # LayerNorm
    inp["gamma"] = jnp.ones((D,), jnp.float32)
    inp["beta"] = jnp.zeros((D,), jnp.float32)
    return inp


def reference(X, W_head, b_head, W_tail, b_tail, Wl0, bl0, Wr0, Wl1, bl1, Wr1,
              W_sum, b_sum, W_bi, b_bi, W_gu, b_gu, W_gv, b_gv, W_gw, b_gw,
              gamma, beta):
    scale = D ** (-0.5)
    # DynamicGraphBuilder
    e_h = X @ W_head + b_head
    e_t = X @ W_tail + b_tail
    logits = (e_h @ e_t.T) * scale
    topk_val, topk_idx = jax.lax.top_k(logits, K)
    weights = jax.nn.softmax(topk_val, axis=-1)
    src = jnp.repeat(jnp.arange(N, dtype=jnp.int32), K)
    dst = topk_idx.reshape(-1).astype(jnp.int32)
    edge_index = jnp.stack([src, dst], axis=0)
    edge_weight = weights.reshape(-1)

    row, col = edge_index[0], edge_index[1]

    def sage(x, Wl, bl, Wr):
        # PyG SAGEConv mean aggregation: messages flow src -> dst
        cnt = jax.ops.segment_sum(jnp.ones((row.shape[0],), x.dtype), col, num_segments=N)
        aggr = jax.ops.segment_sum(x[row], col, num_segments=N) / jnp.maximum(cnt, 1.0)[:, None]
        return jax.nn.leaky_relu(aggr @ Wl + bl + x @ Wr, 0.01)

    Xc = sage(X, Wl0, bl0, Wr0)
    Xc = sage(Xc, Wl1, bl1, Wr1)

    # index_add_ at row (src) of X[col] * w
    summed = jnp.zeros_like(Xc).at[row].add(Xc[col] * edge_weight[:, None])
    sum_msg = (Xc + summed) @ W_sum + b_sum
    bi_msg = (Xc * summed) @ W_bi + b_bi
    u = Xc @ W_gu + b_gu
    v = summed @ W_gv + b_gv
    g = jax.nn.sigmoid((u + v) @ W_gw + b_gw)
    out = jax.nn.leaky_relu(g * sum_msg + (1.0 - g) * bi_msg, 0.01)
    res = out + Xc
    mu = jnp.mean(res, axis=-1, keepdims=True)
    var = jnp.mean((res - mu) ** 2, axis=-1, keepdims=True)
    out = (res - mu) / jnp.sqrt(var + 1e-5) * gamma + beta
    return (out, edge_index)

if __name__ == "__main__":
    import jax
    _d = setup_inputs()
    print(jax.jit(kernel)(*tuple(_d.values())))

</pallas_src>

<mosaic_0001>
#map = affine_map<(d0, d1) -> (0, 0)>
#map1 = affine_map<(d0, d1) -> (0, 0, 0)>
module attributes {stable_mosaic.version = 14 : i64} {
  func.func @_sc_gather_body(%arg0: i32, %arg1: i32, %arg2: memref<20480x128xf32, #tpu.memory_space<hbm>>, %arg3: memref<32x40x128xi32, #tpu.memory_space<hbm>>, %arg4: memref<327680x128xf32, #tpu.memory_space<hbm>>, %arg5: memref<40x128xi32, #tpu.memory_space<vmem>>, %arg6: memref<128x128xf32, #tpu.memory_space<vmem>>, %arg7: memref<10240x128xf32, #tpu.memory_space<vmem_shared>>, %arg8: memref<!tpu.dma_semaphore, #tpu.memory_space<semaphore_mem>>) attributes {dimension_semantics = [#tpu.dimension_semantics<core_parallel>, #tpu.dimension_semantics<subcore_parallel>], iteration_bounds = array<i64: 2, 16>, scalar_prefetch = 0 : i64, scratch_operands = 4 : i64, tpu.core_type = #tpu.core_type<sc_vector_subcore>, window_params = [{transform_indices = #map}, {transform_indices = #map1}, {transform_indices = #map}]} {
    %mul3A = arith.constant 640 : i32
    %mul3A_0 = arith.muli %mul3A, %arg1 : i32
    %mul3A_1 = arith.constant 10240 : i32
    %mul3A_2 = arith.muli %arg0, %mul3A_1 : i32
    %mul3A_3 = arith.constant 640 : i32
    %mul3A_4 = arith.muli %mul3A_3, %arg1 : i32
    %add3A = arith.addi %mul3A_2, %mul3A_4 : i32
    "tpu.region"() ({
      %run_scoped3A = tpu.sem_alloc : memref<!tpu.dma_semaphore, #tpu.memory_space<semaphore_mem>>
      %dma_start3A = arith.constant 0 : i32
      %dma_start3A_20 = tpu.memref_slice %arg7[%mul3A_0, %dma_start3A] : memref<10240x128xf32, #tpu.memory_space<vmem_shared>> -> memref<640x128xf32, #tpu.memory_space<vmem_shared>>
      %dma_start3A_21 = arith.constant 0 : i32
      %dma_start3A_22 = tpu.memref_slice %arg2[%add3A, %dma_start3A_21] : memref<20480x128xf32, #tpu.memory_space<hbm>> -> memref<640x128xf32, #tpu.memory_space<hbm>>
      tpu.enqueue_dma source(%dma_start3A_22 : memref<640x128xf32, #tpu.memory_space<hbm>>) target(%dma_start3A_20 : memref<640x128xf32, #tpu.memory_space<vmem_shared>>) target_semaphore(%run_scoped3A : memref<!tpu.dma_semaphore, #tpu.memory_space<semaphore_mem>>)
      %dma_wait3A = arith.constant 0 : i32
      %dma_wait3A_23 = tpu.memref_slice %arg7[%mul3A_0, %dma_wait3A] : memref<10240x128xf32, #tpu.memory_space<vmem_shared>> -> memref<640x128xf32, #tpu.memory_space<vmem_shared>>
      %dma_wait3A_24 = arith.constant 0 : i32
      %dma_wait3A_25 = tpu.memref_slice %arg2[%add3A, %dma_wait3A_24] : memref<20480x128xf32, #tpu.memory_space<hbm>> -> memref<640x128xf32, #tpu.memory_space<hbm>>
      tpu.wait_dma2 semaphore(%run_scoped3A : memref<!tpu.dma_semaphore, #tpu.memory_space<semaphore_mem>>) src(%dma_wait3A_25 : memref<640x128xf32, #tpu.memory_space<hbm>>) dst(%dma_wait3A_23 : memref<640x128xf32, #tpu.memory_space<vmem_shared>>)
      tpu.yield
    }) : () -> ()
    %barrier3A = arith.constant 0 : index
    tpu.barrier barrier_id(%barrier3A)
    %mul3A_5 = arith.constant 10240 : i32
    %mul3A_6 = arith.muli %arg0, %mul3A_5 : i32
    %mul3A_7 = arith.constant 16 : i32
    %mul3A_8 = arith.muli %mul3A_6, %mul3A_7 : i32
    %mul3A_9 = arith.constant 640 : i32
    %mul3A_10 = arith.muli %arg1, %mul3A_9 : i32
    %mul3A_11 = arith.constant 16 : i32
    %mul3A_12 = arith.muli %mul3A_10, %mul3A_11 : i32
    %add3A_13 = arith.addi %mul3A_8, %mul3A_12 : i32
    %scan3A = arith.constant 0 : i32
    %scan3A_14 = arith.constant 0 : i32
    %scan3A_15 = arith.constant 2 : i32
    %scan3A_16 = arith.addi %scan3A_14, %scan3A_15 : i32
    %scan3A_17 = arith.constant 1 : i32
    %scan3A_18 = scf.for %scan3A_20 = %scan3A_14 to %scan3A_16 step %scan3A_17 iter_args(%scan3A_21 = %scan3A) -> (i32)  : i32 {
      %mul3A_22 = arith.constant 2 : i32
      %mul3A_23 = arith.muli %arg1, %mul3A_22 : i32
      %add3A_24 = arith.addi %mul3A_23, %scan3A_20 : i32
      "tpu.region"() ({
        %run_scoped3A = tpu.sem_alloc : memref<!tpu.dma_semaphore, #tpu.memory_space<semaphore_mem>>
        %dma_start3A = arith.constant 0 : i32
        %dma_start3A_33 = arith.constant 0 : i32
        %dma_start3A_34 = tpu.memref_slice %arg3[%add3A_24, %dma_start3A, %dma_start3A_33] : memref<32x40x128xi32, #tpu.memory_space<hbm>> -> memref<1x40x128xi32, #tpu.memory_space<hbm>>
        %dma_start3A_35 = tpu.memref_squeeze %dma_start3A_34 : memref<1x40x128xi32, #tpu.memory_space<hbm>> -> memref<40x128xi32, #tpu.memory_space<hbm>>
        %dma_start3A_36 = arith.constant 0 : i32
        %dma_start3A_37 = arith.constant 0 : i32
        %dma_start3A_38 = tpu.memref_slice %arg3[%add3A_24, %dma_start3A_36, %dma_start3A_37] : memref<32x40x128xi32, #tpu.memory_space<hbm>> -> memref<1x40x128xi32, #tpu.memory_space<hbm>>
        %dma_start3A_39 = tpu.memref_squeeze %dma_start3A_38 : memref<1x40x128xi32, #tpu.memory_space<hbm>> -> memref<40x128xi32, #tpu.memory_space<hbm>>
        tpu.enqueue_dma source(%dma_start3A_39 : memref<40x128xi32, #tpu.memory_space<hbm>>) target(%arg5 : memref<40x128xi32, #tpu.memory_space<vmem>>) target_semaphore(%run_scoped3A : memref<!tpu.dma_semaphore, #tpu.memory_space<semaphore_mem>>)
        %dma_wait3A = arith.constant 0 : i32
        %dma_wait3A_40 = arith.constant 0 : i32
        %dma_wait3A_41 = tpu.memref_slice %arg3[%add3A_24, %dma_wait3A, %dma_wait3A_40] : memref<32x40x128xi32, #tpu.memory_space<hbm>> -> memref<1x40x128xi32, #tpu.memory_space<hbm>>
        %dma_wait3A_42 = tpu.memref_squeeze %dma_wait3A_41 : memref<1x40x128xi32, #tpu.memory_space<hbm>> -> memref<40x128xi32, #tpu.memory_space<hbm>>
        %dma_wait3A_43 = arith.constant 0 : i32
        %dma_wait3A_44 = arith.constant 0 : i32
        %dma_wait3A_45 = tpu.memref_slice %arg3[%add3A_24, %dma_wait3A_43, %dma_wait3A_44] : memref<32x40x128xi32, #tpu.memory_space<hbm>> -> memref<1x40x128xi32, #tpu.memory_space<hbm>>
        %dma_wait3A_46 = tpu.memref_squeeze %dma_wait3A_45 : memref<1x40x128xi32, #tpu.memory_space<hbm>> -> memref<40x128xi32, #tpu.memory_space<hbm>>
        tpu.wait_dma2 semaphore(%run_scoped3A : memref<!tpu.dma_semaphore, #tpu.memory_space<semaphore_mem>>) src(%dma_wait3A_46 : memref<40x128xi32, #tpu.memory_space<hbm>>) dst(%arg5 : memref<40x128xi32, #tpu.memory_space<vmem>>)
        tpu.yield
      }) : () -> ()
      %scan3A_25 = arith.constant 0 : i32
      %scan3A_26 = arith.constant 0 : i32
      %scan3A_27 = arith.constant 40 : i32
      %scan3A_28 = arith.addi %scan3A_26, %scan3A_27 : i32
      %scan3A_29 = arith.constant 1 : i32
      %scan3A_30 = scf.for %scan3A_33 = %scan3A_26 to %scan3A_28 step %scan3A_29 iter_args(%scan3A_34 = %scan3A_25) -> (i32)  : i32 {
        %dma_start3A = arith.constant 0 : i32
        %dma_start3A_35 = tpu.memref_slice %arg5[%scan3A_33, %dma_start3A] : memref<40x128xi32, #tpu.memory_space<vmem>> -> memref<1x128xi32, #tpu.memory_space<vmem>>
        %dma_start3A_36 = tpu.memref_squeeze %dma_start3A_35 : memref<1x128xi32, #tpu.memory_space<vmem>> -> memref<128xi32, #tpu.memory_space<vmem>>
        %dma_start3A_37 = arith.constant 0 : i32
        %dma_start3A_38 = arith.constant 0 : i32
        %dma_start3A_39 = tpu.memref_slice %arg7[%dma_start3A_37, %dma_start3A_38] : memref<10240x128xf32, #tpu.memory_space<vmem_shared>> -> memref<10240x128xf32, #tpu.memory_space<vmem_shared>>
        tpu.enqueue_indirect_dma source(%dma_start3A_39 : memref<10240x128xf32, #tpu.memory_space<vmem_shared>>) target(%arg6 : memref<128x128xf32, #tpu.memory_space<vmem>>) offsets(%dma_start3A_36 : memref<128xi32, #tpu.memory_space<vmem>>) semaphore(%arg8 : memref<!tpu.dma_semaphore, #tpu.memory_space<semaphore_mem>>)
        %dma_wait3A = arith.constant 0 : i32
        %dma_wait3A_40 = tpu.memref_slice %arg5[%scan3A_33, %dma_wait3A] : memref<40x128xi32, #tpu.memory_space<vmem>> -> memref<1x128xi32, #tpu.memory_space<vmem>>
        %dma_wait3A_41 = tpu.memref_squeeze %dma_wait3A_40 : memref<1x128xi32, #tpu.memory_space<vmem>> -> memref<128xi32, #tpu.memory_space<vmem>>
        %dma_wait3A_42 = arith.constant 0 : i32
        %dma_wait3A_43 = arith.constant 0 : i32
        %dma_wait3A_44 = tpu.memref_slice %arg7[%dma_wait3A_42, %dma_wait3A_43] : memref<10240x128xf32, #tpu.memory_space<vmem_shared>> -> memref<10240x128xf32, #tpu.memory_space<vmem_shared>>
        tpu.wait_indirect_dma semaphore(%arg8 : memref<!tpu.dma_semaphore, #tpu.memory_space<semaphore_mem>>) src(%dma_wait3A_44 : memref<10240x128xf32, #tpu.memory_space<vmem_shared>>) dst(%arg6 : memref<128x128xf32, #tpu.memory_space<vmem>>)
        %mul3A_45 = arith.constant 40 : i32
        %mul3A_46 = arith.muli %scan3A_20, %mul3A_45 : i32
        %add3A_47 = arith.addi %mul3A_46, %scan3A_33 : i32
        %mul3A_48 = arith.constant 128 : i32
        %mul3A_49 = arith.muli %add3A_47, %mul3A_48 : i32
        %add3A_50 = arith.addi %add3A_13, %mul3A_49 : i32
        "tpu.region"() ({
          %run_scoped3A = tpu.sem_alloc : memref<!tpu.dma_semaphore, #tpu.memory_space<semaphore_mem>>
          %dma_start3A_52 = arith.constant 0 : i32
          %dma_start3A_53 = tpu.memref_slice %arg4[%add3A_50, %dma_start3A_52] : memref<327680x128xf32, #tpu.memory_space<hbm>> -> memref<128x128xf32, #tpu.memory_space<hbm>>
          %dma_start3A_54 = arith.constant 0 : i32
          %dma_start3A_55 = tpu.memref_slice %arg4[%add3A_50, %dma_start3A_54] : memref<327680x128xf32, #tpu.memory_space<hbm>> -> memref<128x128xf32, #tpu.memory_space<hbm>>
          tpu.enqueue_dma source(%arg6 : memref<128x128xf32, #tpu.memory_space<vmem>>) target(%dma_start3A_55 : memref<128x128xf32, #tpu.memory_space<hbm>>) target_semaphore(%run_scoped3A : memref<!tpu.dma_semaphore, #tpu.memory_space<semaphore_mem>>)
          %dma_wait3A_56 = arith.constant 0 : i32
          %dma_wait3A_57 = tpu.memref_slice %arg4[%add3A_50, %dma_wait3A_56] : memref<327680x128xf32, #tpu.memory_space<hbm>> -> memref<128x128xf32, #tpu.memory_space<hbm>>
          %dma_wait3A_58 = arith.constant 0 : i32
          %dma_wait3A_59 = tpu.memref_slice %arg4[%add3A_50, %dma_wait3A_58] : memref<327680x128xf32, #tpu.memory_space<hbm>> -> memref<128x128xf32, #tpu.memory_space<hbm>>
          tpu.wait_dma2 semaphore(%run_scoped3A : memref<!tpu.dma_semaphore, #tpu.memory_space<semaphore_mem>>) src(%arg6 : memref<128x128xf32, #tpu.memory_space<vmem>>) dst(%dma_wait3A_59 : memref<128x128xf32, #tpu.memory_space<hbm>>)
          tpu.yield
        }) : () -> ()
        %scan3A_51 = arith.constant 0 : i32
        scf.yield %scan3A_51 : i32
      }
      %scan3A_31 = arith.constant 40 : i32
      %scan3A_32 = arith.constant 0 : i32
      scf.yield %scan3A_32 : i32
    }
    %scan3A_19 = arith.constant 2 : i32
    return
  }
}

#map = affine_map<(d0, d1) -> (0, 0)>
#map1 = affine_map<(d0, d1) -> (0, 0, 0, 0)>
module attributes {stable_mosaic.version = 14 : i64} {
  func.func @_sc_scatter_body(%arg0: i32, %arg1: i32, %arg2: memref<20480x128xf32, #tpu.memory_space<hbm>>, %arg3: memref<16x16x5x128xi32, #tpu.memory_space<hbm>>, %arg4: memref<10240x128xf32, #tpu.memory_space<hbm>>, %arg5: memref<20480x128xf32, #tpu.memory_space<hbm>>, %arg6: memref<128x128xf32, #tpu.memory_space<vmem>>, %arg7: memref<16x5x128xi32, #tpu.memory_space<vmem>>, %arg8: memref<10240x128xf32, #tpu.memory_space<vmem_shared>>) attributes {dimension_semantics = [#tpu.dimension_semantics<core_parallel>, #tpu.dimension_semantics<subcore_parallel>], iteration_bounds = array<i64: 2, 16>, scalar_prefetch = 0 : i64, scratch_operands = 3 : i64, tpu.core_type = #tpu.core_type<sc_vector_subcore>, window_params = [{transform_indices = #map}, {transform_indices = #map1}, {transform_indices = #map}, {transform_indices = #map}]} {
    %mul3A = arith.constant 640 : i32
    %mul3A_0 = arith.muli %mul3A, %arg1 : i32
    "tpu.region"() ({
      %run_scoped3A = tpu.sem_alloc : memref<!tpu.dma_semaphore, #tpu.memory_space<semaphore_mem>>
      %dma_start3A = arith.constant 0 : i32
      %dma_start3A_12 = tpu.memref_slice %arg8[%mul3A_0, %dma_start3A] : memref<10240x128xf32, #tpu.memory_space<vmem_shared>> -> memref<640x128xf32, #tpu.memory_space<vmem_shared>>
      %dma_start3A_13 = arith.constant 0 : i32
      %dma_start3A_14 = tpu.memref_slice %arg4[%mul3A_0, %dma_start3A_13] : memref<10240x128xf32, #tpu.memory_space<hbm>> -> memref<640x128xf32, #tpu.memory_space<hbm>>
      tpu.enqueue_dma source(%dma_start3A_14 : memref<640x128xf32, #tpu.memory_space<hbm>>) target(%dma_start3A_12 : memref<640x128xf32, #tpu.memory_space<vmem_shared>>) target_semaphore(%run_scoped3A : memref<!tpu.dma_semaphore, #tpu.memory_space<semaphore_mem>>)
      %dma_wait3A = arith.constant 0 : i32
      %dma_wait3A_15 = tpu.memref_slice %arg8[%mul3A_0, %dma_wait3A] : memref<10240x128xf32, #tpu.memory_space<vmem_shared>> -> memref<640x128xf32, #tpu.memory_space<vmem_shared>>
      %dma_wait3A_16 = arith.constant 0 : i32
      %dma_wait3A_17 = tpu.memref_slice %arg4[%mul3A_0, %dma_wait3A_16] : memref<10240x128xf32, #tpu.memory_space<hbm>> -> memref<640x128xf32, #tpu.memory_space<hbm>>
      tpu.wait_dma2 semaphore(%run_scoped3A : memref<!tpu.dma_semaphore, #tpu.memory_space<semaphore_mem>>) src(%dma_wait3A_17 : memref<640x128xf32, #tpu.memory_space<hbm>>) dst(%dma_wait3A_15 : memref<640x128xf32, #tpu.memory_space<vmem_shared>>)
      tpu.yield
    }) : () -> ()
    "tpu.region"() ({
      %run_scoped3A = tpu.sem_alloc : memref<!tpu.dma_semaphore, #tpu.memory_space<semaphore_mem>>
      %dma_start3A = arith.constant 0 : i32
      %dma_start3A_12 = arith.constant 0 : i32
      %dma_start3A_13 = arith.constant 0 : i32
      %dma_start3A_14 = tpu.memref_slice %arg3[%arg1, %dma_start3A, %dma_start3A_12, %dma_start3A_13] : memref<16x16x5x128xi32, #tpu.memory_space<hbm>> -> memref<1x16x5x128xi32, #tpu.memory_space<hbm>>
      %dma_start3A_15 = tpu.memref_squeeze %dma_start3A_14 : memref<1x16x5x128xi32, #tpu.memory_space<hbm>> -> memref<16x5x128xi32, #tpu.memory_space<hbm>>
      %dma_start3A_16 = arith.constant 0 : i32
      %dma_start3A_17 = arith.constant 0 : i32
      %dma_start3A_18 = arith.constant 0 : i32
      %dma_start3A_19 = tpu.memref_slice %arg3[%arg1, %dma_start3A_16, %dma_start3A_17, %dma_start3A_18] : memref<16x16x5x128xi32, #tpu.memory_space<hbm>> -> memref<1x16x5x128xi32, #tpu.memory_space<hbm>>
      %dma_start3A_20 = tpu.memref_squeeze %dma_start3A_19 : memref<1x16x5x128xi32, #tpu.memory_space<hbm>> -> memref<16x5x128xi32, #tpu.memory_space<hbm>>
      tpu.enqueue_dma source(%dma_start3A_20 : memref<16x5x128xi32, #tpu.memory_space<hbm>>) target(%arg7 : memref<16x5x128xi32, #tpu.memory_space<vmem>>) target_semaphore(%run_scoped3A : memref<!tpu.dma_semaphore, #tpu.memory_space<semaphore_mem>>)
      %dma_wait3A = arith.constant 0 : i32
      %dma_wait3A_21 = arith.constant 0 : i32
      %dma_wait3A_22 = arith.constant 0 : i32
      %dma_wait3A_23 = tpu.memref_slice %arg3[%arg1, %dma_wait3A, %dma_wait3A_21, %dma_wait3A_22] : memref<16x16x5x128xi32, #tpu.memory_space<hbm>> -> memref<1x16x5x128xi32, #tpu.memory_space<hbm>>
      %dma_wait3A_24 = tpu.memref_squeeze %dma_wait3A_23 : memref<1x16x5x128xi32, #tpu.memory_space<hbm>> -> memref<16x5x128xi32, #tpu.memory_space<hbm>>
      %dma_wait3A_25 = arith.constant 0 : i32
      %dma_wait3A_26 = arith.constant 0 : i32
      %dma_wait3A_27 = arith.constant 0 : i32
      %dma_wait3A_28 = tpu.memref_slice %arg3[%arg1, %dma_wait3A_25, %dma_wait3A_26, %dma_wait3A_27] : memref<16x16x5x128xi32, #tpu.memory_space<hbm>> -> memref<1x16x5x128xi32, #tpu.memory_space<hbm>>
      %dma_wait3A_29 = tpu.memref_squeeze %dma_wait3A_28 : memref<1x16x5x128xi32, #tpu.memory_space<hbm>> -> memref<16x5x128xi32, #tpu.memory_space<hbm>>
      tpu.wait_dma2 semaphore(%run_scoped3A : memref<!tpu.dma_semaphore, #tpu.memory_space<semaphore_mem>>) src(%dma_wait3A_29 : memref<16x5x128xi32, #tpu.memory_space<hbm>>) dst(%arg7 : memref<16x5x128xi32, #tpu.memory_space<vmem>>)
      tpu.yield
    }) : () -> ()
    %barrier3A = arith.constant 0 : index
    tpu.barrier barrier_id(%barrier3A)
    %scan3A = arith.constant 0 : i32
    %scan3A_1 = arith.constant 0 : i32
    %scan3A_2 = arith.constant 5 : i32
    %scan3A_3 = arith.addi %scan3A_1, %scan3A_2 : i32
    %scan3A_4 = arith.constant 1 : i32
    %scan3A_5 = scf.for %scan3A_12 = %scan3A_1 to %scan3A_3 step %scan3A_4 iter_args(%scan3A_13 = %scan3A) -> (i32)  : i32 {
      %mul3A_14 = arith.constant 10240 : i32
      %mul3A_15 = arith.muli %mul3A_14, %arg0 : i32
      %mul3A_16 = arith.constant 640 : i32
      %mul3A_17 = arith.muli %mul3A_16, %arg1 : i32
      %add3A_18 = arith.addi %mul3A_15, %mul3A_17 : i32
      %mul3A_19 = arith.constant 128 : i32
      %mul3A_20 = arith.muli %mul3A_19, %scan3A_12 : i32
      %add3A_21 = arith.addi %add3A_18, %mul3A_20 : i32
      "tpu.region"() ({
        %run_scoped3A = tpu.sem_alloc : memref<!tpu.dma_semaphore, #tpu.memory_space<semaphore_mem>>
        %dma_start3A = arith.constant 0 : i32
        %dma_start3A_30 = tpu.memref_slice %arg2[%add3A_21, %dma_start3A] : memref<20480x128xf32, #tpu.memory_space<hbm>> -> memref<128x128xf32, #tpu.memory_space<hbm>>
        %dma_start3A_31 = arith.constant 0 : i32
        %dma_start3A_32 = tpu.memref_slice %arg2[%add3A_21, %dma_start3A_31] : memref<20480x128xf32, #tpu.memory_space<hbm>> -> memref<128x128xf32, #tpu.memory_space<hbm>>
        tpu.enqueue_dma source(%dma_start3A_32 : memref<128x128xf32, #tpu.memory_space<hbm>>) target(%arg6 : memref<128x128xf32, #tpu.memory_space<vmem>>) target_semaphore(%run_scoped3A : memref<!tpu.dma_semaphore, #tpu.memory_space<semaphore_mem>>)
        %dma_wait3A = arith.constant 0 : i32
        %dma_wait3A_33 = tpu.memref_slice %arg2[%add3A_21, %dma_wait3A] : memref<20480x128xf32, #tpu.memory_space<hbm>> -> memref<128x128xf32, #tpu.memory_space<hbm>>
        %dma_wait3A_34 = arith.constant 0 : i32
        %dma_wait3A_35 = tpu.memref_slice %arg2[%add3A_21, %dma_wait3A_34] : memref<20480x128xf32, #tpu.memory_space<hbm>> -> memref<128x128xf32, #tpu.memory_space<hbm>>
        tpu.wait_dma2 semaphore(%run_scoped3A : memref<!tpu.dma_semaphore, #tpu.memory_space<semaphore_mem>>) src(%dma_wait3A_35 : memref<128x128xf32, #tpu.memory_space<hbm>>) dst(%arg6 : memref<128x128xf32, #tpu.memory_space<vmem>>)
        tpu.yield
      }) : () -> ()
      %scan3A_22 = arith.constant 0 : i32
      %scan3A_23 = arith.constant 0 : i32
      %scan3A_24 = arith.constant 16 : i32
      %scan3A_25 = arith.addi %scan3A_23, %scan3A_24 : i32
      %scan3A_26 = arith.constant 1 : i32
      %scan3A_27 = scf.for %scan3A_30 = %scan3A_23 to %scan3A_25 step %scan3A_26 iter_args(%scan3A_31 = %scan3A_22) -> (i32)  : i32 {
        "tpu.region"() ({
          %run_scoped3A = tpu.sem_alloc : memref<!tpu.dma_semaphore, #tpu.memory_space<semaphore_mem>>
          %dma_start3A = arith.constant 0 : i32
          %dma_start3A_33 = tpu.memref_slice %arg7[%scan3A_30, %scan3A_12, %dma_start3A] : memref<16x5x128xi32, #tpu.memory_space<vmem>> -> memref<1x1x128xi32, #tpu.memory_space<vmem>>
          %dma_start3A_34 = tpu.memref_squeeze %dma_start3A_33 : memref<1x1x128xi32, #tpu.memory_space<vmem>> -> memref<128xi32, #tpu.memory_space<vmem>>
          %dma_start3A_35 = arith.constant 0 : i32
          %dma_start3A_36 = arith.constant 0 : i32
          %dma_start3A_37 = tpu.memref_slice %arg8[%dma_start3A_35, %dma_start3A_36] : memref<10240x128xf32, #tpu.memory_space<vmem_shared>> -> memref<10240x128xf32, #tpu.memory_space<vmem_shared>>
          tpu.enqueue_indirect_dma source(%arg6 : memref<128x128xf32, #tpu.memory_space<vmem>>) target(%dma_start3A_37 : memref<10240x128xf32, #tpu.memory_space<vmem_shared>>) offsets(%dma_start3A_34 : memref<128xi32, #tpu.memory_space<vmem>>) semaphore(%run_scoped3A : memref<!tpu.dma_semaphore, #tpu.memory_space<semaphore_mem>>) {add = true}
          %dma_wait3A = arith.constant 0 : i32
          %dma_wait3A_38 = tpu.memref_slice %arg7[%scan3A_30, %scan3A_12, %dma_wait3A] : memref<16x5x128xi32, #tpu.memory_space<vmem>> -> memref<1x1x128xi32, #tpu.memory_space<vmem>>
          %dma_wait3A_39 = tpu.memref_squeeze %dma_wait3A_38 : memref<1x1x128xi32, #tpu.memory_space<vmem>> -> memref<128xi32, #tpu.memory_space<vmem>>
          %dma_wait3A_40 = arith.constant 0 : i32
          %dma_wait3A_41 = arith.constant 0 : i32
          %dma_wait3A_42 = tpu.memref_slice %arg8[%dma_wait3A_40, %dma_wait3A_41] : memref<10240x128xf32, #tpu.memory_space<vmem_shared>> -> memref<10240x128xf32, #tpu.memory_space<vmem_shared>>
          tpu.wait_indirect_dma semaphore(%run_scoped3A : memref<!tpu.dma_semaphore, #tpu.memory_space<semaphore_mem>>) src(%arg6 : memref<128x128xf32, #tpu.memory_space<vmem>>) dst(%dma_wait3A_42 : memref<10240x128xf32, #tpu.memory_space<vmem_shared>>)
          tpu.yield
        }) : () -> ()
        %scan3A_32 = arith.constant 0 : i32
        scf.yield %scan3A_32 : i32
      }
      %scan3A_28 = arith.constant 16 : i32
      %scan3A_29 = arith.constant 0 : i32
      scf.yield %scan3A_29 : i32
    }
    %scan3A_6 = arith.constant 5 : i32
    %barrier3A_7 = arith.constant 0 : index
    tpu.barrier barrier_id(%barrier3A_7)
    %mul3A_8 = arith.constant 10240 : i32
    %mul3A_9 = arith.muli %mul3A_8, %arg0 : i32
    %mul3A_10 = arith.constant 640 : i32
    %mul3A_11 = arith.muli %mul3A_10, %arg1 : i32
    %add3A = arith.addi %mul3A_9, %mul3A_11 : i32
    "tpu.region"() ({
      %run_scoped3A = tpu.sem_alloc : memref<!tpu.dma_semaphore, #tpu.memory_space<semaphore_mem>>
      %dma_start3A = arith.constant 0 : i32
      %dma_start3A_12 = tpu.memref_slice %arg5[%add3A, %dma_start3A] : memref<20480x128xf32, #tpu.memory_space<hbm>> -> memref<640x128xf32, #tpu.memory_space<hbm>>
      %dma_start3A_13 = arith.constant 0 : i32
      %dma_start3A_14 = tpu.memref_slice %arg8[%mul3A_0, %dma_start3A_13] : memref<10240x128xf32, #tpu.memory_space<vmem_shared>> -> memref<640x128xf32, #tpu.memory_space<vmem_shared>>
      tpu.enqueue_dma source(%dma_start3A_14 : memref<640x128xf32, #tpu.memory_space<vmem_shared>>) target(%dma_start3A_12 : memref<640x128xf32, #tpu.memory_space<hbm>>) target_semaphore(%run_scoped3A : memref<!tpu.dma_semaphore, #tpu.memory_space<semaphore_mem>>)
      %dma_wait3A = arith.constant 0 : i32
      %dma_wait3A_15 = tpu.memref_slice %arg5[%add3A, %dma_wait3A] : memref<20480x128xf32, #tpu.memory_space<hbm>> -> memref<640x128xf32, #tpu.memory_space<hbm>>
      %dma_wait3A_16 = arith.constant 0 : i32
      %dma_wait3A_17 = tpu.memref_slice %arg8[%mul3A_0, %dma_wait3A_16] : memref<10240x128xf32, #tpu.memory_space<vmem_shared>> -> memref<640x128xf32, #tpu.memory_space<vmem_shared>>
      tpu.wait_dma2 semaphore(%run_scoped3A : memref<!tpu.dma_semaphore, #tpu.memory_space<semaphore_mem>>) src(%dma_wait3A_17 : memref<640x128xf32, #tpu.memory_space<vmem_shared>>) dst(%dma_wait3A_15 : memref<640x128xf32, #tpu.memory_space<hbm>>)
      tpu.yield
    }) : () -> ()
    return
  }
}

#map = affine_map<(d0, d1) -> (0, 0)>
#map1 = affine_map<(d0, d1) -> (0, 0, 0, 0)>
module attributes {stable_mosaic.version = 14 : i64} {
  func.func @_sc_scatter_body(%arg0: i32, %arg1: i32, %arg2: memref<20480x128xf32, #tpu.memory_space<hbm>>, %arg3: memref<16x16x5x128xi32, #tpu.memory_space<hbm>>, %arg4: memref<10240x128xf32, #tpu.memory_space<hbm>>, %arg5: memref<20480x128xf32, #tpu.memory_space<hbm>>, %arg6: memref<128x128xf32, #tpu.memory_space<vmem>>, %arg7: memref<16x5x128xi32, #tpu.memory_space<vmem>>, %arg8: memref<10240x128xf32, #tpu.memory_space<vmem_shared>>) attributes {dimension_semantics = [#tpu.dimension_semantics<core_parallel>, #tpu.dimension_semantics<subcore_parallel>], iteration_bounds = array<i64: 2, 16>, scalar_prefetch = 0 : i64, scratch_operands = 3 : i64, tpu.core_type = #tpu.core_type<sc_vector_subcore>, window_params = [{transform_indices = #map}, {transform_indices = #map1}, {transform_indices = #map}, {transform_indices = #map}]} {
    %mul3A = arith.constant 640 : i32
    %mul3A_0 = arith.muli %mul3A, %arg1 : i32
    "tpu.region"() ({
      %run_scoped3A = tpu.sem_alloc : memref<!tpu.dma_semaphore, #tpu.memory_space<semaphore_mem>>
      %dma_start3A = arith.constant 0 : i32
      %dma_start3A_12 = tpu.memref_slice %arg8[%mul3A_0, %dma_start3A] : memref<10240x128xf32, #tpu.memory_space<vmem_shared>> -> memref<640x128xf32, #tpu.memory_space<vmem_shared>>
      %dma_start3A_13 = arith.constant 0 : i32
      %dma_start3A_14 = tpu.memref_slice %arg4[%mul3A_0, %dma_start3A_13] : memref<10240x128xf32, #tpu.memory_space<hbm>> -> memref<640x128xf32, #tpu.memory_space<hbm>>
      tpu.enqueue_dma source(%dma_start3A_14 : memref<640x128xf32, #tpu.memory_space<hbm>>) target(%dma_start3A_12 : memref<640x128xf32, #tpu.memory_space<vmem_shared>>) target_semaphore(%run_scoped3A : memref<!tpu.dma_semaphore, #tpu.memory_space<semaphore_mem>>)
      %dma_wait3A = arith.constant 0 : i32
      %dma_wait3A_15 = tpu.memref_slice %arg8[%mul3A_0, %dma_wait3A] : memref<10240x128xf32, #tpu.memory_space<vmem_shared>> -> memref<640x128xf32, #tpu.memory_space<vmem_shared>>
      %dma_wait3A_16 = arith.constant 0 : i32
      %dma_wait3A_17 = tpu.memref_slice %arg4[%mul3A_0, %dma_wait3A_16] : memref<10240x128xf32, #tpu.memory_space<hbm>> -> memref<640x128xf32, #tpu.memory_space<hbm>>
      tpu.wait_dma2 semaphore(%run_scoped3A : memref<!tpu.dma_semaphore, #tpu.memory_space<semaphore_mem>>) src(%dma_wait3A_17 : memref<640x128xf32, #tpu.memory_space<hbm>>) dst(%dma_wait3A_15 : memref<640x128xf32, #tpu.memory_space<vmem_shared>>)
      tpu.yield
    }) : () -> ()
    "tpu.region"() ({
      %run_scoped3A = tpu.sem_alloc : memref<!tpu.dma_semaphore, #tpu.memory_space<semaphore_mem>>
      %dma_start3A = arith.constant 0 : i32
      %dma_start3A_12 = arith.constant 0 : i32
      %dma_start3A_13 = arith.constant 0 : i32
      %dma_start3A_14 = tpu.memref_slice %arg3[%arg1, %dma_start3A, %dma_start3A_12, %dma_start3A_13] : memref<16x16x5x128xi32, #tpu.memory_space<hbm>> -> memref<1x16x5x128xi32, #tpu.memory_space<hbm>>
      %dma_start3A_15 = tpu.memref_squeeze %dma_start3A_14 : memref<1x16x5x128xi32, #tpu.memory_space<hbm>> -> memref<16x5x128xi32, #tpu.memory_space<hbm>>
      %dma_start3A_16 = arith.constant 0 : i32
      %dma_start3A_17 = arith.constant 0 : i32
      %dma_start3A_18 = arith.constant 0 : i32
      %dma_start3A_19 = tpu.memref_slice %arg3[%arg1, %dma_start3A_16, %dma_start3A_17, %dma_start3A_18] : memref<16x16x5x128xi32, #tpu.memory_space<hbm>> -> memref<1x16x5x128xi32, #tpu.memory_space<hbm>>
      %dma_start3A_20 = tpu.memref_squeeze %dma_start3A_19 : memref<1x16x5x128xi32, #tpu.memory_space<hbm>> -> memref<16x5x128xi32, #tpu.memory_space<hbm>>
      tpu.enqueue_dma source(%dma_start3A_20 : memref<16x5x128xi32, #tpu.memory_space<hbm>>) target(%arg7 : memref<16x5x128xi32, #tpu.memory_space<vmem>>) target_semaphore(%run_scoped3A : memref<!tpu.dma_semaphore, #tpu.memory_space<semaphore_mem>>)
      %dma_wait3A = arith.constant 0 : i32
      %dma_wait3A_21 = arith.constant 0 : i32
      %dma_wait3A_22 = arith.constant 0 : i32
      %dma_wait3A_23 = tpu.memref_slice %arg3[%arg1, %dma_wait3A, %dma_wait3A_21, %dma_wait3A_22] : memref<16x16x5x128xi32, #tpu.memory_space<hbm>> -> memref<1x16x5x128xi32, #tpu.memory_space<hbm>>
      %dma_wait3A_24 = tpu.memref_squeeze %dma_wait3A_23 : memref<1x16x5x128xi32, #tpu.memory_space<hbm>> -> memref<16x5x128xi32, #tpu.memory_space<hbm>>
      %dma_wait3A_25 = arith.constant 0 : i32
      %dma_wait3A_26 = arith.constant 0 : i32
      %dma_wait3A_27 = arith.constant 0 : i32
      %dma_wait3A_28 = tpu.memref_slice %arg3[%arg1, %dma_wait3A_25, %dma_wait3A_26, %dma_wait3A_27] : memref<16x16x5x128xi32, #tpu.memory_space<hbm>> -> memref<1x16x5x128xi32, #tpu.memory_space<hbm>>
      %dma_wait3A_29 = tpu.memref_squeeze %dma_wait3A_28 : memref<1x16x5x128xi32, #tpu.memory_space<hbm>> -> memref<16x5x128xi32, #tpu.memory_space<hbm>>
      tpu.wait_dma2 semaphore(%run_scoped3A : memref<!tpu.dma_semaphore, #tpu.memory_space<semaphore_mem>>) src(%dma_wait3A_29 : memref<16x5x128xi32, #tpu.memory_space<hbm>>) dst(%arg7 : memref<16x5x128xi32, #tpu.memory_space<vmem>>)
      tpu.yield
    }) : () -> ()
    %barrier3A = arith.constant 0 : index
    tpu.barrier barrier_id(%barrier3A)
    %scan3A = arith.constant 0 : i32
    %scan3A_1 = arith.constant 0 : i32
    %scan3A_2 = arith.constant 5 : i32
    %scan3A_3 = arith.addi %scan3A_1, %scan3A_2 : i32
    %scan3A_4 = arith.constant 1 : i32
    %scan3A_5 = scf.for %scan3A_12 = %scan3A_1 to %scan3A_3 step %scan3A_4 iter_args(%scan3A_13 = %scan3A) -> (i32)  : i32 {
      %mul3A_14 = arith.constant 10240 : i32
      %mul3A_15 = arith.muli %mul3A_14, %arg0 : i32
      %mul3A_16 = arith.constant 640 : i32
      %mul3A_17 = arith.muli %mul3A_16, %arg1 : i32
      %add3A_18 = arith.addi %mul3A_15, %mul3A_17 : i32
      %mul3A_19 = arith.constant 128 : i32
      %mul3A_20 = arith.muli %mul3A_19, %scan3A_12 : i32
      %add3A_21 = arith.addi %add3A_18, %mul3A_20 : i32
      "tpu.region"() ({
        %run_scoped3A = tpu.sem_alloc : memref<!tpu.dma_semaphore, #tpu.memory_space<semaphore_mem>>
        %dma_start3A = arith.constant 0 : i32
        %dma_start3A_30 = tpu.memref_slice %arg2[%add3A_21, %dma_start3A] : memref<20480x128xf32, #tpu.memory_space<hbm>> -> memref<128x128xf32, #tpu.memory_space<hbm>>
        %dma_start3A_31 = arith.constant 0 : i32
        %dma_start3A_32 = tpu.memref_slice %arg2[%add3A_21, %dma_start3A_31] : memref<20480x128xf32, #tpu.memory_space<hbm>> -> memref<128x128xf32, #tpu.memory_space<hbm>>
        tpu.enqueue_dma source(%dma_start3A_32 : memref<128x128xf32, #tpu.memory_space<hbm>>) target(%arg6 : memref<128x128xf32, #tpu.memory_space<vmem>>) target_semaphore(%run_scoped3A : memref<!tpu.dma_semaphore, #tpu.memory_space<semaphore_mem>>)
        %dma_wait3A = arith.constant 0 : i32
        %dma_wait3A_33 = tpu.memref_slice %arg2[%add3A_21, %dma_wait3A] : memref<20480x128xf32, #tpu.memory_space<hbm>> -> memref<128x128xf32, #tpu.memory_space<hbm>>
        %dma_wait3A_34 = arith.constant 0 : i32
        %dma_wait3A_35 = tpu.memref_slice %arg2[%add3A_21, %dma_wait3A_34] : memref<20480x128xf32, #tpu.memory_space<hbm>> -> memref<128x128xf32, #tpu.memory_space<hbm>>
        tpu.wait_dma2 semaphore(%run_scoped3A : memref<!tpu.dma_semaphore, #tpu.memory_space<semaphore_mem>>) src(%dma_wait3A_35 : memref<128x128xf32, #tpu.memory_space<hbm>>) dst(%arg6 : memref<128x128xf32, #tpu.memory_space<vmem>>)
        tpu.yield
      }) : () -> ()
      %scan3A_22 = arith.constant 0 : i32
      %scan3A_23 = arith.constant 0 : i32
      %scan3A_24 = arith.constant 16 : i32
      %scan3A_25 = arith.addi %scan3A_23, %scan3A_24 : i32
      %scan3A_26 = arith.constant 1 : i32
      %scan3A_27 = scf.for %scan3A_30 = %scan3A_23 to %scan3A_25 step %scan3A_26 iter_args(%scan3A_31 = %scan3A_22) -> (i32)  : i32 {
        "tpu.region"() ({
          %run_scoped3A = tpu.sem_alloc : memref<!tpu.dma_semaphore, #tpu.memory_space<semaphore_mem>>
          %dma_start3A = arith.constant 0 : i32
          %dma_start3A_33 = tpu.memref_slice %arg7[%scan3A_30, %scan3A_12, %dma_start3A] : memref<16x5x128xi32, #tpu.memory_space<vmem>> -> memref<1x1x128xi32, #tpu.memory_space<vmem>>
          %dma_start3A_34 = tpu.memref_squeeze %dma_start3A_33 : memref<1x1x128xi32, #tpu.memory_space<vmem>> -> memref<128xi32, #tpu.memory_space<vmem>>
          %dma_start3A_35 = arith.constant 0 : i32
          %dma_start3A_36 = arith.constant 0 : i32
          %dma_start3A_37 = tpu.memref_slice %arg8[%dma_start3A_35, %dma_start3A_36] : memref<10240x128xf32, #tpu.memory_space<vmem_shared>> -> memref<10240x128xf32, #tpu.memory_space<vmem_shared>>
          tpu.enqueue_indirect_dma source(%arg6 : memref<128x128xf32, #tpu.memory_space<vmem>>) target(%dma_start3A_37 : memref<10240x128xf32, #tpu.memory_space<vmem_shared>>) offsets(%dma_start3A_34 : memref<128xi32, #tpu.memory_space<vmem>>) semaphore(%run_scoped3A : memref<!tpu.dma_semaphore, #tpu.memory_space<semaphore_mem>>) {add = true}
          %dma_wait3A = arith.constant 0 : i32
          %dma_wait3A_38 = tpu.memref_slice %arg7[%scan3A_30, %scan3A_12, %dma_wait3A] : memref<16x5x128xi32, #tpu.memory_space<vmem>> -> memref<1x1x128xi32, #tpu.memory_space<vmem>>
          %dma_wait3A_39 = tpu.memref_squeeze %dma_wait3A_38 : memref<1x1x128xi32, #tpu.memory_space<vmem>> -> memref<128xi32, #tpu.memory_space<vmem>>
          %dma_wait3A_40 = arith.constant 0 : i32
          %dma_wait3A_41 = arith.constant 0 : i32
          %dma_wait3A_42 = tpu.memref_slice %arg8[%dma_wait3A_40, %dma_wait3A_41] : memref<10240x128xf32, #tpu.memory_space<vmem_shared>> -> memref<10240x128xf32, #tpu.memory_space<vmem_shared>>
          tpu.wait_indirect_dma semaphore(%run_scoped3A : memref<!tpu.dma_semaphore, #tpu.memory_space<semaphore_mem>>) src(%arg6 : memref<128x128xf32, #tpu.memory_space<vmem>>) dst(%dma_wait3A_42 : memref<10240x128xf32, #tpu.memory_space<vmem_shared>>)
          tpu.yield
        }) : () -> ()
        %scan3A_32 = arith.constant 0 : i32
        scf.yield %scan3A_32 : i32
      }
      %scan3A_28 = arith.constant 16 : i32
      %scan3A_29 = arith.constant 0 : i32
      scf.yield %scan3A_29 : i32
    }
    %scan3A_6 = arith.constant 5 : i32
    %barrier3A_7 = arith.constant 0 : index
    tpu.barrier barrier_id(%barrier3A_7)
    %mul3A_8 = arith.constant 10240 : i32
    %mul3A_9 = arith.muli %mul3A_8, %arg0 : i32
    %mul3A_10 = arith.constant 640 : i32
    %mul3A_11 = arith.muli %mul3A_10, %arg1 : i32
    %add3A = arith.addi %mul3A_9, %mul3A_11 : i32
    "tpu.region"() ({
      %run_scoped3A = tpu.sem_alloc : memref<!tpu.dma_semaphore, #tpu.memory_space<semaphore_mem>>
      %dma_start3A = arith.constant 0 : i32
      %dma_start3A_12 = tpu.memref_slice %arg5[%add3A, %dma_start3A] : memref<20480x128xf32, #tpu.memory_space<hbm>> -> memref<640x128xf32, #tpu.memory_space<hbm>>
      %dma_start3A_13 = arith.constant 0 : i32
      %dma_start3A_14 = tpu.memref_slice %arg8[%mul3A_0, %dma_start3A_13] : memref<10240x128xf32, #tpu.memory_space<vmem_shared>> -> memref<640x128xf32, #tpu.memory_space<vmem_shared>>
      tpu.enqueue_dma source(%dma_start3A_14 : memref<640x128xf32, #tpu.memory_space<vmem_shared>>) target(%dma_start3A_12 : memref<640x128xf32, #tpu.memory_space<hbm>>) target_semaphore(%run_scoped3A : memref<!tpu.dma_semaphore, #tpu.memory_space<semaphore_mem>>)
      %dma_wait3A = arith.constant 0 : i32
      %dma_wait3A_15 = tpu.memref_slice %arg5[%add3A, %dma_wait3A] : memref<20480x128xf32, #tpu.memory_space<hbm>> -> memref<640x128xf32, #tpu.memory_space<hbm>>
      %dma_wait3A_16 = arith.constant 0 : i32
      %dma_wait3A_17 = tpu.memref_slice %arg8[%mul3A_0, %dma_wait3A_16] : memref<10240x128xf32, #tpu.memory_space<vmem_shared>> -> memref<640x128xf32, #tpu.memory_space<vmem_shared>>
      tpu.wait_dma2 semaphore(%run_scoped3A : memref<!tpu.dma_semaphore, #tpu.memory_space<semaphore_mem>>) src(%dma_wait3A_17 : memref<640x128xf32, #tpu.memory_space<vmem_shared>>) dst(%dma_wait3A_15 : memref<640x128xf32, #tpu.memory_space<hbm>>)
      tpu.yield
    }) : () -> ()
    return
  }
}

#map = affine_map<(d0, d1) -> (0, 0)>
#map1 = affine_map<(d0, d1) -> (0, 0, 0, 0)>
module attributes {stable_mosaic.version = 14 : i64} {
  func.func @_sc_scatter_body(%arg0: i32, %arg1: i32, %arg2: memref<20480x128xf32, #tpu.memory_space<hbm>>, %arg3: memref<16x16x5x128xi32, #tpu.memory_space<hbm>>, %arg4: memref<10240x128xf32, #tpu.memory_space<hbm>>, %arg5: memref<20480x128xf32, #tpu.memory_space<hbm>>, %arg6: memref<128x128xf32, #tpu.memory_space<vmem>>, %arg7: memref<16x5x128xi32, #tpu.memory_space<vmem>>, %arg8: memref<10240x128xf32, #tpu.memory_space<vmem_shared>>) attributes {dimension_semantics = [#tpu.dimension_semantics<core_parallel>, #tpu.dimension_semantics<subcore_parallel>], iteration_bounds = array<i64: 2, 16>, scalar_prefetch = 0 : i64, scratch_operands = 3 : i64, tpu.core_type = #tpu.core_type<sc_vector_subcore>, window_params = [{transform_indices = #map}, {transform_indices = #map1}, {transform_indices = #map}, {transform_indices = #map}]} {
    %mul3A = arith.constant 640 : i32
    %mul3A_0 = arith.muli %mul3A, %arg1 : i32
    "tpu.region"() ({
      %run_scoped3A = tpu.sem_alloc : memref<!tpu.dma_semaphore, #tpu.memory_space<semaphore_mem>>
      %dma_start3A = arith.constant 0 : i32
      %dma_start3A_12 = tpu.memref_slice %arg8[%mul3A_0, %dma_start3A] : memref<10240x128xf32, #tpu.memory_space<vmem_shared>> -> memref<640x128xf32, #tpu.memory_space<vmem_shared>>
      %dma_start3A_13 = arith.constant 0 : i32
      %dma_start3A_14 = tpu.memref_slice %arg4[%mul3A_0, %dma_start3A_13] : memref<10240x128xf32, #tpu.memory_space<hbm>> -> memref<640x128xf32, #tpu.memory_space<hbm>>
      tpu.enqueue_dma source(%dma_start3A_14 : memref<640x128xf32, #tpu.memory_space<hbm>>) target(%dma_start3A_12 : memref<640x128xf32, #tpu.memory_space<vmem_shared>>) target_semaphore(%run_scoped3A : memref<!tpu.dma_semaphore, #tpu.memory_space<semaphore_mem>>)
      %dma_wait3A = arith.constant 0 : i32
      %dma_wait3A_15 = tpu.memref_slice %arg8[%mul3A_0, %dma_wait3A] : memref<10240x128xf32, #tpu.memory_space<vmem_shared>> -> memref<640x128xf32, #tpu.memory_space<vmem_shared>>
      %dma_wait3A_16 = arith.constant 0 : i32
      %dma_wait3A_17 = tpu.memref_slice %arg4[%mul3A_0, %dma_wait3A_16] : memref<10240x128xf32, #tpu.memory_space<hbm>> -> memref<640x128xf32, #tpu.memory_space<hbm>>
      tpu.wait_dma2 semaphore(%run_scoped3A : memref<!tpu.dma_semaphore, #tpu.memory_space<semaphore_mem>>) src(%dma_wait3A_17 : memref<640x128xf32, #tpu.memory_space<hbm>>) dst(%dma_wait3A_15 : memref<640x128xf32, #tpu.memory_space<vmem_shared>>)
      tpu.yield
    }) : () -> ()
    "tpu.region"() ({
      %run_scoped3A = tpu.sem_alloc : memref<!tpu.dma_semaphore, #tpu.memory_space<semaphore_mem>>
      %dma_start3A = arith.constant 0 : i32
      %dma_start3A_12 = arith.constant 0 : i32
      %dma_start3A_13 = arith.constant 0 : i32
      %dma_start3A_14 = tpu.memref_slice %arg3[%arg1, %dma_start3A, %dma_start3A_12, %dma_start3A_13] : memref<16x16x5x128xi32, #tpu.memory_space<hbm>> -> memref<1x16x5x128xi32, #tpu.memory_space<hbm>>
      %dma_start3A_15 = tpu.memref_squeeze %dma_start3A_14 : memref<1x16x5x128xi32, #tpu.memory_space<hbm>> -> memref<16x5x128xi32, #tpu.memory_space<hbm>>
      %dma_start3A_16 = arith.constant 0 : i32
      %dma_start3A_17 = arith.constant 0 : i32
      %dma_start3A_18 = arith.constant 0 : i32
      %dma_start3A_19 = tpu.memref_slice %arg3[%arg1, %dma_start3A_16, %dma_start3A_17, %dma_start3A_18] : memref<16x16x5x128xi32, #tpu.memory_space<hbm>> -> memref<1x16x5x128xi32, #tpu.memory_space<hbm>>
      %dma_start3A_20 = tpu.memref_squeeze %dma_start3A_19 : memref<1x16x5x128xi32, #tpu.memory_space<hbm>> -> memref<16x5x128xi32, #tpu.memory_space<hbm>>
      tpu.enqueue_dma source(%dma_start3A_20 : memref<16x5x128xi32, #tpu.memory_space<hbm>>) target(%arg7 : memref<16x5x128xi32, #tpu.memory_space<vmem>>) target_semaphore(%run_scoped3A : memref<!tpu.dma_semaphore, #tpu.memory_space<semaphore_mem>>)
      %dma_wait3A = arith.constant 0 : i32
      %dma_wait3A_21 = arith.constant 0 : i32
      %dma_wait3A_22 = arith.constant 0 : i32
      %dma_wait3A_23 = tpu.memref_slice %arg3[%arg1, %dma_wait3A, %dma_wait3A_21, %dma_wait3A_22] : memref<16x16x5x128xi32, #tpu.memory_space<hbm>> -> memref<1x16x5x128xi32, #tpu.memory_space<hbm>>
      %dma_wait3A_24 = tpu.memref_squeeze %dma_wait3A_23 : memref<1x16x5x128xi32, #tpu.memory_space<hbm>> -> memref<16x5x128xi32, #tpu.memory_space<hbm>>
      %dma_wait3A_25 = arith.constant 0 : i32
      %dma_wait3A_26 = arith.constant 0 : i32
      %dma_wait3A_27 = arith.constant 0 : i32
      %dma_wait3A_28 = tpu.memref_slice %arg3[%arg1, %dma_wait3A_25, %dma_wait3A_26, %dma_wait3A_27] : memref<16x16x5x128xi32, #tpu.memory_space<hbm>> -> memref<1x16x5x128xi32, #tpu.memory_space<hbm>>
      %dma_wait3A_29 = tpu.memref_squeeze %dma_wait3A_28 : memref<1x16x5x128xi32, #tpu.memory_space<hbm>> -> memref<16x5x128xi32, #tpu.memory_space<hbm>>
      tpu.wait_dma2 semaphore(%run_scoped3A : memref<!tpu.dma_semaphore, #tpu.memory_space<semaphore_mem>>) src(%dma_wait3A_29 : memref<16x5x128xi32, #tpu.memory_space<hbm>>) dst(%arg7 : memref<16x5x128xi32, #tpu.memory_space<vmem>>)
      tpu.yield
    }) : () -> ()
    %barrier3A = arith.constant 0 : index
    tpu.barrier barrier_id(%barrier3A)
    %scan3A = arith.constant 0 : i32
    %scan3A_1 = arith.constant 0 : i32
    %scan3A_2 = arith.constant 5 : i32
    %scan3A_3 = arith.addi %scan3A_1, %scan3A_2 : i32
    %scan3A_4 = arith.constant 1 : i32
    %scan3A_5 = scf.for %scan3A_12 = %scan3A_1 to %scan3A_3 step %scan3A_4 iter_args(%scan3A_13 = %scan3A) -> (i32)  : i32 {
      %mul3A_14 = arith.constant 10240 : i32
      %mul3A_15 = arith.muli %mul3A_14, %arg0 : i32
      %mul3A_16 = arith.constant 640 : i32
      %mul3A_17 = arith.muli %mul3A_16, %arg1 : i32
      %add3A_18 = arith.addi %mul3A_15, %mul3A_17 : i32
      %mul3A_19 = arith.constant 128 : i32
      %mul3A_20 = arith.muli %mul3A_19, %scan3A_12 : i32
      %add3A_21 = arith.addi %add3A_18, %mul3A_20 : i32
      "tpu.region"() ({
        %run_scoped3A = tpu.sem_alloc : memref<!tpu.dma_semaphore, #tpu.memory_space<semaphore_mem>>
        %dma_start3A = arith.constant 0 : i32
        %dma_start3A_30 = tpu.memref_slice %arg2[%add3A_21, %dma_start3A] : memref<20480x128xf32, #tpu.memory_space<hbm>> -> memref<128x128xf32, #tpu.memory_space<hbm>>
        %dma_start3A_31 = arith.constant 0 : i32
        %dma_start3A_32 = tpu.memref_slice %arg2[%add3A_21, %dma_start3A_31] : memref<20480x128xf32, #tpu.memory_space<hbm>> -> memref<128x128xf32, #tpu.memory_space<hbm>>
        tpu.enqueue_dma source(%dma_start3A_32 : memref<128x128xf32, #tpu.memory_space<hbm>>) target(%arg6 : memref<128x128xf32, #tpu.memory_space<vmem>>) target_semaphore(%run_scoped3A : memref<!tpu.dma_semaphore, #tpu.memory_space<semaphore_mem>>)
        %dma_wait3A = arith.constant 0 : i32
        %dma_wait3A_33 = tpu.memref_slice %arg2[%add3A_21, %dma_wait3A] : memref<20480x128xf32, #tpu.memory_space<hbm>> -> memref<128x128xf32, #tpu.memory_space<hbm>>
        %dma_wait3A_34 = arith.constant 0 : i32
        %dma_wait3A_35 = tpu.memref_slice %arg2[%add3A_21, %dma_wait3A_34] : memref<20480x128xf32, #tpu.memory_space<hbm>> -> memref<128x128xf32, #tpu.memory_space<hbm>>
        tpu.wait_dma2 semaphore(%run_scoped3A : memref<!tpu.dma_semaphore, #tpu.memory_space<semaphore_mem>>) src(%dma_wait3A_35 : memref<128x128xf32, #tpu.memory_space<hbm>>) dst(%arg6 : memref<128x128xf32, #tpu.memory_space<vmem>>)
        tpu.yield
      }) : () -> ()
      %scan3A_22 = arith.constant 0 : i32
      %scan3A_23 = arith.constant 0 : i32
      %scan3A_24 = arith.constant 16 : i32
      %scan3A_25 = arith.addi %scan3A_23, %scan3A_24 : i32
      %scan3A_26 = arith.constant 1 : i32
      %scan3A_27 = scf.for %scan3A_30 = %scan3A_23 to %scan3A_25 step %scan3A_26 iter_args(%scan3A_31 = %scan3A_22) -> (i32)  : i32 {
        "tpu.region"() ({
          %run_scoped3A = tpu.sem_alloc : memref<!tpu.dma_semaphore, #tpu.memory_space<semaphore_mem>>
          %dma_start3A = arith.constant 0 : i32
          %dma_start3A_33 = tpu.memref_slice %arg7[%scan3A_30, %scan3A_12, %dma_start3A] : memref<16x5x128xi32, #tpu.memory_space<vmem>> -> memref<1x1x128xi32, #tpu.memory_space<vmem>>
          %dma_start3A_34 = tpu.memref_squeeze %dma_start3A_33 : memref<1x1x128xi32, #tpu.memory_space<vmem>> -> memref<128xi32, #tpu.memory_space<vmem>>
          %dma_start3A_35 = arith.constant 0 : i32
          %dma_start3A_36 = arith.constant 0 : i32
          %dma_start3A_37 = tpu.memref_slice %arg8[%dma_start3A_35, %dma_start3A_36] : memref<10240x128xf32, #tpu.memory_space<vmem_shared>> -> memref<10240x128xf32, #tpu.memory_space<vmem_shared>>
          tpu.enqueue_indirect_dma source(%arg6 : memref<128x128xf32, #tpu.memory_space<vmem>>) target(%dma_start3A_37 : memref<10240x128xf32, #tpu.memory_space<vmem_shared>>) offsets(%dma_start3A_34 : memref<128xi32, #tpu.memory_space<vmem>>) semaphore(%run_scoped3A : memref<!tpu.dma_semaphore, #tpu.memory_space<semaphore_mem>>) {add = true}
          %dma_wait3A = arith.constant 0 : i32
          %dma_wait3A_38 = tpu.memref_slice %arg7[%scan3A_30, %scan3A_12, %dma_wait3A] : memref<16x5x128xi32, #tpu.memory_space<vmem>> -> memref<1x1x128xi32, #tpu.memory_space<vmem>>
          %dma_wait3A_39 = tpu.memref_squeeze %dma_wait3A_38 : memref<1x1x128xi32, #tpu.memory_space<vmem>> -> memref<128xi32, #tpu.memory_space<vmem>>
          %dma_wait3A_40 = arith.constant 0 : i32
          %dma_wait3A_41 = arith.constant 0 : i32
          %dma_wait3A_42 = tpu.memref_slice %arg8[%dma_wait3A_40, %dma_wait3A_41] : memref<10240x128xf32, #tpu.memory_space<vmem_shared>> -> memref<10240x128xf32, #tpu.memory_space<vmem_shared>>
          tpu.wait_indirect_dma semaphore(%run_scoped3A : memref<!tpu.dma_semaphore, #tpu.memory_space<semaphore_mem>>) src(%arg6 : memref<128x128xf32, #tpu.memory_space<vmem>>) dst(%dma_wait3A_42 : memref<10240x128xf32, #tpu.memory_space<vmem_shared>>)
          tpu.yield
        }) : () -> ()
        %scan3A_32 = arith.constant 0 : i32
        scf.yield %scan3A_32 : i32
      }
      %scan3A_28 = arith.constant 16 : i32
      %scan3A_29 = arith.constant 0 : i32
      scf.yield %scan3A_29 : i32
    }
    %scan3A_6 = arith.constant 5 : i32
    %barrier3A_7 = arith.constant 0 : index
    tpu.barrier barrier_id(%barrier3A_7)
    %mul3A_8 = arith.constant 10240 : i32
    %mul3A_9 = arith.muli %mul3A_8, %arg0 : i32
    %mul3A_10 = arith.constant 640 : i32
    %mul3A_11 = arith.muli %mul3A_10, %arg1 : i32
    %add3A = arith.addi %mul3A_9, %mul3A_11 : i32
    "tpu.region"() ({
      %run_scoped3A = tpu.sem_alloc : memref<!tpu.dma_semaphore, #tpu.memory_space<semaphore_mem>>
      %dma_start3A = arith.constant 0 : i32
      %dma_start3A_12 = tpu.memref_slice %arg5[%add3A, %dma_start3A] : memref<20480x128xf32, #tpu.memory_space<hbm>> -> memref<640x128xf32, #tpu.memory_space<hbm>>
      %dma_start3A_13 = arith.constant 0 : i32
      %dma_start3A_14 = tpu.memref_slice %arg8[%mul3A_0, %dma_start3A_13] : memref<10240x128xf32, #tpu.memory_space<vmem_shared>> -> memref<640x128xf32, #tpu.memory_space<vmem_shared>>
      tpu.enqueue_dma source(%dma_start3A_14 : memref<640x128xf32, #tpu.memory_space<vmem_shared>>) target(%dma_start3A_12 : memref<640x128xf32, #tpu.memory_space<hbm>>) target_semaphore(%run_scoped3A : memref<!tpu.dma_semaphore, #tpu.memory_space<semaphore_mem>>)
      %dma_wait3A = arith.constant 0 : i32
      %dma_wait3A_15 = tpu.memref_slice %arg5[%add3A, %dma_wait3A] : memref<20480x128xf32, #tpu.memory_space<hbm>> -> memref<640x128xf32, #tpu.memory_space<hbm>>
      %dma_wait3A_16 = arith.constant 0 : i32
      %dma_wait3A_17 = tpu.memref_slice %arg8[%mul3A_0, %dma_wait3A_16] : memref<10240x128xf32, #tpu.memory_space<vmem_shared>> -> memref<640x128xf32, #tpu.memory_space<vmem_shared>>
      tpu.wait_dma2 semaphore(%run_scoped3A : memref<!tpu.dma_semaphore, #tpu.memory_space<semaphore_mem>>) src(%dma_wait3A_17 : memref<640x128xf32, #tpu.memory_space<vmem_shared>>) dst(%dma_wait3A_15 : memref<640x128xf32, #tpu.memory_space<hbm>>)
      tpu.yield
    }) : () -> ()
    return
  }
}

module attributes {stable_mosaic.version = 14 : i64} {
  func.func @_mm_kernel(%arg0: i32, %arg1: memref<200x256xf32, #tpu.memory_space<vmem>>, %arg2: memref<256x256xf32, #tpu.memory_space<vmem>>, %arg3: memref<1x256xf32, #tpu.memory_space<vmem>>, %arg4: memref<256x256xf32, #tpu.memory_space<vmem>>, %arg5: memref<1x256xf32, #tpu.memory_space<vmem>>, %arg6: memref<200x256xf32, #tpu.memory_space<vmem>>, %arg7: memref<200x256xf32, #tpu.memory_space<vmem>>) attributes {dimension_semantics = [#tpu.dimension_semantics<arbitrary>], iteration_bounds = array<i64: 50>, scalar_prefetch = 0 : i64, scratch_operands = 0 : i64, tpu.core_type = #tpu.core_type<tc>, window_params = [{transform_indices = @transform_0, window_bounds = array<i64: 200, 256>}, {pipeline_mode = #tpu.pipeline_mode<synchronous>, transform_indices = @transform_1, window_bounds = array<i64: 256, 256>}, {pipeline_mode = #tpu.pipeline_mode<synchronous>, transform_indices = @transform_2, window_bounds = array<i64: 1, 256>}, {pipeline_mode = #tpu.pipeline_mode<synchronous>, transform_indices = @transform_3, window_bounds = array<i64: 256, 256>}, {pipeline_mode = #tpu.pipeline_mode<synchronous>, transform_indices = @transform_4, window_bounds = array<i64: 1, 256>}, {transform_indices = @transform_5, window_bounds = array<i64: 200, 256>}, {transform_indices = @transform_6, window_bounds = array<i64: 200, 256>}]} {
    %get3A = arith.constant 0 : index
    %get3A_0 = arith.constant 0 : index
    %get3A_1 = vector.load %arg1[%get3A, %get3A_0] : memref<200x256xf32, #tpu.memory_space<vmem>>, vector<200x256xf32>
    %get3A_2 = arith.constant 0 : index
    %get3A_3 = arith.constant 0 : index
    %get3A_4 = vector.load %arg2[%get3A_2, %get3A_3] : memref<256x256xf32, #tpu.memory_space<vmem>>, vector<256x256xf32>
    %dot_general3A = arith.constant dense<0.000000e+00> : vector<200x256xf32>
    %dot_general3A_5 = tpu.matmul %get3A_1, %get3A_4, %dot_general3A {dimension_numbers = #tpu.dot_dimension_numbers<[1], [0], [0], [1], [0, 0, 1, 1], [], []>, transpose_lhs_hint = false} : vector<200x256xf32>, vector<256x256xf32>, vector<200x256xf32> -> vector<200x256xf32>
    %get3A_6 = arith.constant 0 : index
    %get3A_7 = arith.constant 0 : index
    %get3A_8 = vector.load %arg3[%get3A_6, %get3A_7] : memref<1x256xf32, #tpu.memory_space<vmem>>, vector<1x256xf32>
    %add3A = vector.broadcast %get3A_8 : vector<1x256xf32> to vector<200x256xf32>
    %add3A_9 = arith.addf %dot_general3A_5, %add3A : vector<200x256xf32>
    %swap3A = arith.constant 0 : index
    %swap3A_10 = arith.constant 0 : index
    %swap3A_11 = vector.load %arg6[%swap3A, %swap3A_10] : memref<200x256xf32, #tpu.memory_space<vmem>>, vector<200x256xf32>
    tpu.vector_store %arg6[%swap3A, %swap3A_10], %add3A_9 {strides = array<i32>} : memref<200x256xf32, #tpu.memory_space<vmem>>, vector<200x256xf32>,
    %get3A_12 = arith.constant 0 : index
    %get3A_13 = arith.constant 0 : index
    %get3A_14 = vector.load %arg4[%get3A_12, %get3A_13] : memref<256x256xf32, #tpu.memory_space<vmem>>, vector<256x256xf32>
    %dot_general3A_15 = arith.constant dense<0.000000e+00> : vector<200x256xf32>
    %dot_general3A_16 = tpu.matmul %get3A_1, %get3A_14, %dot_general3A_15 {dimension_numbers = #tpu.dot_dimension_numbers<[1], [0], [0], [1], [0, 0, 1, 1], [], []>, transpose_lhs_hint = false} : vector<200x256xf32>, vector<256x256xf32>, vector<200x256xf32> -> vector<200x256xf32>
    %get3A_17 = arith.constant 0 : index
    %get3A_18 = arith.constant 0 : index
    %get3A_19 = vector.load %arg5[%get3A_17, %get3A_18] : memref<1x256xf32, #tpu.memory_space<vmem>>, vector<1x256xf32>
    %add3A_20 = vector.broadcast %get3A_19 : vector<1x256xf32> to vector<200x256xf32>
    %add3A_21 = arith.addf %dot_general3A_16, %add3A_20 : vector<200x256xf32>
    %swap3A_22 = arith.constant 0 : index
    %swap3A_23 = arith.constant 0 : index
    %swap3A_24 = vector.load %arg7[%swap3A_22, %swap3A_23] : memref<200x256xf32, #tpu.memory_space<vmem>>, vector<200x256xf32>
    tpu.vector_store %arg7[%swap3A_22, %swap3A_23], %add3A_21 {strides = array<i32>} : memref<200x256xf32, #tpu.memory_space<vmem>>, vector<200x256xf32>,
    return
  }
  func.func @transform_0(%arg0: i32) -> (i32, i32) {
    %c0_i32 = arith.constant 0 : i32
    %c0_i32_0 = arith.constant 0 : i32
    return %arg0, %c0_i32 : i32, i32
  }
  func.func @transform_1(%arg0: i32) -> (i32, i32) {
    %c0_i32 = arith.constant 0 : i32
    %c0_i32_0 = arith.constant 0 : i32
    %c0_i32_1 = arith.constant 0 : i32
    return %c0_i32, %c0_i32_0 : i32, i32
  }
  func.func @transform_2(%arg0: i32) -> (i32, i32) {
    %c0_i32 = arith.constant 0 : i32
    %c0_i32_0 = arith.constant 0 : i32
    %c0_i32_1 = arith.constant 0 : i32
    return %c0_i32, %c0_i32_0 : i32, i32
  }
  func.func @transform_3(%arg0: i32) -> (i32, i32) {
    %c0_i32 = arith.constant 0 : i32
    %c0_i32_0 = arith.constant 0 : i32
    %c0_i32_1 = arith.constant 0 : i32
    return %c0_i32, %c0_i32_0 : i32, i32
  }
  func.func @transform_4(%arg0: i32) -> (i32, i32) {
    %c0_i32 = arith.constant 0 : i32
    %c0_i32_0 = arith.constant 0 : i32
    %c0_i32_1 = arith.constant 0 : i32
    return %c0_i32, %c0_i32_0 : i32, i32
  }
  func.func @transform_5(%arg0: i32) -> (i32, i32) {
    %c0_i32 = arith.constant 0 : i32
    %c0_i32_0 = arith.constant 0 : i32
    return %arg0, %c0_i32 : i32, i32
  }
  func.func @transform_6(%arg0: i32) -> (i32, i32) {
    %c0_i32 = arith.constant 0 : i32
    %c0_i32_0 = arith.constant 0 : i32
    return %arg0, %c0_i32 : i32, i32
  }
}

module attributes {stable_mosaic.version = 14 : i64} {
  func.func @_topk_kernel(%arg0: i32, %arg1: memref<200x256xf32, #tpu.memory_space<vmem>>, %arg2: memref<10112x256xf32, #tpu.memory_space<vmem>>, %arg3: memref<200x16xf32, #tpu.memory_space<vmem>>, %arg4: memref<200x16xi32, #tpu.memory_space<vmem>>) attributes {dimension_semantics = [#tpu.dimension_semantics<arbitrary>], iteration_bounds = array<i64: 50>, scalar_prefetch = 0 : i64, scratch_operands = 0 : i64, tpu.core_type = #tpu.core_type<tc>, window_params = [{transform_indices = @transform_0, window_bounds = array<i64: 200, 256>}, {pipeline_mode = #tpu.pipeline_mode<synchronous>, transform_indices = @transform_1, window_bounds = array<i64: 10112, 256>}, {transform_indices = @transform_2, window_bounds = array<i64: 200, 16>}, {transform_indices = @transform_3, window_bounds = array<i64: 200, 16>}]} {
    %get3A = arith.constant 0 : index
    %get3A_0 = arith.constant 0 : index
    %get3A_1 = vector.load %arg1[%get3A, %get3A_0] : memref<200x256xf32, #tpu.memory_space<vmem>>, vector<200x256xf32>
    %get3A_2 = arith.constant 0 : index
    %get3A_3 = arith.constant 0 : index
    %get3A_4 = vector.load %arg2[%get3A_2, %get3A_3] : memref<10112x256xf32, #tpu.memory_space<vmem>>, vector<10112x256xf32>
    %dot_general3A = arith.constant dense<0.000000e+00> : vector<200x10112xf32>
    %dot_general3A_5 = tpu.matmul %get3A_1, %get3A_4, %dot_general3A {dimension_numbers = #tpu.dot_dimension_numbers<[1], [1], [0], [0], [0, 0, 1, 0], [], []>, transpose_lhs_hint = false} : vector<200x256xf32>, vector<10112x256xf32>, vector<200x10112xf32> -> vector<200x10112xf32>
    %mul3A = arith.constant 6.250000e-02 : f32
    %mul3A_6 = vector.broadcast %mul3A : f32 to vector<200x10112xf32>
    %mul3A_7 = arith.mulf %dot_general3A_5, %mul3A_6 : vector<200x10112xf32>
    %iota3A = tpu.iota {dimensions = array<i32: 1>} : vector<200x10112xi32>
    %lt3A = arith.constant 10000 : i32
    %lt3A_8 = vector.broadcast %lt3A : i32 to vector<200x10112xi32>
    %lt3A_9 = arith.cmpi slt, %iota3A, %lt3A_8 : vector<200x10112xi32>
    %jit3A = arith.constant -1.000000e+30 : f32
    %broadcast_in_dim3A = vector.broadcast %jit3A : f32 to vector<200x10112xf32>
    %select_n3A = arith.select %lt3A_9, %mul3A_7, %broadcast_in_dim3A : vector<200x10112xi1>, vector<200x10112xf32>
    %reduce_max3A = arith.constant dense<0xFF800000> : vector<200xf32>
    %reduce_max3A_10 = vector.multi_reduction <maximumf>, %select_n3A, %reduce_max3A [1] : vector<200x10112xf32> to vector<200xf32>
    %broadcast_in_dim3A_11 = vector.shape_cast %reduce_max3A_10 : vector<200xf32> to vector<200x1xf32>
    %eq3A = vector.broadcast %broadcast_in_dim3A_11 : vector<200x1xf32> to vector<200x10112xf32>
    %eq3A_12 = arith.cmpf oeq, %select_n3A, %eq3A : vector<200x10112xf32>
    %jit3A_13 = arith.constant 10112 : i32
    %broadcast_in_dim3A_14 = vector.broadcast %jit3A_13 : i32 to vector<200x10112xi32>
    %select_n3A_15 = arith.select %eq3A_12, %iota3A, %broadcast_in_dim3A_14 : vector<200x10112xi1>, vector<200x10112xi32>
    %reduce_min3A = arith.constant dense<2147483647> : vector<200xi32>
    %reduce_min3A_16 = vector.multi_reduction <minsi>, %select_n3A_15, %reduce_min3A [1] : vector<200x10112xi32> to vector<200xi32>
    %broadcast_in_dim3A_17 = vector.shape_cast %reduce_min3A_16 : vector<200xi32> to vector<200x1xi32>
    %jit3A_18 = arith.constant -1.000000e+30 : f32
    %broadcast_in_dim3A_19 = vector.broadcast %jit3A_18 : f32 to vector<200x10112xf32>
    %select_n3A_20 = arith.select %eq3A_12, %broadcast_in_dim3A_19, %select_n3A : vector<200x10112xi1>, vector<200x10112xf32>
    %reduce_max3A_21 = arith.constant dense<0xFF800000> : vector<200xf32>
    %reduce_max3A_22 = vector.multi_reduction <maximumf>, %select_n3A_20, %reduce_max3A_21 [1] : vector<200x10112xf32> to vector<200xf32>
    %broadcast_in_dim3A_23 = vector.shape_cast %reduce_max3A_22 : vector<200xf32> to vector<200x1xf32>
    %eq3A_24 = vector.broadcast %broadcast_in_dim3A_23 : vector<200x1xf32> to vector<200x10112xf32>
    %eq3A_25 = arith.cmpf oeq, %select_n3A_20, %eq3A_24 : vector<200x10112xf32>
    %jit3A_26 = arith.constant 10112 : i32
    %broadcast_in_dim3A_27 = vector.broadcast %jit3A_26 : i32 to vector<200x10112xi32>
    %select_n3A_28 = arith.select %eq3A_25, %iota3A, %broadcast_in_dim3A_27 : vector<200x10112xi1>, vector<200x10112xi32>
    %reduce_min3A_29 = arith.constant dense<2147483647> : vector<200xi32>
    %reduce_min3A_30 = vector.multi_reduction <minsi>, %select_n3A_28, %reduce_min3A_29 [1] : vector<200x10112xi32> to vector<200xi32>
    %broadcast_in_dim3A_31 = vector.shape_cast %reduce_min3A_30 : vector<200xi32> to vector<200x1xi32>
    %jit3A_32 = arith.constant -1.000000e+30 : f32
    %broadcast_in_dim3A_33 = vector.broadcast %jit3A_32 : f32 to vector<200x10112xf32>
    %select_n3A_34 = arith.select %eq3A_25, %broadcast_in_dim3A_33, %select_n3A_20 : vector<200x10112xi1>, vector<200x10112xf32>
    %reduce_max3A_35 = arith.constant dense<0xFF800000> : vector<200xf32>
    %reduce_max3A_36 = vector.multi_reduction <maximumf>, %select_n3A_34, %reduce_max3A_35 [1] : vector<200x10112xf32> to vector<200xf32>
    %broadcast_in_dim3A_37 = vector.shape_cast %reduce_max3A_36 : vector<200xf32> to vector<200x1xf32>
    %eq3A_38 = vector.broadcast %broadcast_in_dim3A_37 : vector<200x1xf32> to vector<200x10112xf32>
    %eq3A_39 = arith.cmpf oeq, %select_n3A_34, %eq3A_38 : vector<200x10112xf32>
    %jit3A_40 = arith.constant 10112 : i32
    %broadcast_in_dim3A_41 = vector.broadcast %jit3A_40 : i32 to vector<200x10112xi32>
    %select_n3A_42 = arith.select %eq3A_39, %iota3A, %broadcast_in_dim3A_41 : vector<200x10112xi1>, vector<200x10112xi32>
    %reduce_min3A_43 = arith.constant dense<2147483647> : vector<200xi32>
    %reduce_min3A_44 = vector.multi_reduction <minsi>, %select_n3A_42, %reduce_min3A_43 [1] : vector<200x10112xi32> to vector<200xi32>
    %broadcast_in_dim3A_45 = vector.shape_cast %reduce_min3A_44 : vector<200xi32> to vector<200x1xi32>
    %jit3A_46 = arith.constant -1.000000e+30 : f32
    %broadcast_in_dim3A_47 = vector.broadcast %jit3A_46 : f32 to vector<200x10112xf32>
    %select_n3A_48 = arith.select %eq3A_39, %broadcast_in_dim3A_47, %select_n3A_34 : vector<200x10112xi1>, vector<200x10112xf32>
    %reduce_max3A_49 = arith.constant dense<0xFF800000> : vector<200xf32>
    %reduce_max3A_50 = vector.multi_reduction <maximumf>, %select_n3A_48, %reduce_max3A_49 [1] : vector<200x10112xf32> to vector<200xf32>
    %broadcast_in_dim3A_51 = vector.shape_cast %reduce_max3A_50 : vector<200xf32> to vector<200x1xf32>
    %eq3A_52 = vector.broadcast %broadcast_in_dim3A_51 : vector<200x1xf32> to vector<200x10112xf32>
    %eq3A_53 = arith.cmpf oeq, %select_n3A_48, %eq3A_52 : vector<200x10112xf32>
    %jit3A_54 = arith.constant 10112 : i32
    %broadcast_in_dim3A_55 = vector.broadcast %jit3A_54 : i32 to vector<200x10112xi32>
    %select_n3A_56 = arith.select %eq3A_53, %iota3A, %broadcast_in_dim3A_55 : vector<200x10112xi1>, vector<200x10112xi32>
    %reduce_min3A_57 = arith.constant dense<2147483647> : vector<200xi32>
    %reduce_min3A_58 = vector.multi_reduction <minsi>, %select_n3A_56, %reduce_min3A_57 [1] : vector<200x10112xi32> to vector<200xi32>
    %broadcast_in_dim3A_59 = vector.shape_cast %reduce_min3A_58 : vector<200xi32> to vector<200x1xi32>
    %jit3A_60 = arith.constant -1.000000e+30 : f32
    %broadcast_in_dim3A_61 = vector.broadcast %jit3A_60 : f32 to vector<200x10112xf32>
    %select_n3A_62 = arith.select %eq3A_53, %broadcast_in_dim3A_61, %select_n3A_48 : vector<200x10112xi1>, vector<200x10112xf32>
    %reduce_max3A_63 = arith.constant dense<0xFF800000> : vector<200xf32>
    %reduce_max3A_64 = vector.multi_reduction <maximumf>, %select_n3A_62, %reduce_max3A_63 [1] : vector<200x10112xf32> to vector<200xf32>
    %broadcast_in_dim3A_65 = vector.shape_cast %reduce_max3A_64 : vector<200xf32> to vector<200x1xf32>
    %eq3A_66 = vector.broadcast %broadcast_in_dim3A_65 : vector<200x1xf32> to vector<200x10112xf32>
    %eq3A_67 = arith.cmpf oeq, %select_n3A_62, %eq3A_66 : vector<200x10112xf32>
    %jit3A_68 = arith.constant 10112 : i32
    %broadcast_in_dim3A_69 = vector.broadcast %jit3A_68 : i32 to vector<200x10112xi32>
    %select_n3A_70 = arith.select %eq3A_67, %iota3A, %broadcast_in_dim3A_69 : vector<200x10112xi1>, vector<200x10112xi32>
    %reduce_min3A_71 = arith.constant dense<2147483647> : vector<200xi32>
    %reduce_min3A_72 = vector.multi_reduction <minsi>, %select_n3A_70, %reduce_min3A_71 [1] : vector<200x10112xi32> to vector<200xi32>
    %broadcast_in_dim3A_73 = vector.shape_cast %reduce_min3A_72 : vector<200xi32> to vector<200x1xi32>
    %jit3A_74 = arith.constant -1.000000e+30 : f32
    %broadcast_in_dim3A_75 = vector.broadcast %jit3A_74 : f32 to vector<200x10112xf32>
    %select_n3A_76 = arith.select %eq3A_67, %broadcast_in_dim3A_75, %select_n3A_62 : vector<200x10112xi1>, vector<200x10112xf32>
    %reduce_max3A_77 = arith.constant dense<0xFF800000> : vector<200xf32>
    %reduce_max3A_78 = vector.multi_reduction <maximumf>, %select_n3A_76, %reduce_max3A_77 [1] : vector<200x10112xf32> to vector<200xf32>
    %broadcast_in_dim3A_79 = vector.shape_cast %reduce_max3A_78 : vector<200xf32> to vector<200x1xf32>
    %eq3A_80 = vector.broadcast %broadcast_in_dim3A_79 : vector<200x1xf32> to vector<200x10112xf32>
    %eq3A_81 = arith.cmpf oeq, %select_n3A_76, %eq3A_80 : vector<200x10112xf32>
    %jit3A_82 = arith.constant 10112 : i32
    %broadcast_in_dim3A_83 = vector.broadcast %jit3A_82 : i32 to vector<200x10112xi32>
    %select_n3A_84 = arith.select %eq3A_81, %iota3A, %broadcast_in_dim3A_83 : vector<200x10112xi1>, vector<200x10112xi32>
    %reduce_min3A_85 = arith.constant dense<2147483647> : vector<200xi32>
    %reduce_min3A_86 = vector.multi_reduction <minsi>, %select_n3A_84, %reduce_min3A_85 [1] : vector<200x10112xi32> to vector<200xi32>
    %broadcast_in_dim3A_87 = vector.shape_cast %reduce_min3A_86 : vector<200xi32> to vector<200x1xi32>
    %jit3A_88 = arith.constant -1.000000e+30 : f32
    %broadcast_in_dim3A_89 = vector.broadcast %jit3A_88 : f32 to vector<200x10112xf32>
    %select_n3A_90 = arith.select %eq3A_81, %broadcast_in_dim3A_89, %select_n3A_76 : vector<200x10112xi1>, vector<200x10112xf32>
    %reduce_max3A_91 = arith.constant dense<0xFF800000> : vector<200xf32>
    %reduce_max3A_92 = vector.multi_reduction <maximumf>, %select_n3A_90, %reduce_max3A_91 [1] : vector<200x10112xf32> to vector<200xf32>
    %broadcast_in_dim3A_93 = vector.shape_cast %reduce_max3A_92 : vector<200xf32> to vector<200x1xf32>
    %eq3A_94 = vector.broadcast %broadcast_in_dim3A_93 : vector<200x1xf32> to vector<200x10112xf32>
    %eq3A_95 = arith.cmpf oeq, %select_n3A_90, %eq3A_94 : vector<200x10112xf32>
    %jit3A_96 = arith.constant 10112 : i32
    %broadcast_in_dim3A_97 = vector.broadcast %jit3A_96 : i32 to vector<200x10112xi32>
    %select_n3A_98 = arith.select %eq3A_95, %iota3A, %broadcast_in_dim3A_97 : vector<200x10112xi1>, vector<200x10112xi32>
    %reduce_min3A_99 = arith.constant dense<2147483647> : vector<200xi32>
    %reduce_min3A_100 = vector.multi_reduction <minsi>, %select_n3A_98, %reduce_min3A_99 [1] : vector<200x10112xi32> to vector<200xi32>
    %broadcast_in_dim3A_101 = vector.shape_cast %reduce_min3A_100 : vector<200xi32> to vector<200x1xi32>
    %jit3A_102 = arith.constant -1.000000e+30 : f32
    %broadcast_in_dim3A_103 = vector.broadcast %jit3A_102 : f32 to vector<200x10112xf32>
    %select_n3A_104 = arith.select %eq3A_95, %broadcast_in_dim3A_103, %select_n3A_90 : vector<200x10112xi1>, vector<200x10112xf32>
    %reduce_max3A_105 = arith.constant dense<0xFF800000> : vector<200xf32>
    %reduce_max3A_106 = vector.multi_reduction <maximumf>, %select_n3A_104, %reduce_max3A_105 [1] : vector<200x10112xf32> to vector<200xf32>
    %broadcast_in_dim3A_107 = vector.shape_cast %reduce_max3A_106 : vector<200xf32> to vector<200x1xf32>
    %eq3A_108 = vector.broadcast %broadcast_in_dim3A_107 : vector<200x1xf32> to vector<200x10112xf32>
    %eq3A_109 = arith.cmpf oeq, %select_n3A_104, %eq3A_108 : vector<200x10112xf32>
    %jit3A_110 = arith.constant 10112 : i32
    %broadcast_in_dim3A_111 = vector.broadcast %jit3A_110 : i32 to vector<200x10112xi32>
    %select_n3A_112 = arith.select %eq3A_109, %iota3A, %broadcast_in_dim3A_111 : vector<200x10112xi1>, vector<200x10112xi32>
    %reduce_min3A_113 = arith.constant dense<2147483647> : vector<200xi32>
    %reduce_min3A_114 = vector.multi_reduction <minsi>, %select_n3A_112, %reduce_min3A_113 [1] : vector<200x10112xi32> to vector<200xi32>
    %broadcast_in_dim3A_115 = vector.shape_cast %reduce_min3A_114 : vector<200xi32> to vector<200x1xi32>
    %jit3A_116 = arith.constant -1.000000e+30 : f32
    %broadcast_in_dim3A_117 = vector.broadcast %jit3A_116 : f32 to vector<200x10112xf32>
    %select_n3A_118 = arith.select %eq3A_109, %broadcast_in_dim3A_117, %select_n3A_104 : vector<200x10112xi1>, vector<200x10112xf32>
    %reduce_max3A_119 = arith.constant dense<0xFF800000> : vector<200xf32>
    %reduce_max3A_120 = vector.multi_reduction <maximumf>, %select_n3A_118, %reduce_max3A_119 [1] : vector<200x10112xf32> to vector<200xf32>
    %broadcast_in_dim3A_121 = vector.shape_cast %reduce_max3A_120 : vector<200xf32> to vector<200x1xf32>
    %eq3A_122 = vector.broadcast %broadcast_in_dim3A_121 : vector<200x1xf32> to vector<200x10112xf32>
    %eq3A_123 = arith.cmpf oeq, %select_n3A_118, %eq3A_122 : vector<200x10112xf32>
    %jit3A_124 = arith.constant 10112 : i32
    %broadcast_in_dim3A_125 = vector.broadcast %jit3A_124 : i32 to vector<200x10112xi32>
    %select_n3A_126 = arith.select %eq3A_123, %iota3A, %broadcast_in_dim3A_125 : vector<200x10112xi1>, vector<200x10112xi32>
    %reduce_min3A_127 = arith.constant dense<2147483647> : vector<200xi32>
    %reduce_min3A_128 = vector.multi_reduction <minsi>, %select_n3A_126, %reduce_min3A_127 [1] : vector<200x10112xi32> to vector<200xi32>
    %broadcast_in_dim3A_129 = vector.shape_cast %reduce_min3A_128 : vector<200xi32> to vector<200x1xi32>
    %jit3A_130 = arith.constant -1.000000e+30 : f32
    %broadcast_in_dim3A_131 = vector.broadcast %jit3A_130 : f32 to vector<200x10112xf32>
    %select_n3A_132 = arith.select %eq3A_123, %broadcast_in_dim3A_131, %select_n3A_118 : vector<200x10112xi1>, vector<200x10112xf32>
    %reduce_max3A_133 = arith.constant dense<0xFF800000> : vector<200xf32>
    %reduce_max3A_134 = vector.multi_reduction <maximumf>, %select_n3A_132, %reduce_max3A_133 [1] : vector<200x10112xf32> to vector<200xf32>
    %broadcast_in_dim3A_135 = vector.shape_cast %reduce_max3A_134 : vector<200xf32> to vector<200x1xf32>
    %eq3A_136 = vector.broadcast %broadcast_in_dim3A_135 : vector<200x1xf32> to vector<200x10112xf32>
    %eq3A_137 = arith.cmpf oeq, %select_n3A_132, %eq3A_136 : vector<200x10112xf32>
    %jit3A_138 = arith.constant 10112 : i32
    %broadcast_in_dim3A_139 = vector.broadcast %jit3A_138 : i32 to vector<200x10112xi32>
    %select_n3A_140 = arith.select %eq3A_137, %iota3A, %broadcast_in_dim3A_139 : vector<200x10112xi1>, vector<200x10112xi32>
    %reduce_min3A_141 = arith.constant dense<2147483647> : vector<200xi32>
    %reduce_min3A_142 = vector.multi_reduction <minsi>, %select_n3A_140, %reduce_min3A_141 [1] : vector<200x10112xi32> to vector<200xi32>
    %broadcast_in_dim3A_143 = vector.shape_cast %reduce_min3A_142 : vector<200xi32> to vector<200x1xi32>
    %jit3A_144 = arith.constant -1.000000e+30 : f32
    %broadcast_in_dim3A_145 = vector.broadcast %jit3A_144 : f32 to vector<200x10112xf32>
    %select_n3A_146 = arith.select %eq3A_137, %broadcast_in_dim3A_145, %select_n3A_132 : vector<200x10112xi1>, vector<200x10112xf32>
    %reduce_max3A_147 = arith.constant dense<0xFF800000> : vector<200xf32>
    %reduce_max3A_148 = vector.multi_reduction <maximumf>, %select_n3A_146, %reduce_max3A_147 [1] : vector<200x10112xf32> to vector<200xf32>
    %broadcast_in_dim3A_149 = vector.shape_cast %reduce_max3A_148 : vector<200xf32> to vector<200x1xf32>
    %eq3A_150 = vector.broadcast %broadcast_in_dim3A_149 : vector<200x1xf32> to vector<200x10112xf32>
    %eq3A_151 = arith.cmpf oeq, %select_n3A_146, %eq3A_150 : vector<200x10112xf32>
    %jit3A_152 = arith.constant 10112 : i32
    %broadcast_in_dim3A_153 = vector.broadcast %jit3A_152 : i32 to vector<200x10112xi32>
    %select_n3A_154 = arith.select %eq3A_151, %iota3A, %broadcast_in_dim3A_153 : vector<200x10112xi1>, vector<200x10112xi32>
    %reduce_min3A_155 = arith.constant dense<2147483647> : vector<200xi32>
    %reduce_min3A_156 = vector.multi_reduction <minsi>, %select_n3A_154, %reduce_min3A_155 [1] : vector<200x10112xi32> to vector<200xi32>
    %broadcast_in_dim3A_157 = vector.shape_cast %reduce_min3A_156 : vector<200xi32> to vector<200x1xi32>
    %jit3A_158 = arith.constant -1.000000e+30 : f32
    %broadcast_in_dim3A_159 = vector.broadcast %jit3A_158 : f32 to vector<200x10112xf32>
    %select_n3A_160 = arith.select %eq3A_151, %broadcast_in_dim3A_159, %select_n3A_146 : vector<200x10112xi1>, vector<200x10112xf32>
    %reduce_max3A_161 = arith.constant dense<0xFF800000> : vector<200xf32>
    %reduce_max3A_162 = vector.multi_reduction <maximumf>, %select_n3A_160, %reduce_max3A_161 [1] : vector<200x10112xf32> to vector<200xf32>
    %broadcast_in_dim3A_163 = vector.shape_cast %reduce_max3A_162 : vector<200xf32> to vector<200x1xf32>
    %eq3A_164 = vector.broadcast %broadcast_in_dim3A_163 : vector<200x1xf32> to vector<200x10112xf32>
    %eq3A_165 = arith.cmpf oeq, %select_n3A_160, %eq3A_164 : vector<200x10112xf32>
    %jit3A_166 = arith.constant 10112 : i32
    %broadcast_in_dim3A_167 = vector.broadcast %jit3A_166 : i32 to vector<200x10112xi32>
    %select_n3A_168 = arith.select %eq3A_165, %iota3A, %broadcast_in_dim3A_167 : vector<200x10112xi1>, vector<200x10112xi32>
    %reduce_min3A_169 = arith.constant dense<2147483647> : vector<200xi32>
    %reduce_min3A_170 = vector.multi_reduction <minsi>, %select_n3A_168, %reduce_min3A_169 [1] : vector<200x10112xi32> to vector<200xi32>
    %broadcast_in_dim3A_171 = vector.shape_cast %reduce_min3A_170 : vector<200xi32> to vector<200x1xi32>
    %jit3A_172 = arith.constant -1.000000e+30 : f32
    %broadcast_in_dim3A_173 = vector.broadcast %jit3A_172 : f32 to vector<200x10112xf32>
    %select_n3A_174 = arith.select %eq3A_165, %broadcast_in_dim3A_173, %select_n3A_160 : vector<200x10112xi1>, vector<200x10112xf32>
    %reduce_max3A_175 = arith.constant dense<0xFF800000> : vector<200xf32>
    %reduce_max3A_176 = vector.multi_reduction <maximumf>, %select_n3A_174, %reduce_max3A_175 [1] : vector<200x10112xf32> to vector<200xf32>
    %broadcast_in_dim3A_177 = vector.shape_cast %reduce_max3A_176 : vector<200xf32> to vector<200x1xf32>
    %eq3A_178 = vector.broadcast %broadcast_in_dim3A_177 : vector<200x1xf32> to vector<200x10112xf32>
    %eq3A_179 = arith.cmpf oeq, %select_n3A_174, %eq3A_178 : vector<200x10112xf32>
    %jit3A_180 = arith.constant 10112 : i32
    %broadcast_in_dim3A_181 = vector.broadcast %jit3A_180 : i32 to vector<200x10112xi32>
    %select_n3A_182 = arith.select %eq3A_179, %iota3A, %broadcast_in_dim3A_181 : vector<200x10112xi1>, vector<200x10112xi32>
    %reduce_min3A_183 = arith.constant dense<2147483647> : vector<200xi32>
    %reduce_min3A_184 = vector.multi_reduction <minsi>, %select_n3A_182, %reduce_min3A_183 [1] : vector<200x10112xi32> to vector<200xi32>
    %broadcast_in_dim3A_185 = vector.shape_cast %reduce_min3A_184 : vector<200xi32> to vector<200x1xi32>
    %jit3A_186 = arith.constant -1.000000e+30 : f32
    %broadcast_in_dim3A_187 = vector.broadcast %jit3A_186 : f32 to vector<200x10112xf32>
    %select_n3A_188 = arith.select %eq3A_179, %broadcast_in_dim3A_187, %select_n3A_174 : vector<200x10112xi1>, vector<200x10112xf32>
    %reduce_max3A_189 = arith.constant dense<0xFF800000> : vector<200xf32>
    %reduce_max3A_190 = vector.multi_reduction <maximumf>, %select_n3A_188, %reduce_max3A_189 [1] : vector<200x10112xf32> to vector<200xf32>
    %broadcast_in_dim3A_191 = vector.shape_cast %reduce_max3A_190 : vector<200xf32> to vector<200x1xf32>
    %eq3A_192 = vector.broadcast %broadcast_in_dim3A_191 : vector<200x1xf32> to vector<200x10112xf32>
    %eq3A_193 = arith.cmpf oeq, %select_n3A_188, %eq3A_192 : vector<200x10112xf32>
    %jit3A_194 = arith.constant 10112 : i32
    %broadcast_in_dim3A_195 = vector.broadcast %jit3A_194 : i32 to vector<200x10112xi32>
    %select_n3A_196 = arith.select %eq3A_193, %iota3A, %broadcast_in_dim3A_195 : vector<200x10112xi1>, vector<200x10112xi32>
    %reduce_min3A_197 = arith.constant dense<2147483647> : vector<200xi32>
    %reduce_min3A_198 = vector.multi_reduction <minsi>, %select_n3A_196, %reduce_min3A_197 [1] : vector<200x10112xi32> to vector<200xi32>
    %broadcast_in_dim3A_199 = vector.shape_cast %reduce_min3A_198 : vector<200xi32> to vector<200x1xi32>
    %jit3A_200 = arith.constant -1.000000e+30 : f32
    %broadcast_in_dim3A_201 = vector.broadcast %jit3A_200 : f32 to vector<200x10112xf32>
    %select_n3A_202 = arith.select %eq3A_193, %broadcast_in_dim3A_201, %select_n3A_188 : vector<200x10112xi1>, vector<200x10112xf32>
    %reduce_max3A_203 = arith.constant dense<0xFF800000> : vector<200xf32>
    %reduce_max3A_204 = vector.multi_reduction <maximumf>, %select_n3A_202, %reduce_max3A_203 [1] : vector<200x10112xf32> to vector<200xf32>
    %broadcast_in_dim3A_205 = vector.shape_cast %reduce_max3A_204 : vector<200xf32> to vector<200x1xf32>
    %eq3A_206 = vector.broadcast %broadcast_in_dim3A_205 : vector<200x1xf32> to vector<200x10112xf32>
    %eq3A_207 = arith.cmpf oeq, %select_n3A_202, %eq3A_206 : vector<200x10112xf32>
    %jit3A_208 = arith.constant 10112 : i32
    %broadcast_in_dim3A_209 = vector.broadcast %jit3A_208 : i32 to vector<200x10112xi32>
    %select_n3A_210 = arith.select %eq3A_207, %iota3A, %broadcast_in_dim3A_209 : vector<200x10112xi1>, vector<200x10112xi32>
    %reduce_min3A_211 = arith.constant dense<2147483647> : vector<200xi32>
    %reduce_min3A_212 = vector.multi_reduction <minsi>, %select_n3A_210, %reduce_min3A_211 [1] : vector<200x10112xi32> to vector<200xi32>
    %broadcast_in_dim3A_213 = vector.shape_cast %reduce_min3A_212 : vector<200xi32> to vector<200x1xi32>
    %jit3A_214 = arith.constant -1.000000e+30 : f32
    %broadcast_in_dim3A_215 = vector.broadcast %jit3A_214 : f32 to vector<200x10112xf32>
    %select_n3A_216 = arith.select %eq3A_207, %broadcast_in_dim3A_215, %select_n3A_202 : vector<200x10112xi1>, vector<200x10112xf32>
    %reduce_max3A_217 = arith.constant dense<0xFF800000> : vector<200xf32>
    %reduce_max3A_218 = vector.multi_reduction <maximumf>, %select_n3A_216, %reduce_max3A_217 [1] : vector<200x10112xf32> to vector<200xf32>
    %broadcast_in_dim3A_219 = vector.shape_cast %reduce_max3A_218 : vector<200xf32> to vector<200x1xf32>
    %eq3A_220 = vector.broadcast %broadcast_in_dim3A_219 : vector<200x1xf32> to vector<200x10112xf32>
    %eq3A_221 = arith.cmpf oeq, %select_n3A_216, %eq3A_220 : vector<200x10112xf32>
    %jit3A_222 = arith.constant 10112 : i32
    %broadcast_in_dim3A_223 = vector.broadcast %jit3A_222 : i32 to vector<200x10112xi32>
    %select_n3A_224 = arith.select %eq3A_221, %iota3A, %broadcast_in_dim3A_223 : vector<200x10112xi1>, vector<200x10112xi32>
    %reduce_min3A_225 = arith.constant dense<2147483647> : vector<200xi32>
    %reduce_min3A_226 = vector.multi_reduction <minsi>, %select_n3A_224, %reduce_min3A_225 [1] : vector<200x10112xi32> to vector<200xi32>
    %broadcast_in_dim3A_227 = vector.shape_cast %reduce_min3A_226 : vector<200xi32> to vector<200x1xi32>
    %concatenate3A = tpu.concatenate %broadcast_in_dim3A_11, %broadcast_in_dim3A_23, %broadcast_in_dim3A_37, %broadcast_in_dim3A_51, %broadcast_in_dim3A_65, %broadcast_in_dim3A_79, %broadcast_in_dim3A_93, %broadcast_in_dim3A_107, %broadcast_in_dim3A_121, %broadcast_in_dim3A_135, %broadcast_in_dim3A_149, %broadcast_in_dim3A_163, %broadcast_in_dim3A_177, %broadcast_in_dim3A_191, %broadcast_in_dim3A_205, %broadcast_in_dim3A_219 in 1 : vector<200x1xf32>, vector<200x1xf32>, vector<200x1xf32>, vector<200x1xf32>, vector<200x1xf32>, vector<200x1xf32>, vector<200x1xf32>, vector<200x1xf32>, vector<200x1xf32>, vector<200x1xf32>, vector<200x1xf32>, vector<200x1xf32>, vector<200x1xf32>, vector<200x1xf32>, vector<200x1xf32>, vector<200x1xf32> -> vector<200x16xf32>
    %concatenate3A_228 = tpu.concatenate %broadcast_in_dim3A_17, %broadcast_in_dim3A_31, %broadcast_in_dim3A_45, %broadcast_in_dim3A_59, %broadcast_in_dim3A_73, %broadcast_in_dim3A_87, %broadcast_in_dim3A_101, %broadcast_in_dim3A_115, %broadcast_in_dim3A_129, %broadcast_in_dim3A_143, %broadcast_in_dim3A_157, %broadcast_in_dim3A_171, %broadcast_in_dim3A_185, %broadcast_in_dim3A_199, %broadcast_in_dim3A_213, %broadcast_in_dim3A_227 in 1 : vector<200x1xi32>, vector<200x1xi32>, vector<200x1xi32>, vector<200x1xi32>, vector<200x1xi32>, vector<200x1xi32>, vector<200x1xi32>, vector<200x1xi32>, vector<200x1xi32>, vector<200x1xi32>, vector<200x1xi32>, vector<200x1xi32>, vector<200x1xi32>, vector<200x1xi32>, vector<200x1xi32>, vector<200x1xi32> -> vector<200x16xi32>
    %slice3A = vector.extract_strided_slice %concatenate3A {offsets = [0, 0], sizes = [200, 1], strides = [1, 1]} : vector<200x16xf32> to vector<200x1xf32>
    %sub3A = vector.broadcast %slice3A : vector<200x1xf32> to vector<200x16xf32>
    %sub3A_229 = arith.subf %concatenate3A, %sub3A : vector<200x16xf32>
    %exp3A = math.exp %sub3A_229 : vector<200x16xf32>
    %reduce_sum3A = arith.constant dense<0.000000e+00> : vector<200xf32>
    %reduce_sum3A_230 = vector.multi_reduction <add>, %exp3A, %reduce_sum3A [1] : vector<200x16xf32> to vector<200xf32>
    %broadcast_in_dim3A_231 = vector.shape_cast %reduce_sum3A_230 : vector<200xf32> to vector<200x1xf32>
    %div3A = vector.broadcast %broadcast_in_dim3A_231 : vector<200x1xf32> to vector<200x16xf32>
    %div3A_232 = arith.divf %exp3A, %div3A : vector<200x16xf32>
    %swap3A = arith.constant 0 : index
    %swap3A_233 = arith.constant 0 : index
    %swap3A_234 = vector.load %arg3[%swap3A, %swap3A_233] : memref<200x16xf32, #tpu.memory_space<vmem>>, vector<200x16xf32>
    tpu.vector_store %arg3[%swap3A, %swap3A_233], %div3A_232 {strides = array<i32>} : memref<200x16xf32, #tpu.memory_space<vmem>>, vector<200x16xf32>,
    %swap3A_235 = arith.constant 0 : index
    %swap3A_236 = arith.constant 0 : index
    %swap3A_237 = vector.load %arg4[%swap3A_235, %swap3A_236] : memref<200x16xi32, #tpu.memory_space<vmem>>, vector<200x16xi32>
    tpu.vector_store %arg4[%swap3A_235, %swap3A_236], %concatenate3A_228 {strides = array<i32>} : memref<200x16xi32, #tpu.memory_space<vmem>>, vector<200x16xi32>,
    return
  }
  func.func @transform_0(%arg0: i32) -> (i32, i32) {
    %c0_i32 = arith.constant 0 : i32
    %c0_i32_0 = arith.constant 0 : i32
    return %arg0, %c0_i32 : i32, i32
  }
  func.func @transform_1(%arg0: i32) -> (i32, i32) {
    %c0_i32 = arith.constant 0 : i32
    %c0_i32_0 = arith.constant 0 : i32
    %c0_i32_1 = arith.constant 0 : i32
    return %c0_i32, %c0_i32_0 : i32, i32
  }
  func.func @transform_2(%arg0: i32) -> (i32, i32) {
    %c0_i32 = arith.constant 0 : i32
    %c0_i32_0 = arith.constant 0 : i32
    return %arg0, %c0_i32 : i32, i32
  }
  func.func @transform_3(%arg0: i32) -> (i32, i32) {
    %c0_i32 = arith.constant 0 : i32
    %c0_i32_0 = arith.constant 0 : i32
    return %arg0, %c0_i32 : i32, i32
  }
}

module attributes {stable_mosaic.version = 14 : i64} {
  func.func @_sage_dense_kernel(%arg0: i32, %arg1: memref<200x128xf32, #tpu.memory_space<vmem>>, %arg2: memref<200x128xf32, #tpu.memory_space<vmem>>, %arg3: memref<200x1xf32, #tpu.memory_space<vmem>>, %arg4: memref<200x256xf32, #tpu.memory_space<vmem>>, %arg5: memref<256x256xf32, #tpu.memory_space<vmem>>, %arg6: memref<1x256xf32, #tpu.memory_space<vmem>>, %arg7: memref<256x256xf32, #tpu.memory_space<vmem>>, %arg8: memref<200x256xf32, #tpu.memory_space<vmem>>) attributes {dimension_semantics = [#tpu.dimension_semantics<arbitrary>], iteration_bounds = array<i64: 50>, scalar_prefetch = 0 : i64, scratch_operands = 0 : i64, tpu.core_type = #tpu.core_type<tc>, window_params = [{transform_indices = @transform_0, window_bounds = array<i64: 200, 128>}, {transform_indices = @transform_1, window_bounds = array<i64: 200, 128>}, {transform_indices = @transform_2, window_bounds = array<i64: 200, 1>}, {transform_indices = @transform_3, window_bounds = array<i64: 200, 256>}, {pipeline_mode = #tpu.pipeline_mode<synchronous>, transform_indices = @transform_4, window_bounds = array<i64: 256, 256>}, {pipeline_mode = #tpu.pipeline_mode<synchronous>, transform_indices = @transform_5, window_bounds = array<i64: 1, 256>}, {pipeline_mode = #tpu.pipeline_mode<synchronous>, transform_indices = @transform_6, window_bounds = array<i64: 256, 256>}, {transform_indices = @transform_7, window_bounds = array<i64: 200, 256>}]} {
    %get3A = arith.constant 0 : index
    %get3A_0 = arith.constant 0 : index
    %get3A_1 = vector.load %arg1[%get3A, %get3A_0] : memref<200x128xf32, #tpu.memory_space<vmem>>, vector<200x128xf32>
    %get3A_2 = arith.constant 0 : index
    %get3A_3 = arith.constant 0 : index
    %get3A_4 = vector.load %arg2[%get3A_2, %get3A_3] : memref<200x128xf32, #tpu.memory_space<vmem>>, vector<200x128xf32>
    %concatenate3A = tpu.concatenate %get3A_1, %get3A_4 in 1 : vector<200x128xf32>, vector<200x128xf32> -> vector<200x256xf32>
    %get3A_5 = arith.constant 0 : index
    %get3A_6 = arith.constant 0 : index
    %get3A_7 = vector.load %arg3[%get3A_5, %get3A_6] : memref<200x1xf32, #tpu.memory_space<vmem>>, vector<200x1xf32>
    %max3A = arith.constant 1.000000e+00 : f32
    %max3A_8 = vector.broadcast %max3A : f32 to vector<200x1xf32>
    %max3A_9 = arith.maximumf %get3A_7, %max3A_8 : vector<200x1xf32>
    %div3A = vector.broadcast %max3A_9 : vector<200x1xf32> to vector<200x256xf32>
    %div3A_10 = arith.divf %concatenate3A, %div3A : vector<200x256xf32>
    %get3A_11 = arith.constant 0 : index
    %get3A_12 = arith.constant 0 : index
    %get3A_13 = vector.load %arg5[%get3A_11, %get3A_12] : memref<256x256xf32, #tpu.memory_space<vmem>>, vector<256x256xf32>
    %dot_general3A = arith.constant dense<0.000000e+00> : vector<200x256xf32>
    %dot_general3A_14 = tpu.matmul %div3A_10, %get3A_13, %dot_general3A {dimension_numbers = #tpu.dot_dimension_numbers<[1], [0], [0], [1], [0, 0, 1, 1], [], []>, transpose_lhs_hint = false} : vector<200x256xf32>, vector<256x256xf32>, vector<200x256xf32> -> vector<200x256xf32>
    %get3A_15 = arith.constant 0 : index
    %get3A_16 = arith.constant 0 : index
    %get3A_17 = vector.load %arg6[%get3A_15, %get3A_16] : memref<1x256xf32, #tpu.memory_space<vmem>>, vector<1x256xf32>
    %add3A = vector.broadcast %get3A_17 : vector<1x256xf32> to vector<200x256xf32>
    %add3A_18 = arith.addf %dot_general3A_14, %add3A : vector<200x256xf32>
    %get3A_19 = arith.constant 0 : index
    %get3A_20 = arith.constant 0 : index
    %get3A_21 = vector.load %arg4[%get3A_19, %get3A_20] : memref<200x256xf32, #tpu.memory_space<vmem>>, vector<200x256xf32>
    %get3A_22 = arith.constant 0 : index
    %get3A_23 = arith.constant 0 : index
    %get3A_24 = vector.load %arg7[%get3A_22, %get3A_23] : memref<256x256xf32, #tpu.memory_space<vmem>>, vector<256x256xf32>
    %dot_general3A_25 = arith.constant dense<0.000000e+00> : vector<200x256xf32>
    %dot_general3A_26 = tpu.matmul %get3A_21, %get3A_24, %dot_general3A_25 {dimension_numbers = #tpu.dot_dimension_numbers<[1], [0], [0], [1], [0, 0, 1, 1], [], []>, transpose_lhs_hint = false} : vector<200x256xf32>, vector<256x256xf32>, vector<200x256xf32> -> vector<200x256xf32>
    %add3A_27 = arith.addf %add3A_18, %dot_general3A_26 : vector<200x256xf32>
    %gt3A = arith.constant 0.000000e+00 : f32
    %gt3A_28 = vector.broadcast %gt3A : f32 to vector<200x256xf32>
    %gt3A_29 = arith.cmpf ogt, %add3A_27, %gt3A_28 : vector<200x256xf32>
    %mul3A = arith.constant 0.00999999977 : f32
    %mul3A_30 = vector.broadcast %mul3A : f32 to vector<200x256xf32>
    %mul3A_31 = arith.mulf %mul3A_30, %add3A_27 : vector<200x256xf32>
    %select_n3A = arith.select %gt3A_29, %add3A_27, %mul3A_31 : vector<200x256xi1>, vector<200x256xf32>
    %swap3A = arith.constant 0 : index
    %swap3A_32 = arith.constant 0 : index
    %swap3A_33 = vector.load %arg8[%swap3A, %swap3A_32] : memref<200x256xf32, #tpu.memory_space<vmem>>, vector<200x256xf32>
    tpu.vector_store %arg8[%swap3A, %swap3A_32], %select_n3A {strides = array<i32>} : memref<200x256xf32, #tpu.memory_space<vmem>>, vector<200x256xf32>,
    return
  }
  func.func @transform_0(%arg0: i32) -> (i32, i32) {
    %c0_i32 = arith.constant 0 : i32
    %c0_i32_0 = arith.constant 0 : i32
    return %arg0, %c0_i32 : i32, i32
  }
  func.func @transform_1(%arg0: i32) -> (i32, i32) {
    %c0_i32 = arith.constant 0 : i32
    %c0_i32_0 = arith.constant 0 : i32
    return %arg0, %c0_i32 : i32, i32
  }
  func.func @transform_2(%arg0: i32) -> (i32, i32) {
    %c0_i32 = arith.constant 0 : i32
    %c0_i32_0 = arith.constant 0 : i32
    return %arg0, %c0_i32 : i32, i32
  }
  func.func @transform_3(%arg0: i32) -> (i32, i32) {
    %c0_i32 = arith.constant 0 : i32
    %c0_i32_0 = arith.constant 0 : i32
    return %arg0, %c0_i32 : i32, i32
  }
  func.func @transform_4(%arg0: i32) -> (i32, i32) {
    %c0_i32 = arith.constant 0 : i32
    %c0_i32_0 = arith.constant 0 : i32
    %c0_i32_1 = arith.constant 0 : i32
    return %c0_i32, %c0_i32_0 : i32, i32
  }
  func.func @transform_5(%arg0: i32) -> (i32, i32) {
    %c0_i32 = arith.constant 0 : i32
    %c0_i32_0 = arith.constant 0 : i32
    %c0_i32_1 = arith.constant 0 : i32
    return %c0_i32, %c0_i32_0 : i32, i32
  }
  func.func @transform_6(%arg0: i32) -> (i32, i32) {
    %c0_i32 = arith.constant 0 : i32
    %c0_i32_0 = arith.constant 0 : i32
    %c0_i32_1 = arith.constant 0 : i32
    return %c0_i32, %c0_i32_0 : i32, i32
  }
  func.func @transform_7(%arg0: i32) -> (i32, i32) {
    %c0_i32 = arith.constant 0 : i32
    %c0_i32_0 = arith.constant 0 : i32
    return %arg0, %c0_i32 : i32, i32
  }
}

module attributes {stable_mosaic.version = 14 : i64} {
  func.func @_final_kernel(%arg0: i32, %arg1: memref<200x256xf32, #tpu.memory_space<vmem>>, %arg2: memref<200x16xf32, #tpu.memory_space<vmem>>, %arg3: memref<200x16x128xf32, #tpu.memory_space<vmem>>, %arg4: memref<200x16x128xf32, #tpu.memory_space<vmem>>, %arg5: memref<256x256xf32, #tpu.memory_space<vmem>>, %arg6: memref<1x256xf32, #tpu.memory_space<vmem>>, %arg7: memref<256x256xf32, #tpu.memory_space<vmem>>, %arg8: memref<1x256xf32, #tpu.memory_space<vmem>>, %arg9: memref<256x128xf32, #tpu.memory_space<vmem>>, %arg10: memref<1x128xf32, #tpu.memory_space<vmem>>, %arg11: memref<256x128xf32, #tpu.memory_space<vmem>>, %arg12: memref<1x128xf32, #tpu.memory_space<vmem>>, %arg13: memref<128x256xf32, #tpu.memory_space<vmem>>, %arg14: memref<1x256xf32, #tpu.memory_space<vmem>>, %arg15: memref<1x256xf32, #tpu.memory_space<vmem>>, %arg16: memref<1x256xf32, #tpu.memory_space<vmem>>, %arg17: memref<200x256xf32, #tpu.memory_space<vmem>>) attributes {dimension_semantics = [#tpu.dimension_semantics<arbitrary>], iteration_bounds = array<i64: 50>, scalar_prefetch = 0 : i64, scratch_operands = 0 : i64, tpu.core_type = #tpu.core_type<tc>, window_params = [{transform_indices = @transform_0, window_bounds = array<i64: 200, 256>}, {transform_indices = @transform_1, window_bounds = array<i64: 200, 16>}, {transform_indices = @transform_2, window_bounds = array<i64: 200, 16, 128>}, {transform_indices = @transform_3, window_bounds = array<i64: 200, 16, 128>}, {pipeline_mode = #tpu.pipeline_mode<synchronous>, transform_indices = @transform_4, window_bounds = array<i64: 256, 256>}, {pipeline_mode = #tpu.pipeline_mode<synchronous>, transform_indices = @transform_5, window_bounds = array<i64: 1, 256>}, {pipeline_mode = #tpu.pipeline_mode<synchronous>, transform_indices = @transform_6, window_bounds = array<i64: 256, 256>}, {pipeline_mode = #tpu.pipeline_mode<synchronous>, transform_indices = @transform_7, window_bounds = array<i64: 1, 256>}, {pipeline_mode = #tpu.pipeline_mode<synchronous>, transform_indices = @transform_8, window_bounds = array<i64: 256, 128>}, {pipeline_mode = #tpu.pipeline_mode<synchronous>, transform_indices = @transform_9, window_bounds = array<i64: 1, 128>}, {pipeline_mode = #tpu.pipeline_mode<synchronous>, transform_indices = @transform_10, window_bounds = array<i64: 256, 128>}, {pipeline_mode = #tpu.pipeline_mode<synchronous>, transform_indices = @transform_11, window_bounds = array<i64: 1, 128>}, {pipeline_mode = #tpu.pipeline_mode<synchronous>, transform_indices = @transform_12, window_bounds = array<i64: 128, 256>}, {pipeline_mode = #tpu.pipeline_mode<synchronous>, transform_indices = @transform_13, window_bounds = array<i64: 1, 256>}, {pipeline_mode = #tpu.pipeline_mode<synchronous>, transform_indices = @transform_14, window_bounds = array<i64: 1, 256>}, {pipeline_mode = #tpu.pipeline_mode<synchronous>, transform_indices = @transform_15, window_bounds = array<i64: 1, 256>}, {transform_indices = @transform_16, window_bounds = array<i64: 200, 256>}]} {
    %get3A = arith.constant 0 : index
    %get3A_0 = arith.constant 0 : index
    %get3A_1 = vector.load %arg1[%get3A, %get3A_0] : memref<200x256xf32, #tpu.memory_space<vmem>>, vector<200x256xf32>
    %broadcast_in_dim3A = arith.constant 0.000000e+00 : f32
    %broadcast_in_dim3A_2 = vector.broadcast %broadcast_in_dim3A : f32 to vector<200x256xf32>
    %get3A_3 = arith.constant 0 : index
    %get3A_4 = arith.constant 0 : index
    %get3A_5 = arith.constant 0 : index
    %get3A_6 = vector.load %arg3[%get3A_3, %get3A_4, %get3A_5] : memref<200x16x128xf32, #tpu.memory_space<vmem>>, vector<200x1x128xf32>
    %get3A_7 = vector.shape_cast %get3A_6 : vector<200x1x128xf32> to vector<200x128xf32>
    %get3A_8 = arith.constant 0 : index
    %get3A_9 = arith.constant 0 : index
    %get3A_10 = arith.constant 0 : index
    %get3A_11 = vector.load %arg4[%get3A_8, %get3A_9, %get3A_10] : memref<200x16x128xf32, #tpu.memory_space<vmem>>, vector<200x1x128xf32>
    %get3A_12 = vector.shape_cast %get3A_11 : vector<200x1x128xf32> to vector<200x128xf32>
    %concatenate3A = tpu.concatenate %get3A_7, %get3A_12 in 1 : vector<200x128xf32>, vector<200x128xf32> -> vector<200x256xf32>
    %get3A_13 = arith.constant 0 : index
    %get3A_14 = arith.constant 0 : index
    %get3A_15 = vector.load %arg2[%get3A_13, %get3A_14] : memref<200x16xf32, #tpu.memory_space<vmem>>, vector<200x1xf32>
    %mul3A = vector.broadcast %get3A_15 : vector<200x1xf32> to vector<200x256xf32>
    %mul3A_16 = arith.mulf %mul3A, %concatenate3A : vector<200x256xf32>
    %add3A = arith.addf %broadcast_in_dim3A_2, %mul3A_16 : vector<200x256xf32>
    %get3A_17 = arith.constant 0 : index
    %get3A_18 = arith.constant 1 : index
    %get3A_19 = arith.constant 0 : index
    %get3A_20 = vector.load %arg3[%get3A_17, %get3A_18, %get3A_19] : memref<200x16x128xf32, #tpu.memory_space<vmem>>, vector<200x1x128xf32>
    %get3A_21 = vector.shape_cast %get3A_20 : vector<200x1x128xf32> to vector<200x128xf32>
    %get3A_22 = arith.constant 0 : index
    %get3A_23 = arith.constant 1 : index
    %get3A_24 = arith.constant 0 : index
    %get3A_25 = vector.load %arg4[%get3A_22, %get3A_23, %get3A_24] : memref<200x16x128xf32, #tpu.memory_space<vmem>>, vector<200x1x128xf32>
    %get3A_26 = vector.shape_cast %get3A_25 : vector<200x1x128xf32> to vector<200x128xf32>
    %concatenate3A_27 = tpu.concatenate %get3A_21, %get3A_26 in 1 : vector<200x128xf32>, vector<200x128xf32> -> vector<200x256xf32>
    %get3A_28 = arith.constant 0 : index
    %get3A_29 = arith.constant 1 : index
    %get3A_30 = vector.load %arg2[%get3A_28, %get3A_29] : memref<200x16xf32, #tpu.memory_space<vmem>>, vector<200x1xf32>
    %mul3A_31 = vector.broadcast %get3A_30 : vector<200x1xf32> to vector<200x256xf32>
    %mul3A_32 = arith.mulf %mul3A_31, %concatenate3A_27 : vector<200x256xf32>
    %add3A_33 = arith.addf %add3A, %mul3A_32 : vector<200x256xf32>
    %get3A_34 = arith.constant 0 : index
    %get3A_35 = arith.constant 2 : index
    %get3A_36 = arith.constant 0 : index
    %get3A_37 = vector.load %arg3[%get3A_34, %get3A_35, %get3A_36] : memref<200x16x128xf32, #tpu.memory_space<vmem>>, vector<200x1x128xf32>
    %get3A_38 = vector.shape_cast %get3A_37 : vector<200x1x128xf32> to vector<200x128xf32>
    %get3A_39 = arith.constant 0 : index
    %get3A_40 = arith.constant 2 : index
    %get3A_41 = arith.constant 0 : index
    %get3A_42 = vector.load %arg4[%get3A_39, %get3A_40, %get3A_41] : memref<200x16x128xf32, #tpu.memory_space<vmem>>, vector<200x1x128xf32>
    %get3A_43 = vector.shape_cast %get3A_42 : vector<200x1x128xf32> to vector<200x128xf32>
    %concatenate3A_44 = tpu.concatenate %get3A_38, %get3A_43 in 1 : vector<200x128xf32>, vector<200x128xf32> -> vector<200x256xf32>
    %get3A_45 = arith.constant 0 : index
    %get3A_46 = arith.constant 2 : index
    %get3A_47 = vector.load %arg2[%get3A_45, %get3A_46] : memref<200x16xf32, #tpu.memory_space<vmem>>, vector<200x1xf32>
    %mul3A_48 = vector.broadcast %get3A_47 : vector<200x1xf32> to vector<200x256xf32>
    %mul3A_49 = arith.mulf %mul3A_48, %concatenate3A_44 : vector<200x256xf32>
    %add3A_50 = arith.addf %add3A_33, %mul3A_49 : vector<200x256xf32>
    %get3A_51 = arith.constant 0 : index
    %get3A_52 = arith.constant 3 : index
    %get3A_53 = arith.constant 0 : index
    %get3A_54 = vector.load %arg3[%get3A_51, %get3A_52, %get3A_53] : memref<200x16x128xf32, #tpu.memory_space<vmem>>, vector<200x1x128xf32>
    %get3A_55 = vector.shape_cast %get3A_54 : vector<200x1x128xf32> to vector<200x128xf32>
    %get3A_56 = arith.constant 0 : index
    %get3A_57 = arith.constant 3 : index
    %get3A_58 = arith.constant 0 : index
    %get3A_59 = vector.load %arg4[%get3A_56, %get3A_57, %get3A_58] : memref<200x16x128xf32, #tpu.memory_space<vmem>>, vector<200x1x128xf32>
    %get3A_60 = vector.shape_cast %get3A_59 : vector<200x1x128xf32> to vector<200x128xf32>
    %concatenate3A_61 = tpu.concatenate %get3A_55, %get3A_60 in 1 : vector<200x128xf32>, vector<200x128xf32> -> vector<200x256xf32>
    %get3A_62 = arith.constant 0 : index
    %get3A_63 = arith.constant 3 : index
    %get3A_64 = vector.load %arg2[%get3A_62, %get3A_63] : memref<200x16xf32, #tpu.memory_space<vmem>>, vector<200x1xf32>
    %mul3A_65 = vector.broadcast %get3A_64 : vector<200x1xf32> to vector<200x256xf32>
    %mul3A_66 = arith.mulf %mul3A_65, %concatenate3A_61 : vector<200x256xf32>
    %add3A_67 = arith.addf %add3A_50, %mul3A_66 : vector<200x256xf32>
    %get3A_68 = arith.constant 0 : index
    %get3A_69 = arith.constant 4 : index
    %get3A_70 = arith.constant 0 : index
    %get3A_71 = vector.load %arg3[%get3A_68, %get3A_69, %get3A_70] : memref<200x16x128xf32, #tpu.memory_space<vmem>>, vector<200x1x128xf32>
    %get3A_72 = vector.shape_cast %get3A_71 : vector<200x1x128xf32> to vector<200x128xf32>
    %get3A_73 = arith.constant 0 : index
    %get3A_74 = arith.constant 4 : index
    %get3A_75 = arith.constant 0 : index
    %get3A_76 = vector.load %arg4[%get3A_73, %get3A_74, %get3A_75] : memref<200x16x128xf32, #tpu.memory_space<vmem>>, vector<200x1x128xf32>
    %get3A_77 = vector.shape_cast %get3A_76 : vector<200x1x128xf32> to vector<200x128xf32>
    %concatenate3A_78 = tpu.concatenate %get3A_72, %get3A_77 in 1 : vector<200x128xf32>, vector<200x128xf32> -> vector<200x256xf32>
    %get3A_79 = arith.constant 0 : index
    %get3A_80 = arith.constant 4 : index
    %get3A_81 = vector.load %arg2[%get3A_79, %get3A_80] : memref<200x16xf32, #tpu.memory_space<vmem>>, vector<200x1xf32>
    %mul3A_82 = vector.broadcast %get3A_81 : vector<200x1xf32> to vector<200x256xf32>
    %mul3A_83 = arith.mulf %mul3A_82, %concatenate3A_78 : vector<200x256xf32>
    %add3A_84 = arith.addf %add3A_67, %mul3A_83 : vector<200x256xf32>
    %get3A_85 = arith.constant 0 : index
    %get3A_86 = arith.constant 5 : index
    %get3A_87 = arith.constant 0 : index
    %get3A_88 = vector.load %arg3[%get3A_85, %get3A_86, %get3A_87] : memref<200x16x128xf32, #tpu.memory_space<vmem>>, vector<200x1x128xf32>
    %get3A_89 = vector.shape_cast %get3A_88 : vector<200x1x128xf32> to vector<200x128xf32>
    %get3A_90 = arith.constant 0 : index
    %get3A_91 = arith.constant 5 : index
    %get3A_92 = arith.constant 0 : index
    %get3A_93 = vector.load %arg4[%get3A_90, %get3A_91, %get3A_92] : memref<200x16x128xf32, #tpu.memory_space<vmem>>, vector<200x1x128xf32>
    %get3A_94 = vector.shape_cast %get3A_93 : vector<200x1x128xf32> to vector<200x128xf32>
    %concatenate3A_95 = tpu.concatenate %get3A_89, %get3A_94 in 1 : vector<200x128xf32>, vector<200x128xf32> -> vector<200x256xf32>
    %get3A_96 = arith.constant 0 : index
    %get3A_97 = arith.constant 5 : index
    %get3A_98 = vector.load %arg2[%get3A_96, %get3A_97] : memref<200x16xf32, #tpu.memory_space<vmem>>, vector<200x1xf32>
    %mul3A_99 = vector.broadcast %get3A_98 : vector<200x1xf32> to vector<200x256xf32>
    %mul3A_100 = arith.mulf %mul3A_99, %concatenate3A_95 : vector<200x256xf32>
    %add3A_101 = arith.addf %add3A_84, %mul3A_100 : vector<200x256xf32>
    %get3A_102 = arith.constant 0 : index
    %get3A_103 = arith.constant 6 : index
    %get3A_104 = arith.constant 0 : index
    %get3A_105 = vector.load %arg3[%get3A_102, %get3A_103, %get3A_104] : memref<200x16x128xf32, #tpu.memory_space<vmem>>, vector<200x1x128xf32>
    %get3A_106 = vector.shape_cast %get3A_105 : vector<200x1x128xf32> to vector<200x128xf32>
    %get3A_107 = arith.constant 0 : index
    %get3A_108 = arith.constant 6 : index
    %get3A_109 = arith.constant 0 : index
    %get3A_110 = vector.load %arg4[%get3A_107, %get3A_108, %get3A_109] : memref<200x16x128xf32, #tpu.memory_space<vmem>>, vector<200x1x128xf32>
    %get3A_111 = vector.shape_cast %get3A_110 : vector<200x1x128xf32> to vector<200x128xf32>
    %concatenate3A_112 = tpu.concatenate %get3A_106, %get3A_111 in 1 : vector<200x128xf32>, vector<200x128xf32> -> vector<200x256xf32>
    %get3A_113 = arith.constant 0 : index
    %get3A_114 = arith.constant 6 : index
    %get3A_115 = vector.load %arg2[%get3A_113, %get3A_114] : memref<200x16xf32, #tpu.memory_space<vmem>>, vector<200x1xf32>
    %mul3A_116 = vector.broadcast %get3A_115 : vector<200x1xf32> to vector<200x256xf32>
    %mul3A_117 = arith.mulf %mul3A_116, %concatenate3A_112 : vector<200x256xf32>
    %add3A_118 = arith.addf %add3A_101, %mul3A_117 : vector<200x256xf32>
    %get3A_119 = arith.constant 0 : index
    %get3A_120 = arith.constant 7 : index
    %get3A_121 = arith.constant 0 : index
    %get3A_122 = vector.load %arg3[%get3A_119, %get3A_120, %get3A_121] : memref<200x16x128xf32, #tpu.memory_space<vmem>>, vector<200x1x128xf32>
    %get3A_123 = vector.shape_cast %get3A_122 : vector<200x1x128xf32> to vector<200x128xf32>
    %get3A_124 = arith.constant 0 : index
    %get3A_125 = arith.constant 7 : index
    %get3A_126 = arith.constant 0 : index
    %get3A_127 = vector.load %arg4[%get3A_124, %get3A_125, %get3A_126] : memref<200x16x128xf32, #tpu.memory_space<vmem>>, vector<200x1x128xf32>
    %get3A_128 = vector.shape_cast %get3A_127 : vector<200x1x128xf32> to vector<200x128xf32>
    %concatenate3A_129 = tpu.concatenate %get3A_123, %get3A_128 in 1 : vector<200x128xf32>, vector<200x128xf32> -> vector<200x256xf32>
    %get3A_130 = arith.constant 0 : index
    %get3A_131 = arith.constant 7 : index
    %get3A_132 = vector.load %arg2[%get3A_130, %get3A_131] : memref<200x16xf32, #tpu.memory_space<vmem>>, vector<200x1xf32>
    %mul3A_133 = vector.broadcast %get3A_132 : vector<200x1xf32> to vector<200x256xf32>
    %mul3A_134 = arith.mulf %mul3A_133, %concatenate3A_129 : vector<200x256xf32>
    %add3A_135 = arith.addf %add3A_118, %mul3A_134 : vector<200x256xf32>
    %get3A_136 = arith.constant 0 : index
    %get3A_137 = arith.constant 8 : index
    %get3A_138 = arith.constant 0 : index
    %get3A_139 = vector.load %arg3[%get3A_136, %get3A_137, %get3A_138] : memref<200x16x128xf32, #tpu.memory_space<vmem>>, vector<200x1x128xf32>
    %get3A_140 = vector.shape_cast %get3A_139 : vector<200x1x128xf32> to vector<200x128xf32>
    %get3A_141 = arith.constant 0 : index
    %get3A_142 = arith.constant 8 : index
    %get3A_143 = arith.constant 0 : index
    %get3A_144 = vector.load %arg4[%get3A_141, %get3A_142, %get3A_143] : memref<200x16x128xf32, #tpu.memory_space<vmem>>, vector<200x1x128xf32>
    %get3A_145 = vector.shape_cast %get3A_144 : vector<200x1x128xf32> to vector<200x128xf32>
    %concatenate3A_146 = tpu.concatenate %get3A_140, %get3A_145 in 1 : vector<200x128xf32>, vector<200x128xf32> -> vector<200x256xf32>
    %get3A_147 = arith.constant 0 : index
    %get3A_148 = arith.constant 8 : index
    %get3A_149 = vector.load %arg2[%get3A_147, %get3A_148] : memref<200x16xf32, #tpu.memory_space<vmem>>, vector<200x1xf32>
    %mul3A_150 = vector.broadcast %get3A_149 : vector<200x1xf32> to vector<200x256xf32>
    %mul3A_151 = arith.mulf %mul3A_150, %concatenate3A_146 : vector<200x256xf32>
    %add3A_152 = arith.addf %add3A_135, %mul3A_151 : vector<200x256xf32>
    %get3A_153 = arith.constant 0 : index
    %get3A_154 = arith.constant 9 : index
    %get3A_155 = arith.constant 0 : index
    %get3A_156 = vector.load %arg3[%get3A_153, %get3A_154, %get3A_155] : memref<200x16x128xf32, #tpu.memory_space<vmem>>, vector<200x1x128xf32>
    %get3A_157 = vector.shape_cast %get3A_156 : vector<200x1x128xf32> to vector<200x128xf32>
    %get3A_158 = arith.constant 0 : index
    %get3A_159 = arith.constant 9 : index
    %get3A_160 = arith.constant 0 : index
    %get3A_161 = vector.load %arg4[%get3A_158, %get3A_159, %get3A_160] : memref<200x16x128xf32, #tpu.memory_space<vmem>>, vector<200x1x128xf32>
    %get3A_162 = vector.shape_cast %get3A_161 : vector<200x1x128xf32> to vector<200x128xf32>
    %concatenate3A_163 = tpu.concatenate %get3A_157, %get3A_162 in 1 : vector<200x128xf32>, vector<200x128xf32> -> vector<200x256xf32>
    %get3A_164 = arith.constant 0 : index
    %get3A_165 = arith.constant 9 : index
    %get3A_166 = vector.load %arg2[%get3A_164, %get3A_165] : memref<200x16xf32, #tpu.memory_space<vmem>>, vector<200x1xf32>
    %mul3A_167 = vector.broadcast %get3A_166 : vector<200x1xf32> to vector<200x256xf32>
    %mul3A_168 = arith.mulf %mul3A_167, %concatenate3A_163 : vector<200x256xf32>
    %add3A_169 = arith.addf %add3A_152, %mul3A_168 : vector<200x256xf32>
    %get3A_170 = arith.constant 0 : index
    %get3A_171 = arith.constant 10 : index
    %get3A_172 = arith.constant 0 : index
    %get3A_173 = vector.load %arg3[%get3A_170, %get3A_171, %get3A_172] : memref<200x16x128xf32, #tpu.memory_space<vmem>>, vector<200x1x128xf32>
    %get3A_174 = vector.shape_cast %get3A_173 : vector<200x1x128xf32> to vector<200x128xf32>
    %get3A_175 = arith.constant 0 : index
    %get3A_176 = arith.constant 10 : index
    %get3A_177 = arith.constant 0 : index
    %get3A_178 = vector.load %arg4[%get3A_175, %get3A_176, %get3A_177] : memref<200x16x128xf32, #tpu.memory_space<vmem>>, vector<200x1x128xf32>
    %get3A_179 = vector.shape_cast %get3A_178 : vector<200x1x128xf32> to vector<200x128xf32>
    %concatenate3A_180 = tpu.concatenate %get3A_174, %get3A_179 in 1 : vector<200x128xf32>, vector<200x128xf32> -> vector<200x256xf32>
    %get3A_181 = arith.constant 0 : index
    %get3A_182 = arith.constant 10 : index
    %get3A_183 = vector.load %arg2[%get3A_181, %get3A_182] : memref<200x16xf32, #tpu.memory_space<vmem>>, vector<200x1xf32>
    %mul3A_184 = vector.broadcast %get3A_183 : vector<200x1xf32> to vector<200x256xf32>
    %mul3A_185 = arith.mulf %mul3A_184, %concatenate3A_180 : vector<200x256xf32>
    %add3A_186 = arith.addf %add3A_169, %mul3A_185 : vector<200x256xf32>
    %get3A_187 = arith.constant 0 : index
    %get3A_188 = arith.constant 11 : index
    %get3A_189 = arith.constant 0 : index
    %get3A_190 = vector.load %arg3[%get3A_187, %get3A_188, %get3A_189] : memref<200x16x128xf32, #tpu.memory_space<vmem>>, vector<200x1x128xf32>
    %get3A_191 = vector.shape_cast %get3A_190 : vector<200x1x128xf32> to vector<200x128xf32>
    %get3A_192 = arith.constant 0 : index
    %get3A_193 = arith.constant 11 : index
    %get3A_194 = arith.constant 0 : index
    %get3A_195 = vector.load %arg4[%get3A_192, %get3A_193, %get3A_194] : memref<200x16x128xf32, #tpu.memory_space<vmem>>, vector<200x1x128xf32>
    %get3A_196 = vector.shape_cast %get3A_195 : vector<200x1x128xf32> to vector<200x128xf32>
    %concatenate3A_197 = tpu.concatenate %get3A_191, %get3A_196 in 1 : vector<200x128xf32>, vector<200x128xf32> -> vector<200x256xf32>
    %get3A_198 = arith.constant 0 : index
    %get3A_199 = arith.constant 11 : index
    %get3A_200 = vector.load %arg2[%get3A_198, %get3A_199] : memref<200x16xf32, #tpu.memory_space<vmem>>, vector<200x1xf32>
    %mul3A_201 = vector.broadcast %get3A_200 : vector<200x1xf32> to vector<200x256xf32>
    %mul3A_202 = arith.mulf %mul3A_201, %concatenate3A_197 : vector<200x256xf32>
    %add3A_203 = arith.addf %add3A_186, %mul3A_202 : vector<200x256xf32>
    %get3A_204 = arith.constant 0 : index
    %get3A_205 = arith.constant 12 : index
    %get3A_206 = arith.constant 0 : index
    %get3A_207 = vector.load %arg3[%get3A_204, %get3A_205, %get3A_206] : memref<200x16x128xf32, #tpu.memory_space<vmem>>, vector<200x1x128xf32>
    %get3A_208 = vector.shape_cast %get3A_207 : vector<200x1x128xf32> to vector<200x128xf32>
    %get3A_209 = arith.constant 0 : index
    %get3A_210 = arith.constant 12 : index
    %get3A_211 = arith.constant 0 : index
    %get3A_212 = vector.load %arg4[%get3A_209, %get3A_210, %get3A_211] : memref<200x16x128xf32, #tpu.memory_space<vmem>>, vector<200x1x128xf32>
    %get3A_213 = vector.shape_cast %get3A_212 : vector<200x1x128xf32> to vector<200x128xf32>
    %concatenate3A_214 = tpu.concatenate %get3A_208, %get3A_213 in 1 : vector<200x128xf32>, vector<200x128xf32> -> vector<200x256xf32>
    %get3A_215 = arith.constant 0 : index
    %get3A_216 = arith.constant 12 : index
    %get3A_217 = vector.load %arg2[%get3A_215, %get3A_216] : memref<200x16xf32, #tpu.memory_space<vmem>>, vector<200x1xf32>
    %mul3A_218 = vector.broadcast %get3A_217 : vector<200x1xf32> to vector<200x256xf32>
    %mul3A_219 = arith.mulf %mul3A_218, %concatenate3A_214 : vector<200x256xf32>
    %add3A_220 = arith.addf %add3A_203, %mul3A_219 : vector<200x256xf32>
    %get3A_221 = arith.constant 0 : index
    %get3A_222 = arith.constant 13 : index
    %get3A_223 = arith.constant 0 : index
    %get3A_224 = vector.load %arg3[%get3A_221, %get3A_222, %get3A_223] : memref<200x16x128xf32, #tpu.memory_space<vmem>>, vector<200x1x128xf32>
    %get3A_225 = vector.shape_cast %get3A_224 : vector<200x1x128xf32> to vector<200x128xf32>
    %get3A_226 = arith.constant 0 : index
    %get3A_227 = arith.constant 13 : index
    %get3A_228 = arith.constant 0 : index
    %get3A_229 = vector.load %arg4[%get3A_226, %get3A_227, %get3A_228] : memref<200x16x128xf32, #tpu.memory_space<vmem>>, vector<200x1x128xf32>
    %get3A_230 = vector.shape_cast %get3A_229 : vector<200x1x128xf32> to vector<200x128xf32>
    %concatenate3A_231 = tpu.concatenate %get3A_225, %get3A_230 in 1 : vector<200x128xf32>, vector<200x128xf32> -> vector<200x256xf32>
    %get3A_232 = arith.constant 0 : index
    %get3A_233 = arith.constant 13 : index
    %get3A_234 = vector.load %arg2[%get3A_232, %get3A_233] : memref<200x16xf32, #tpu.memory_space<vmem>>, vector<200x1xf32>
    %mul3A_235 = vector.broadcast %get3A_234 : vector<200x1xf32> to vector<200x256xf32>
    %mul3A_236 = arith.mulf %mul3A_235, %concatenate3A_231 : vector<200x256xf32>
    %add3A_237 = arith.addf %add3A_220, %mul3A_236 : vector<200x256xf32>
    %get3A_238 = arith.constant 0 : index
    %get3A_239 = arith.constant 14 : index
    %get3A_240 = arith.constant 0 : index
    %get3A_241 = vector.load %arg3[%get3A_238, %get3A_239, %get3A_240] : memref<200x16x128xf32, #tpu.memory_space<vmem>>, vector<200x1x128xf32>
    %get3A_242 = vector.shape_cast %get3A_241 : vector<200x1x128xf32> to vector<200x128xf32>
    %get3A_243 = arith.constant 0 : index
    %get3A_244 = arith.constant 14 : index
    %get3A_245 = arith.constant 0 : index
    %get3A_246 = vector.load %arg4[%get3A_243, %get3A_244, %get3A_245] : memref<200x16x128xf32, #tpu.memory_space<vmem>>, vector<200x1x128xf32>
    %get3A_247 = vector.shape_cast %get3A_246 : vector<200x1x128xf32> to vector<200x128xf32>
    %concatenate3A_248 = tpu.concatenate %get3A_242, %get3A_247 in 1 : vector<200x128xf32>, vector<200x128xf32> -> vector<200x256xf32>
    %get3A_249 = arith.constant 0 : index
    %get3A_250 = arith.constant 14 : index
    %get3A_251 = vector.load %arg2[%get3A_249, %get3A_250] : memref<200x16xf32, #tpu.memory_space<vmem>>, vector<200x1xf32>
    %mul3A_252 = vector.broadcast %get3A_251 : vector<200x1xf32> to vector<200x256xf32>
    %mul3A_253 = arith.mulf %mul3A_252, %concatenate3A_248 : vector<200x256xf32>
    %add3A_254 = arith.addf %add3A_237, %mul3A_253 : vector<200x256xf32>
    %get3A_255 = arith.constant 0 : index
    %get3A_256 = arith.constant 15 : index
    %get3A_257 = arith.constant 0 : index
    %get3A_258 = vector.load %arg3[%get3A_255, %get3A_256, %get3A_257] : memref<200x16x128xf32, #tpu.memory_space<vmem>>, vector<200x1x128xf32>
    %get3A_259 = vector.shape_cast %get3A_258 : vector<200x1x128xf32> to vector<200x128xf32>
    %get3A_260 = arith.constant 0 : index
    %get3A_261 = arith.constant 15 : index
    %get3A_262 = arith.constant 0 : index
    %get3A_263 = vector.load %arg4[%get3A_260, %get3A_261, %get3A_262] : memref<200x16x128xf32, #tpu.memory_space<vmem>>, vector<200x1x128xf32>
    %get3A_264 = vector.shape_cast %get3A_263 : vector<200x1x128xf32> to vector<200x128xf32>
    %concatenate3A_265 = tpu.concatenate %get3A_259, %get3A_264 in 1 : vector<200x128xf32>, vector<200x128xf32> -> vector<200x256xf32>
    %get3A_266 = arith.constant 0 : index
    %get3A_267 = arith.constant 15 : index
    %get3A_268 = vector.load %arg2[%get3A_266, %get3A_267] : memref<200x16xf32, #tpu.memory_space<vmem>>, vector<200x1xf32>
    %mul3A_269 = vector.broadcast %get3A_268 : vector<200x1xf32> to vector<200x256xf32>
    %mul3A_270 = arith.mulf %mul3A_269, %concatenate3A_265 : vector<200x256xf32>
    %add3A_271 = arith.addf %add3A_254, %mul3A_270 : vector<200x256xf32>
    %add3A_272 = arith.addf %get3A_1, %add3A_271 : vector<200x256xf32>
    %get3A_273 = arith.constant 0 : index
    %get3A_274 = arith.constant 0 : index
    %get3A_275 = vector.load %arg5[%get3A_273, %get3A_274] : memref<256x256xf32, #tpu.memory_space<vmem>>, vector<256x256xf32>
    %dot_general3A = arith.constant dense<0.000000e+00> : vector<200x256xf32>
    %dot_general3A_276 = tpu.matmul %add3A_272, %get3A_275, %dot_general3A {dimension_numbers = #tpu.dot_dimension_numbers<[1], [0], [0], [1], [0, 0, 1, 1], [], []>, transpose_lhs_hint = false} : vector<200x256xf32>, vector<256x256xf32>, vector<200x256xf32> -> vector<200x256xf32>
    %get3A_277 = arith.constant 0 : index
    %get3A_278 = arith.constant 0 : index
    %get3A_279 = vector.load %arg6[%get3A_277, %get3A_278] : memref<1x256xf32, #tpu.memory_space<vmem>>, vector<1x256xf32>
    %add3A_280 = vector.broadcast %get3A_279 : vector<1x256xf32> to vector<200x256xf32>
    %add3A_281 = arith.addf %dot_general3A_276, %add3A_280 : vector<200x256xf32>
    %mul3A_282 = arith.mulf %get3A_1, %add3A_271 : vector<200x256xf32>
    %get3A_283 = arith.constant 0 : index
    %get3A_284 = arith.constant 0 : index
    %get3A_285 = vector.load %arg7[%get3A_283, %get3A_284] : memref<256x256xf32, #tpu.memory_space<vmem>>, vector<256x256xf32>
    %dot_general3A_286 = arith.constant dense<0.000000e+00> : vector<200x256xf32>
    %dot_general3A_287 = tpu.matmul %mul3A_282, %get3A_285, %dot_general3A_286 {dimension_numbers = #tpu.dot_dimension_numbers<[1], [0], [0], [1], [0, 0, 1, 1], [], []>, transpose_lhs_hint = false} : vector<200x256xf32>, vector<256x256xf32>, vector<200x256xf32> -> vector<200x256xf32>
    %get3A_288 = arith.constant 0 : index
    %get3A_289 = arith.constant 0 : index
    %get3A_290 = vector.load %arg8[%get3A_288, %get3A_289] : memref<1x256xf32, #tpu.memory_space<vmem>>, vector<1x256xf32>
    %add3A_291 = vector.broadcast %get3A_290 : vector<1x256xf32> to vector<200x256xf32>
    %add3A_292 = arith.addf %dot_general3A_287, %add3A_291 : vector<200x256xf32>
    %get3A_293 = arith.constant 0 : index
    %get3A_294 = arith.constant 0 : index
    %get3A_295 = vector.load %arg9[%get3A_293, %get3A_294] : memref<256x128xf32, #tpu.memory_space<vmem>>, vector<256x128xf32>
    %dot_general3A_296 = arith.constant dense<0.000000e+00> : vector<200x128xf32>
    %dot_general3A_297 = tpu.matmul %get3A_1, %get3A_295, %dot_general3A_296 {dimension_numbers = #tpu.dot_dimension_numbers<[1], [0], [0], [1], [0, 0, 1, 1], [], []>, transpose_lhs_hint = false} : vector<200x256xf32>, vector<256x128xf32>, vector<200x128xf32> -> vector<200x128xf32>
    %get3A_298 = arith.constant 0 : index
    %get3A_299 = arith.constant 0 : index
    %get3A_300 = vector.load %arg10[%get3A_298, %get3A_299] : memref<1x128xf32, #tpu.memory_space<vmem>>, vector<1x128xf32>
    %add3A_301 = vector.broadcast %get3A_300 : vector<1x128xf32> to vector<200x128xf32>
    %add3A_302 = arith.addf %dot_general3A_297, %add3A_301 : vector<200x128xf32>
    %get3A_303 = arith.constant 0 : index
    %get3A_304 = arith.constant 0 : index
    %get3A_305 = vector.load %arg11[%get3A_303, %get3A_304] : memref<256x128xf32, #tpu.memory_space<vmem>>, vector<256x128xf32>
    %dot_general3A_306 = arith.constant dense<0.000000e+00> : vector<200x128xf32>
    %dot_general3A_307 = tpu.matmul %add3A_271, %get3A_305, %dot_general3A_306 {dimension_numbers = #tpu.dot_dimension_numbers<[1], [0], [0], [1], [0, 0, 1, 1], [], []>, transpose_lhs_hint = false} : vector<200x256xf32>, vector<256x128xf32>, vector<200x128xf32> -> vector<200x128xf32>
    %get3A_308 = arith.constant 0 : index
    %get3A_309 = arith.constant 0 : index
    %get3A_310 = vector.load %arg12[%get3A_308, %get3A_309] : memref<1x128xf32, #tpu.memory_space<vmem>>, vector<1x128xf32>
    %add3A_311 = vector.broadcast %get3A_310 : vector<1x128xf32> to vector<200x128xf32>
    %add3A_312 = arith.addf %dot_general3A_307, %add3A_311 : vector<200x128xf32>
    %add3A_313 = arith.addf %add3A_302, %add3A_312 : vector<200x128xf32>
    %get3A_314 = arith.constant 0 : index
    %get3A_315 = arith.constant 0 : index
    %get3A_316 = vector.load %arg13[%get3A_314, %get3A_315] : memref<128x256xf32, #tpu.memory_space<vmem>>, vector<128x256xf32>
    %dot_general3A_317 = arith.constant dense<0.000000e+00> : vector<200x256xf32>
    %dot_general3A_318 = tpu.matmul %add3A_313, %get3A_316, %dot_general3A_317 {dimension_numbers = #tpu.dot_dimension_numbers<[1], [0], [0], [1], [0, 0, 1, 1], [], []>, transpose_lhs_hint = false} : vector<200x128xf32>, vector<128x256xf32>, vector<200x256xf32> -> vector<200x256xf32>
    %get3A_319 = arith.constant 0 : index
    %get3A_320 = arith.constant 0 : index
    %get3A_321 = vector.load %arg14[%get3A_319, %get3A_320] : memref<1x256xf32, #tpu.memory_space<vmem>>, vector<1x256xf32>
    %add3A_322 = vector.broadcast %get3A_321 : vector<1x256xf32> to vector<200x256xf32>
    %add3A_323 = arith.addf %dot_general3A_318, %add3A_322 : vector<200x256xf32>
    %neg3A = arith.constant 0.000000e+00 : f32
    %neg3A_324 = vector.broadcast %neg3A : f32 to vector<200x256xf32>
    %neg3A_325 = arith.subf %neg3A_324, %add3A_323 : vector<200x256xf32>
    %exp3A = math.exp %neg3A_325 : vector<200x256xf32>
    %add3A_326 = arith.constant 1.000000e+00 : f32
    %add3A_327 = vector.broadcast %add3A_326 : f32 to vector<200x256xf32>
    %add3A_328 = arith.addf %add3A_327, %exp3A : vector<200x256xf32>
    %div3A = arith.constant 1.000000e+00 : f32
    %div3A_329 = vector.broadcast %div3A : f32 to vector<200x256xf32>
    %div3A_330 = arith.divf %div3A_329, %add3A_328 : vector<200x256xf32>
    %mul3A_331 = arith.mulf %div3A_330, %add3A_281 : vector<200x256xf32>
    %sub3A = arith.constant 1.000000e+00 : f32
    %sub3A_332 = vector.broadcast %sub3A : f32 to vector<200x256xf32>
    %sub3A_333 = arith.subf %sub3A_332, %div3A_330 : vector<200x256xf32>
    %mul3A_334 = arith.mulf %sub3A_333, %add3A_292 : vector<200x256xf32>
    %add3A_335 = arith.addf %mul3A_331, %mul3A_334 : vector<200x256xf32>
    %gt3A = arith.constant 0.000000e+00 : f32
    %gt3A_336 = vector.broadcast %gt3A : f32 to vector<200x256xf32>
    %gt3A_337 = arith.cmpf ogt, %add3A_335, %gt3A_336 : vector<200x256xf32>
    %mul3A_338 = arith.constant 0.00999999977 : f32
    %mul3A_339 = vector.broadcast %mul3A_338 : f32 to vector<200x256xf32>
    %mul3A_340 = arith.mulf %mul3A_339, %add3A_335 : vector<200x256xf32>
    %select_n3A = arith.select %gt3A_337, %add3A_335, %mul3A_340 : vector<200x256xi1>, vector<200x256xf32>
    %add3A_341 = arith.addf %select_n3A, %get3A_1 : vector<200x256xf32>
    %reduce_sum3A = arith.constant dense<0.000000e+00> : vector<200xf32>
    %reduce_sum3A_342 = vector.multi_reduction <add>, %add3A_341, %reduce_sum3A [1] : vector<200x256xf32> to vector<200xf32>
    %broadcast_in_dim3A_343 = vector.shape_cast %reduce_sum3A_342 : vector<200xf32> to vector<200x1xf32>
    %div3A_344 = arith.constant 2.560000e+02 : f32
    %div3A_345 = vector.broadcast %div3A_344 : f32 to vector<200x1xf32>
    %div3A_346 = arith.divf %broadcast_in_dim3A_343, %div3A_345 : vector<200x1xf32>
    %sub3A_347 = vector.broadcast %div3A_346 : vector<200x1xf32> to vector<200x256xf32>
    %sub3A_348 = arith.subf %add3A_341, %sub3A_347 : vector<200x256xf32>
    %integer_pow3A = arith.mulf %sub3A_348, %sub3A_348 : vector<200x256xf32>
    %reduce_sum3A_349 = arith.constant dense<0.000000e+00> : vector<200xf32>
    %reduce_sum3A_350 = vector.multi_reduction <add>, %integer_pow3A, %reduce_sum3A_349 [1] : vector<200x256xf32> to vector<200xf32>
    %broadcast_in_dim3A_351 = vector.shape_cast %reduce_sum3A_350 : vector<200xf32> to vector<200x1xf32>
    %div3A_352 = arith.constant 2.560000e+02 : f32
    %div3A_353 = vector.broadcast %div3A_352 : f32 to vector<200x1xf32>
    %div3A_354 = arith.divf %broadcast_in_dim3A_351, %div3A_353 : vector<200x1xf32>
    %sub3A_355 = vector.broadcast %div3A_346 : vector<200x1xf32> to vector<200x256xf32>
    %sub3A_356 = arith.subf %add3A_341, %sub3A_355 : vector<200x256xf32>
    %add3A_357 = arith.constant 9.99999974E-6 : f32
    %add3A_358 = vector.broadcast %add3A_357 : f32 to vector<200x1xf32>
    %add3A_359 = arith.addf %div3A_354, %add3A_358 : vector<200x1xf32>
    %sqrt3A = math.sqrt %add3A_359 : vector<200x1xf32>
    %div3A_360 = vector.broadcast %sqrt3A : vector<200x1xf32> to vector<200x256xf32>
    %div3A_361 = arith.divf %sub3A_356, %div3A_360 : vector<200x256xf32>
    %get3A_362 = arith.constant 0 : index
    %get3A_363 = arith.constant 0 : index
    %get3A_364 = vector.load %arg15[%get3A_362, %get3A_363] : memref<1x256xf32, #tpu.memory_space<vmem>>, vector<1x256xf32>
    %mul3A_365 = vector.broadcast %get3A_364 : vector<1x256xf32> to vector<200x256xf32>
    %mul3A_366 = arith.mulf %div3A_361, %mul3A_365 : vector<200x256xf32>
    %get3A_367 = arith.constant 0 : index
    %get3A_368 = arith.constant 0 : index
    %get3A_369 = vector.load %arg16[%get3A_367, %get3A_368] : memref<1x256xf32, #tpu.memory_space<vmem>>, vector<1x256xf32>
    %add3A_370 = vector.broadcast %get3A_369 : vector<1x256xf32> to vector<200x256xf32>
    %add3A_371 = arith.addf %mul3A_366, %add3A_370 : vector<200x256xf32>
    %swap3A = arith.constant 0 : index
    %swap3A_372 = arith.constant 0 : index
    %swap3A_373 = vector.load %arg17[%swap3A, %swap3A_372] : memref<200x256xf32, #tpu.memory_space<vmem>>, vector<200x256xf32>
    tpu.vector_store %arg17[%swap3A, %swap3A_372], %add3A_371 {strides = array<i32>} : memref<200x256xf32, #tpu.memory_space<vmem>>, vector<200x256xf32>,
    return
  }
  func.func @transform_0(%arg0: i32) -> (i32, i32) {
    %c0_i32 = arith.constant 0 : i32
    %c0_i32_0 = arith.constant 0 : i32
    return %arg0, %c0_i32 : i32, i32
  }
  func.func @transform_1(%arg0: i32) -> (i32, i32) {
    %c0_i32 = arith.constant 0 : i32
    %c0_i32_0 = arith.constant 0 : i32
    return %arg0, %c0_i32 : i32, i32
  }
  func.func @transform_2(%arg0: i32) -> (i32, i32, i32) {
    %c0_i32 = arith.constant 0 : i32
    %c0_i32_0 = arith.constant 0 : i32
    %c0_i32_1 = arith.constant 0 : i32
    return %arg0, %c0_i32, %c0_i32_0 : i32, i32, i32
  }
  func.func @transform_3(%arg0: i32) -> (i32, i32, i32) {
    %c0_i32 = arith.constant 0 : i32
    %c0_i32_0 = arith.constant 0 : i32
    %c0_i32_1 = arith.constant 0 : i32
    return %arg0, %c0_i32, %c0_i32_0 : i32, i32, i32
  }
  func.func @transform_4(%arg0: i32) -> (i32, i32) {
    %c0_i32 = arith.constant 0 : i32
    %c0_i32_0 = arith.constant 0 : i32
    %c0_i32_1 = arith.constant 0 : i32
    return %c0_i32, %c0_i32_0 : i32, i32
  }
  func.func @transform_5(%arg0: i32) -> (i32, i32) {
    %c0_i32 = arith.constant 0 : i32
    %c0_i32_0 = arith.constant 0 : i32
    %c0_i32_1 = arith.constant 0 : i32
    return %c0_i32, %c0_i32_0 : i32, i32
  }
  func.func @transform_6(%arg0: i32) -> (i32, i32) {
    %c0_i32 = arith.constant 0 : i32
    %c0_i32_0 = arith.constant 0 : i32
    %c0_i32_1 = arith.constant 0 : i32
    return %c0_i32, %c0_i32_0 : i32, i32
  }
  func.func @transform_7(%arg0: i32) -> (i32, i32) {
    %c0_i32 = arith.constant 0 : i32
    %c0_i32_0 = arith.constant 0 : i32
    %c0_i32_1 = arith.constant 0 : i32
    return %c0_i32, %c0_i32_0 : i32, i32
  }
  func.func @transform_8(%arg0: i32) -> (i32, i32) {
    %c0_i32 = arith.constant 0 : i32
    %c0_i32_0 = arith.constant 0 : i32
    %c0_i32_1 = arith.constant 0 : i32
    return %c0_i32, %c0_i32_0 : i32, i32
  }
  func.func @transform_9(%arg0: i32) -> (i32, i32) {
    %c0_i32 = arith.constant 0 : i32
    %c0_i32_0 = arith.constant 0 : i32
    %c0_i32_1 = arith.constant 0 : i32
    return %c0_i32, %c0_i32_0 : i32, i32
  }
  func.func @transform_10(%arg0: i32) -> (i32, i32) {
    %c0_i32 = arith.constant 0 : i32
    %c0_i32_0 = arith.constant 0 : i32
    %c0_i32_1 = arith.constant 0 : i32
    return %c0_i32, %c0_i32_0 : i32, i32
  }
  func.func @transform_11(%arg0: i32) -> (i32, i32) {
    %c0_i32 = arith.constant 0 : i32
    %c0_i32_0 = arith.constant 0 : i32
    %c0_i32_1 = arith.constant 0 : i32
    return %c0_i32, %c0_i32_0 : i32, i32
  }
  func.func @transform_12(%arg0: i32) -> (i32, i32) {
    %c0_i32 = arith.constant 0 : i32
    %c0_i32_0 = arith.constant 0 : i32
    %c0_i32_1 = arith.constant 0 : i32
    return %c0_i32, %c0_i32_0 : i32, i32
  }
  func.func @transform_13(%arg0: i32) -> (i32, i32) {
    %c0_i32 = arith.constant 0 : i32
    %c0_i32_0 = arith.constant 0 : i32
    %c0_i32_1 = arith.constant 0 : i32
    return %c0_i32, %c0_i32_0 : i32, i32
  }
  func.func @transform_14(%arg0: i32) -> (i32, i32) {
    %c0_i32 = arith.constant 0 : i32
    %c0_i32_0 = arith.constant 0 : i32
    %c0_i32_1 = arith.constant 0 : i32
    return %c0_i32, %c0_i32_0 : i32, i32
  }
  func.func @transform_15(%arg0: i32) -> (i32, i32) {
    %c0_i32 = arith.constant 0 : i32
    %c0_i32_0 = arith.constant 0 : i32
    %c0_i32_1 = arith.constant 0 : i32
    return %c0_i32, %c0_i32_0 : i32, i32
  }
  func.func @transform_16(%arg0: i32) -> (i32, i32) {
    %c0_i32 = arith.constant 0 : i32
    %c0_i32_0 = arith.constant 0 : i32
    return %arg0, %c0_i32 : i32, i32
  }
}

</mosaic_0001>

<sc_bundles>
// kernel: kernel.11.cloned.1.call-start
scs
__scs_entry_jumppad:
0x0: {  	(pc) =	sbr.rel $0x88, $3  }
0x1: {  	(tag) =	ssettag $0x0;
	lr =	simm.s32 $0x1  }
0x2: {  	[smem:$0x3F8A] =	sst lr;
	_ =	strace $0xD0000000  }
0x3: {  	_ = 	snop  }
0x4: {  	_ = 	snop  }
0x5: {  	_ = 	snop  }
0x6: {  	_ = 	snop  }
0x7: {  	_ = 	snop  }
__scs_overlays_trampoline_lowered:
0x8: {  	[smem:$0x3F99] =	sst s0  }
0x9: {  	[smem:$0x3F9A] =	sst s1  }
0xa: {  	[smem:$0x3F9B] =	sst s2  }
0xb: {  	[smem:$0x3F9C] =	sst s3  }
0xc: {  	[smem:$0x3F9D] =	sst s4  }
0xd: {  	[smem:$0x3F9E] =	sst s5  }
0xe: {  	[smem:$0x3F9F] =	sst s6  }
0xf: {  	[smem:$0x3FA0] =	sst s7  }
0x10: {  	[smem:$0x3FA1] =	sst s8  }
0x11: {  	[smem:$0x3FA2] =	sst s9;
	s0 =	simm.s32 @!p0 $0x0  }
0x12: {  	s1 =	sld [smem:$0x3F88];
	s0 =	simm.s32 @p0 $0x1  }
0x13: {  	[smem:$0x3FA3] =	sst s0;
	s0 =	simm.s32 @!p1 $0x0  }
0x14: {  	s2 =	sld [smem:$0x3F87];
	s0 =	simm.s32 @p1 $0x1  }
0x15: {  	[smem:$0x3FA4] =	sst s0;
	s0 =	simm.s32 @!p2 $0x0  }
0x16: {  	s3 =	sld [smem:$0x3FDB];
	s0 =	simm.s32 @p2 $0x1  }
0x17: {  	s4 =	simm.s32 $0x1BF5;
	[smem:$0x3FA6] =	sst s0  }
0x18: {  	s0 =	sld [smem:$0x3F89];
	_ =	swait.ge [sflag:s4], $0x0  }
0x19: {  	s7 =	sld [smem:$0x3F8A]  }
0x1a: {  	s8 =	sadd.s32 $0xFFFFE003, lr  }
0x1b: {  	s9 =	sadd.s32 $0xFFFFFEF7, lr;
	s5 =	simm.s32 $0xFFFFFFFF;
	p2 =	slt.u32 s8, $0xFFFFF086  }
0x1c: {  	p1 =	slt.u32 s9, $0xF7A;
	s5 =	simm.s32 @!p2 $0x0  }
0x1d: {  	s5 =	simm.s32 @p1 $0x1;
	p0 =	seq.s32 s7, s2  }
0x1e: {  	s7 =	smul.u32 @!p0 $0xF7A, s2;
	p2 =	seq.s32 @!p0 s5, $0x0  }
0x1f: {  	s9 =	smul.u32 $0xF7A, s1;
	s8 =	simm.s32 @!p0 $0x1BF5;
	p2 =	por !p2, p0  }
0x20: {  	[sflag:s8] =	ssyncset.s32 @!p0 $0xFFFFF086;
	s6 =	sadd.s32 @!p0 s3, s7;
	s7 =	simm.s32 @!p0 $0x108  }
0x21: {  	s3 =	sadd.s32 s3, s9;
	s6 =	sadd.s32 @!p0 $0x88, s6;
	s7 =	simm.s32 @p2 $0x1082  }
0x22: {  	[simem:s7], [sflag:s8] =	dma.local @!p0 [hbm:s6], $0xF7A  }
0x23: {  	s9 =	sor.u32 $0xD0000000, s2;
	s6 =	simm.s32 $0x108;
	_ =	swait.ge @!p0 [sflag:s8], $0x0  }
0x24: {  	s3 =	sadd.s32 $0x88, s3;
	s6 =	simm.s32 @!p1 $0x1082;
	[sflag:s4] =	ssyncset.s32 $0xFFFFF086  }
0x25: {  	[simem:s6], [sflag:s4] =	dma.local [hbm:s3], $0xF7A  }
0x26: {  	[smem:$0x3F8A] =	sst s1;
	(tag) =	ssettag s2;
	_ =	strace s9  }
0x27: {  	s1 =	sld [smem:$0x3F9A]  }
0x28: {  	s2 =	sld [smem:$0x3F9B]  }
0x29: {  	s4 =	sld [smem:$0x3F9D]  }
0x2a: {  	p0 =	seq.s32 s5, $0x0;
	s5 =	sld [smem:$0x3F9E]  }
0x2b: {  	s6 =	sld [smem:$0x3F9F]  }
0x2c: {  	s7 =	sld [smem:$0x3FA0]  }
0x2d: {  	s3 =	simm.s32 $0x108;
	s8 =	sld [smem:$0x3FA1]  }
0x2e: {  	s3 =	simm.s32 @!p0 $0x1082;
	s9 =	sld [smem:$0x3FA2]  }
0x2f: {  	lr =	sadd.s32 s0, s3;
	s0 =	sld [smem:$0x3F99]  }
0x30: {  	s3 =	sld [smem:$0x3F9C]  }
0x31: {  	[smem:$0x3FA5] =	sst s10  }
0x32: {  	s10 =	sld [smem:$0x3FA3];
	_ =	sdelay $0x3  }
0x33: {  	p0 =	seq.s32 s10, $0x1;
	s10 =	sld [smem:$0x3FA5];
	_ =	sdelay $0x3  }
0x34: {  	[smem:$0x3FA5] =	sst s10  }
0x35: {  	s10 =	sld [smem:$0x3FA4];
	_ =	sdelay $0x3  }
0x36: {  	p1 =	seq.s32 s10, $0x1;
	s10 =	sld [smem:$0x3FA5];
	_ =	sdelay $0x3  }
0x37: {  	[smem:$0x3FA5] =	sst s10  }
0x38: {  	s10 =	sld [smem:$0x3FA6]  }
0x39: {  	_ = 	snop;
	(pc) =	sbr.ind lr, $3  }
0x3a: {  	_ = 	snop  }
0x3b: {  	_ = 	snop  }
0x3c: {  	p2 =	seq.s32 s10, $0x1;
	s10 =	sld [smem:$0x3FA5]  }
0x3d: {  	_ =	shalt  }
0x3e: {  	_ =	shalt  }
0x3f: {  	_ =	shalt  }
0x40: {  	_ =	shalt  }
0x41: {  	_ =	shalt  }
0x42: {  	_ =	shalt  }
0x43: {  	_ =	shalt  }
0x44: {  	_ =	shalt  }
0x45: {  	_ =	shalt  }
0x46: {  	_ =	shalt  }
0x47: {  	_ =	shalt  }
0x48: {  	_ =	shalt  }
0x49: {  	_ =	shalt  }
0x4a: {  	_ =	shalt  }
0x4b: {  	_ =	shalt  }
0x4c: {  	_ =	shalt  }
0x4d: {  	_ =	shalt  }
0x4e: {  	_ =	shalt  }
0x4f: {  	_ =	shalt  }
0x50: {  	_ =	shalt  }
0x51: {  	_ =	shalt  }
0x52: {  	_ =	shalt  }
0x53: {  	_ =	shalt  }
0x54: {  	_ =	shalt  }
0x55: {  	_ =	shalt  }
0x56: {  	_ =	shalt  }
0x57: {  	_ =	shalt  }
0x58: {  	_ =	shalt  }
0x59: {  	_ =	shalt  }
0x5a: {  	_ =	shalt  }
0x5b: {  	_ =	shalt  }
0x5c: {  	_ =	shalt  }
0x5d: {  	_ =	shalt  }
0x5e: {  	_ =	shalt  }
0x5f: {  	_ =	shalt  }
0x60: {  	_ =	shalt  }
0x61: {  	_ =	shalt  }
0x62: {  	_ =	shalt  }
0x63: {  	_ =	shalt  }
0x64: {  	_ =	shalt  }
0x65: {  	_ =	shalt  }
0x66: {  	_ =	shalt  }
0x67: {  	_ =	shalt  }
0x68: {  	_ =	shalt  }
0x69: {  	_ =	shalt  }
0x6a: {  	_ =	shalt  }
0x6b: {  	_ =	shalt  }
0x6c: {  	_ =	shalt  }
0x6d: {  	_ =	shalt  }
0x6e: {  	_ =	shalt  }
0x6f: {  	_ =	shalt  }
0x70: {  	_ =	shalt  }
0x71: {  	_ =	shalt  }
0x72: {  	_ =	shalt  }
0x73: {  	_ =	shalt  }
0x74: {  	_ =	shalt  }
0x75: {  	_ =	shalt  }
0x76: {  	_ =	shalt  }
0x77: {  	_ =	shalt  }
0x78: {  	_ =	shalt  }
0x79: {  	_ =	shalt  }
0x7a: {  	_ =	shalt  }
0x7b: {  	_ =	shalt  }
0x7c: {  	_ =	shalt  }
0x7d: {  	_ =	shalt  }
0x7e: {  	_ =	shalt  }
0x7f: {  	_ =	shalt  }
0x80: {  	_ =	shalt  }
0x81: {  	_ =	shalt  }
0x82: {  	_ =	shalt  }
0x83: {  	_ =	shalt  }
0x84: {  	_ =	shalt  }
0x85: {  	_ =	shalt  }
0x86: {  	_ =	shalt  }
0x87: {  	_ =	shalt  }
.Lfunc_end0:
.L_simem_size_0:
called_computation_lowered:
.L_overlay_start_0:
0x88: {  	s2 =	sld [smem:$0x3FD9]  }
0x89: {  	s3 =	sld [smem:$0x3FFE];
	_ =	sdelay $0x1  }
0x8a: {  	s1 =	srdreg.scid  }
0x8b: {  	s0 =	sand.u32 $0x1, s1  }
0x8c: {  	s14 =	sshll.u32 s0, $0xA;
	s2 =	sadd.s32 s3, s2  }
0x8d: {  	s2 =	sadd.s32 s2, s14  }
0x8e: {  	[smem:$0x3FB1] =	sst s2  }
0x8f: {  	_ = 	snop  }
0x90: {  	s2 =	sld [smem:$0x3FD0];
	_ =	sdelay $0x2  }
0x91: {  	s15 =	simm.s32 $0xB;
	s4 =	simm.s32 $0x10  }
0x92: {  	[smem:s4], [sflag:s15] =	dma.local [hbm:s2], $0x1  }
0x93: {  	_ =	swait.eq [sflag:s15], $0x1  }
0x94: {  	[sflag:s15] =	ssyncset.done $0x0  }
0x95: {  	[sflag:s15] =	ssyncadd.s32 $0xFFFFFFFF  }
0x96: {  	s16 =	sld [smem:$0x11];
	(tm) =	ssettm $0x1  }
0x97: {  	s17 =	sld [smem:$0x3FFB];
	_ =	sdelay $0x3  }
0x98: {  	_ =	strace s17  }
0x99: {  	s3 =	sld [smem:$0x3FFC];
	_ =	sdelay $0x3  }
0x9a: {  	_ =	strace s3  }
0x9b: {  	s3 =	sld [smem:$0x3FFD];
	_ =	sdelay $0x3  }
0x9c: {  	_ =	strace s3  }
0x9d: {  	_ =	strace $0x8FFFFFFF  }
0x9e: {  	s18 =	sld [smem:$0x3FDB];
	_ =	sdelay $0x1  }
0x9f: {  	s19 =	simm.s32 $_scs_section_size  }
0xa0: {  	s5 =	simm.s32 $_size__tile_overlayer_lowered;
	s6 =	simm.s32 $_tile_overlayer_lowered  }
0xa1: {  	s22 =	simm.s32 $0x1BFF;
	s21 =	sshll.u32 s6, $0x1;
	s3 =	sadd.s32 s19, s18  }
0xa2: {  	s7 =	simm.s32 $0x0;
	s20 =	sshll.u32 s5, $0x1;
	s5 =	sadd.s32 s21, s3  }
0xa3: {  	[timem:s7], [sflag:s22] =	dma.local [hbm:s5], s20  }
0xa4: {  	_ =	swait.ge [sflag:s22], s20  }
0xa5: {  	s4 =	ssub.s32 $0x0, s20;
	[sflag:s22] =	ssyncset.done $0x0  }
0xa6: {  	[sflag:s22] =	ssyncadd.s32 s4;
	_ =	sdelay $0x1  }
0xa7: {  	s23 =	simm.s32 $0x1B8B  }
0xa8: {  	_ =	swait.ge [sflag:s23], $0x1  }
0xa9: {  	[sflag:s23] =	ssyncset.done $0x0  }
0xaa: {  	s25 =	simm.s32 $0x1B8E;
	s24 =	sld [smem:$0x3FFE];
	[sflag:s23] =	ssyncadd.s32 $0xFFFFFFFF  }
0xab: {  	s26 =	simm.s32 $execute0_lowered;
	[smem:$0x3FD2] =	sst s25  }
0xac: {  	s5 =	sshll.u32 s26, $0x1;
	_ =	strace $0x80000046;
	[dreg:$0x1] =	wrdreg $0xFFFFFFFF  }
0xad: {  	s28 =	simm.s32 $_size_execute0_lowered;
	s3 =	sadd.s32 s3, s5;
	[dreg:$0x0] =	wrdreg $0x0  }
0xae: {  	s5 =	sshll.u32 s28, $0x1;
	[dreg:$0x2] =	wrdreg s3  }
0xaf: {  	[dreg:$0x3] =	wrdreg s5  }
0xb0: {  	[dreg:$0x4] =	wrdreg $0xC0  }
0xb1: {  	_ =	task [dreg:s7], $0x5FFFF  }
0xb2: {  	[dreg:$0x1] =	wrdreg $0xFFFFFFFF  }
0xb3: {  	[dreg:$0x0] =	wrdreg $0x60  }
0xb4: {  	[dreg:$0x2] =	wrdreg s24  }
0xb5: {  	[dreg:$0x3] =	wrdreg s16  }
0xb6: {  	[dreg:$0x4] =	wrdreg $0x80000  }
0xb7: {  	[dreg:$0x5] =	wrdreg $0x9  }
0xb8: {  	_ =	task.clear_ibuf [dreg:s7], $0x6FFFF;
	_ =	strace $0x90000046  }
0xb9: {  	s29 =	simm.s32 $0x9;
	_ =	strace $0x80000048  }
0xba: {  	_ =	swait.ge [sflag:s29], $0x1  }
0xbb: {  	[sflag:s29] =	ssyncadd.s32 $0xFFFFFFFF  }
0xbc: {  	_ =	strace $0x90000048  }
0xbd: {  	_ =	sfence  }
0xbe: {  	s30 =	sld [smem:$0x0];
	_ =	sdelay $0x2  }
0xbf: {  	s31 =	sshll.u32 s1, $0xD;
	s1 =	sshrl.u32 s1, $0x2  }
0xc0: {  	s3 =	sand.u32 $0x4000, s31;
	s1 =	sadd.s32 s1, s30  }
0xc1: {  	s0 =	sor.u32 s3, s0;
	s1 =	sshll.u32 s1, $0x11  }
0xc2: {  	s0 =	sor.u32 s1, s0  }
0xc3: {  	s0 =	sadd.s32 $0x8F2B, s0  }
0xc4: {  	[sflag:s0] =	ssyncadd.remote.s32 $0x1  }
0xc5: {  	_ =	sfence.sel $0xFFFF  }
0xc6: {  	[dreg:$0x0] =	wrdreg $0xFFFFFFFF;
	(pc) =	sbr.abs _section_cstart, $3  }
0xc7: {  	[dreg:$0x1] =	wrdreg $0xFFFFFFFF  }
0xc8: {  	_ =	task.clear_ibuf [dreg:s7], $0x2FFFF;
	_ =	strace $0x9FFFFFFF  }
0xc9: {  	(tm) =	ssettm $0x7FFFFFFF  }
tec
execute0_lowered:
.L_overlay_start_1:
0x0: {  	(tag) =	ssettag $0x1  }
0x1: {  	s0 =	rddreg [dreg:$0x0]  }
0x2: {  	s1 =	rddreg [dreg:$0x1];
	s11 =	stileid.u32  }
0x3: {  	s3 =	srdreg.scid;
	s2 =	rddreg [dreg:$0x2];
	s28 =	simm.s32 $0x6000  }
0x4: {  	s29 =	simm.s32 $0x6400;
	s30 =	simm.s32 $0x6800;
	s31 =	simm.s32 $0x6C00  }
0x5: {  	s12 =	simm.s32 $0x7800;
	s14 =	simm.s32 $0x7C00;
	s5 =	smul.u32 $0x280, s11  }
0x6: {  	s16 =	simm.s32 $0x80;
	s18 =	simm.s32 $0x0;
	s7 =	smul.u32 $0x2800, s11  }
0x7: {  	s4 =	sand.u32 $0x1, s3;
	s3 =	simm.s32 $0x0;
	s22 =	smul.u32 $0x50000, s11  }
0x8: {  	s24 =	sshll.u32 s11, $0x6;
	s25 =	sshll.u32 s11, $0xB;
	s11 =	simm.s32 $0x1  }
0x9: {  	s6 =	smul.u32 $0x2800, s4;
	[smem:$0x7FF] =	sst s3;
	s8 =	ssub.s32 $0x2, s4  }
0xa: {  	s10 =	smul.u32 $0x28000, s4;
	_ =	strace $0x80000047;
	s7 =	sadd.s32 s7, s0  }
0xb: {  	s23 =	sshrl.u32 s8, $0x1;
	s5 =	sadd.s32 s5, s6;
	s6 =	sshrl.u32 s22, $0x2  }
0xc: {  	s8 =	ssub.s32 s8, s23;
	s4 =	sadd.s32 $0x55600, s7;
	s26 =	sadd.s32 s10, s7  }
0xd: {  	s5 =	sshll.u32 s5, $0x4;
	s9 =	sadd.s32 s6, s2;
	s6 =	sadd.s32 s1, s25  }
0xe: {  	s8 =	smax.u32 s8, $0x1;
	s22 =	sadd.s32 $0x7D600, s26;
	s1 =	simm.s32 $0x7000  }
0xf: {  	s0 =	sadd.s32 s5, s0;
	s5 =	sor.u32 $0x1C01, s24;
	s10 =	sshrl.u32 s9, $0x3  }
0x10: {  	s13 =	sadd.s32 $0x80, s6;
	s15 =	sadd.s32 $0x100, s6;
	s17 =	sadd.s32 $0x180, s6  }
0x11: {  	s19 =	sadd.s32 $0x200, s6;
	s21 =	sadd.s32 $0x280, s6;
	s23 =	sadd.s32 $0x300, s6  }
0x12: {  	s25 =	sadd.s32 $0x380, s6;
	s7 =	sadd.s32 $0xCD600, s0;
	s0 =	simm.s32 $0x7400  }
.LBB2_1:
0x13: {  	[spmem:s10], [sflag:s5] =	dma.local [hbm:s4], $0x2800  }
0x14: {  	_ =	swait.ge [sflag:s11], $0x2800  }
0x15: {  	[sflag:s11] =	ssyncset.done $0x0  }
0x16: {  	s9 =	simm.s32 $0x4000;
	[sflag:s11] =	ssyncadd.s32 $0xFFFFD800  }
0x17: {  	[tilespmem:s9], [sflag:$0x1] =	stream.linear.gather [hbm4b:s6+s3], $0x280, $0x38;
	[tilespmem:$0x1C000] =	vst v63  }
0x18: {  	s26 =	simm.s32 $0x4400  }
0x19: {  	[tilespmem:s26], [sflag:$0x1] =	stream.linear.gather [hbm4b:s13+s3], $0x280, $0x38;
	[tilespmem:$0x1C000] =	vst v63  }
0x1a: {  	s20 =	simm.s32 $0x4800  }
0x1b: {  	[tilespmem:s20], [sflag:$0x1] =	stream.linear.gather [hbm4b:s15+s3], $0x280, $0x38;
	[tilespmem:$0x1C000] =	vst v63  }
0x1c: {  	s24 =	simm.s32 $0x4C00  }
0x1d: {  	[tilespmem:s24], [sflag:$0x1] =	stream.linear.gather [hbm4b:s17+s3], $0x280, $0x38;
	[tilespmem:$0x1C000] =	vst v63  }
0x1e: {  	s26 =	simm.s32 $0x5000  }
0x1f: {  	[tilespmem:s26], [sflag:$0x1] =	stream.linear.gather [hbm4b:s19+s3], $0x280, $0x38;
	[tilespmem:$0x1C000] =	vst v63  }
0x20: {  	s20 =	simm.s32 $0x5400  }
0x21: {  	[tilespmem:s20], [sflag:$0x1] =	stream.linear.gather [hbm4b:s21+s3], $0x280, $0x38;
	[tilespmem:$0x1C000] =	vst v63  }
0x22: {  	s24 =	simm.s32 $0x5800  }
0x23: {  	[tilespmem:s24], [sflag:$0x1] =	stream.linear.gather [hbm4b:s23+s3], $0x280, $0x38;
	[tilespmem:$0x1C000] =	vst v63  }
0x24: {  	s26 =	simm.s32 $0x5C00  }
0x25: {  	[tilespmem:s26], [sflag:$0x1] =	stream.linear.gather [hbm4b:s25+s3], $0x280, $0x38;
	[tilespmem:$0x1C000] =	vst v63  }
0x26: {  	s20 =	sadd.s32 $0x400, s6  }
0x27: {  	[tilespmem:s28], [sflag:$0x1] =	stream.linear.gather [hbm4b:s20+s3], $0x280, $0x38;
	[tilespmem:$0x1C000] =	vst v63  }
0x28: {  	s24 =	sadd.s32 $0x480, s6  }
0x29: {  	[tilespmem:s29], [sflag:$0x1] =	stream.linear.gather [hbm4b:s24+s3], $0x280, $0x38;
	[tilespmem:$0x1C000] =	vst v63  }
0x2a: {  	s26 =	sadd.s32 $0x500, s6  }
0x2b: {  	[tilespmem:s30], [sflag:$0x1] =	stream.linear.gather [hbm4b:s26+s3], $0x280, $0x38;
	[tilespmem:$0x1C000] =	vst v63  }
0x2c: {  	s20 =	sadd.s32 $0x580, s6  }
0x2d: {  	[tilespmem:s31], [sflag:$0x1] =	stream.linear.gather [hbm4b:s20+s3], $0x280, $0x38;
	[tilespmem:$0x1C000] =	vst v63  }
0x2e: {  	s24 =	sadd.s32 $0x600, s6  }
0x2f: {  	[tilespmem:s1], [sflag:$0x1] =	stream.linear.gather [hbm4b:s24+s3], $0x280, $0x38;
	[tilespmem:$0x1C000] =	vst v63  }
0x30: {  	s26 =	sadd.s32 $0x680, s6  }
0x31: {  	[tilespmem:s0], [sflag:$0x1] =	stream.linear.gather [hbm4b:s26+s3], $0x280, $0x38;
	[tilespmem:$0x1C000] =	vst v63  }
0x32: {  	s20 =	sadd.s32 $0x700, s6  }
0x33: {  	[tilespmem:s12], [sflag:$0x1] =	stream.linear.gather [hbm4b:s20+s3], $0x280, $0x38;
	[tilespmem:$0x1C000] =	vst v63  }
0x34: {  	s24 =	sadd.s32 $0x780, s6  }
0x35: {  	[tilespmem:s14], [sflag:$0x1] =	stream.linear.gather [hbm4b:s24+s3], $0x280, $0x38;
	[tilespmem:$0x1C000] =	vst v63  }
0x36: {  	_ =	swait.ge [sflag:s11], $0x2800  }
0x37: {  	[sflag:s11] =	ssyncset.done $0x0  }
0x38: {  	[sflag:s11] =	ssyncadd.s32 $0xFFFFD800  }
0x39: {  	[bflag:$0x0] =	sbarrier.arrive $0xFFFF  }
0x3a: {  	[tilespmem:s3], [sflag:$0x1] =	stream.linear.gather [hbm4b:s22+s3], $0x4000, $0x38;
	[tilespmem:$0x1C000] =	vst v63  }
0x3b: {  	_ =	swait.ge [sflag:s11], $0x4000  }
0x3c: {  	[sflag:s11] =	ssyncset.done $0x0  }
0x3d: {  	s26 =	simm.s32 $0x4000;
	[sflag:s11] =	ssyncadd.s32 $0xFFFFC000  }
0x3e: {  	[spmem:s2] =	stream.indirect.scatter.add.f32 [tilespmem:s3], [sflag:$0x1], $0x80, s26, s16, $0xb8;
	[tilespmem:$0x1C000] =	vst v63  }
0x3f: {  	_ =	swait.ge [sflag:s11], $0x4000  }
0x40: {  	[sflag:s11] =	ssyncset.done $0x0  }
0x41: {  	s20 =	simm.s32 $0x4400;
	[sflag:s11] =	ssyncadd.s32 $0xFFFFC000  }
0x42: {  	[spmem:s2] =	stream.indirect.scatter.add.f32 [tilespmem:s3], [sflag:$0x1], $0x80, s20, s16, $0xb8;
	[tilespmem:$0x1C000] =	vst v63  }
0x43: {  	_ =	swait.ge [sflag:s11], $0x4000  }
0x44: {  	[sflag:s11] =	ssyncset.done $0x0  }
0x45: {  	s24 =	simm.s32 $0x4800;
	[sflag:s11] =	ssyncadd.s32 $0xFFFFC000  }
0x46: {  	[spmem:s2] =	stream.indirect.scatter.add.f32 [tilespmem:s3], [sflag:$0x1], $0x80, s24, s16, $0xb8;
	[tilespmem:$0x1C000] =	vst v63  }
0x47: {  	_ =	swait.ge [sflag:s11], $0x4000  }
0x48: {  	[sflag:s11] =	ssyncset.done $0x0  }
0x49: {  	s26 =	simm.s32 $0x4C00;
	[sflag:s11] =	ssyncadd.s32 $0xFFFFC000  }
0x4a: {  	[spmem:s2] =	stream.indirect.scatter.add.f32 [tilespmem:s3], [sflag:$0x1], $0x80, s26, s16, $0xb8;
	[tilespmem:$0x1C000] =	vst v63  }
0x4b: {  	_ =	swait.ge [sflag:s11], $0x4000  }
0x4c: {  	[sflag:s11] =	ssyncset.done $0x0  }
0x4d: {  	s20 =	simm.s32 $0x5000;
	[sflag:s11] =	ssyncadd.s32 $0xFFFFC000  }
0x4e: {  	[spmem:s2] =	stream.indirect.scatter.add.f32 [tilespmem:s3], [sflag:$0x1], $0x80, s20, s16, $0xb8;
	[tilespmem:$0x1C000] =	vst v63  }
0x4f: {  	_ =	swait.ge [sflag:s11], $0x4000  }
0x50: {  	[sflag:s11] =	ssyncset.done $0x0  }
0x51: {  	s24 =	simm.s32 $0x5400;
	[sflag:s11] =	ssyncadd.s32 $0xFFFFC000  }
0x52: {  	[spmem:s2] =	stream.indirect.scatter.add.f32 [tilespmem:s3], [sflag:$0x1], $0x80, s24, s16, $0xb8;
	[tilespmem:$0x1C000] =	vst v63  }
0x53: {  	_ =	swait.ge [sflag:s11], $0x4000  }
0x54: {  	[sflag:s11] =	ssyncset.done $0x0  }
0x55: {  	s26 =	simm.s32 $0x5800;
	[sflag:s11] =	ssyncadd.s32 $0xFFFFC000  }
0x56: {  	[spmem:s2] =	stream.indirect.scatter.add.f32 [tilespmem:s3], [sflag:$0x1], $0x80, s26, s16, $0xb8;
	[tilespmem:$0x1C000] =	vst v63  }
0x57: {  	_ =	swait.ge [sflag:s11], $0x4000  }
0x58: {  	[sflag:s11] =	ssyncset.done $0x0  }
0x59: {  	s20 =	simm.s32 $0x5C00;
	[sflag:s11] =	ssyncadd.s32 $0xFFFFC000  }
0x5a: {  	[spmem:s2] =	stream.indirect.scatter.add.f32 [tilespmem:s3], [sflag:$0x1], $0x80, s20, s16, $0xb8;
	[tilespmem:$0x1C000] =	vst v63  }
0x5b: {  	_ =	swait.ge [sflag:s11], $0x4000  }
0x5c: {  	[sflag:s11] =	ssyncset.done $0x0  }
0x5d: {  	s24 =	simm.s32 $0x6000;
	[sflag:s11] =	ssyncadd.s32 $0xFFFFC000  }
0x5e: {  	[spmem:s2] =	stream.indirect.scatter.add.f32 [tilespmem:s3], [sflag:$0x1], $0x80, s24, s16, $0xb8;
	[tilespmem:$0x1C000] =	vst v63  }
0x5f: {  	_ =	swait.ge [sflag:s11], $0x4000  }
0x60: {  	[sflag:s11] =	ssyncset.done $0x0  }
0x61: {  	s26 =	simm.s32 $0x6400;
	[sflag:s11] =	ssyncadd.s32 $0xFFFFC000  }
0x62: {  	[spmem:s2] =	stream.indirect.scatter.add.f32 [tilespmem:s3], [sflag:$0x1], $0x80, s26, s16, $0xb8;
	[tilespmem:$0x1C000] =	vst v63  }
0x63: {  	_ =	swait.ge [sflag:s11], $0x4000  }
0x64: {  	[sflag:s11] =	ssyncset.done $0x0  }
0x65: {  	s20 =	simm.s32 $0x6800;
	[sflag:s11] =	ssyncadd.s32 $0xFFFFC000  }
0x66: {  	[spmem:s2] =	stream.indirect.scatter.add.f32 [tilespmem:s3], [sflag:$0x1], $0x80, s20, s16, $0xb8;
	[tilespmem:$0x1C000] =	vst v63  }
0x67: {  	_ =	swait.ge [sflag:s11], $0x4000  }
0x68: {  	[sflag:s11] =	ssyncset.done $0x0  }
0x69: {  	s24 =	simm.s32 $0x6C00;
	[sflag:s11] =	ssyncadd.s32 $0xFFFFC000  }
0x6a: {  	[spmem:s2] =	stream.indirect.scatter.add.f32 [tilespmem:s3], [sflag:$0x1], $0x80, s24, s16, $0xb8;
	[tilespmem:$0x1C000] =	vst v63  }
0x6b: {  	_ =	swait.ge [sflag:s11], $0x4000  }
0x6c: {  	[sflag:s11] =	ssyncset.done $0x0  }
0x6d: {  	s26 =	simm.s32 $0x7000;
	[sflag:s11] =	ssyncadd.s32 $0xFFFFC000  }
0x6e: {  	[spmem:s2] =	stream.indirect.scatter.add.f32 [tilespmem:s3], [sflag:$0x1], $0x80, s26, s16, $0xb8;
	[tilespmem:$0x1C000] =	vst v63  }
0x6f: {  	_ =	swait.ge [sflag:s11], $0x4000  }
0x70: {  	[sflag:s11] =	ssyncset.done $0x0  }
0x71: {  	s20 =	simm.s32 $0x7400;
	[sflag:s11] =	ssyncadd.s32 $0xFFFFC000  }
0x72: {  	[spmem:s2] =	stream.indirect.scatter.add.f32 [tilespmem:s3], [sflag:$0x1], $0x80, s20, s16, $0xb8;
	[tilespmem:$0x1C000] =	vst v63  }
0x73: {  	_ =	swait.ge [sflag:s11], $0x4000  }
0x74: {  	[sflag:s11] =	ssyncset.done $0x0  }
0x75: {  	s24 =	simm.s32 $0x7800;
	[sflag:s11] =	ssyncadd.s32 $0xFFFFC000  }
0x76: {  	[spmem:s2] =	stream.indirect.scatter.add.f32 [tilespmem:s3], [sflag:$0x1], $0x80, s24, s16, $0xb8;
	[tilespmem:$0x1C000] =	vst v63  }
0x77: {  	_ =	swait.ge [sflag:s11], $0x4000  }
0x78: {  	[sflag:s11] =	ssyncset.done $0x0  }
0x79: {  	s26 =	simm.s32 $0x7C00;
	[sflag:s11] =	ssyncadd.s32 $0xFFFFC000  }
0x7a: {  	[spmem:s2] =	stream.indirect.scatter.add.f32 [tilespmem:s3], [sflag:$0x1], $0x80, s26, s16, $0xb8;
	[tilespmem:$0x1C000] =	vst v63  }
0x7b: {  	_ =	swait.ge [sflag:s11], $0x4000  }
0x7c: {  	s9 =	smov.u32 s22;
	s20 =	simm.s32 $0x200;
	[sflag:s11] =	ssyncset.done $0x0  }
.LBB2_2:
0x7d: {  	p0 =	sne.s32 s20, $0x800;
	[sflag:s11] =	ssyncadd.s32 $0xFFFFC000;
	s9 =	sadd.s32 $0x800, s9  }
0x7e: {  	[tilespmem:s3], [sflag:$0x1] =	stream.linear.gather [hbm4b:s9+s3], $0x4000, $0x38;
	[tilespmem:$0x1C000] =	vst v63  }
0x7f: {  	s24 =	smov.u32 s20;
	s20 =	sadd.s32 $0x200, s20;
	_ =	swait.ge [sflag:s11], $0x4000  }
0x80: {  	s24 =	sshra.s32 s24, $0x2;
	[sflag:s11] =	ssyncset.done $0x0  }
0x81: {  	s26 =	sadd.s32 $0x4000, s24;
	[sflag:s11] =	ssyncadd.s32 $0xFFFFC000  }
0x82: {  	[spmem:s2] =	stream.indirect.scatter.add.f32 [tilespmem:s3], [sflag:$0x1], $0x80, s26, s16, $0xb8;
	[tilespmem:$0x1C000] =	vst v63  }
0x83: {  	_ =	swait.ge [sflag:s11], $0x4000  }
0x84: {  	[sflag:s11] =	ssyncset.done $0x0  }
0x85: {  	s26 =	sadd.s32 $0x4400, s24;
	[sflag:s11] =	ssyncadd.s32 $0xFFFFC000  }
0x86: {  	[spmem:s2] =	stream.indirect.scatter.add.f32 [tilespmem:s3], [sflag:$0x1], $0x80, s26, s16, $0xb8;
	[tilespmem:$0x1C000] =	vst v63  }
0x87: {  	_ =	swait.ge [sflag:s11], $0x4000  }
0x88: {  	[sflag:s11] =	ssyncset.done $0x0  }
0x89: {  	s26 =	sadd.s32 $0x4800, s24;
	[sflag:s11] =	ssyncadd.s32 $0xFFFFC000  }
0x8a: {  	[spmem:s2] =	stream.indirect.scatter.add.f32 [tilespmem:s3], [sflag:$0x1], $0x80, s26, s16, $0xb8;
	[tilespmem:$0x1C000] =	vst v63  }
0x8b: {  	_ =	swait.ge [sflag:s11], $0x4000  }
0x8c: {  	[sflag:s11] =	ssyncset.done $0x0  }
0x8d: {  	s26 =	sadd.s32 $0x4C00, s24;
	[sflag:s11] =	ssyncadd.s32 $0xFFFFC000  }
0x8e: {  	[spmem:s2] =	stream.indirect.scatter.add.f32 [tilespmem:s3], [sflag:$0x1], $0x80, s26, s16, $0xb8;
	[tilespmem:$0x1C000] =	vst v63  }
0x8f: {  	_ =	swait.ge [sflag:s11], $0x4000  }
0x90: {  	[sflag:s11] =	ssyncset.done $0x0  }
0x91: {  	s26 =	sadd.s32 $0x5000, s24;
	[sflag:s11] =	ssyncadd.s32 $0xFFFFC000  }
0x92: {  	[spmem:s2] =	stream.indirect.scatter.add.f32 [tilespmem:s3], [sflag:$0x1], $0x80, s26, s16, $0xb8;
	[tilespmem:$0x1C000] =	vst v63  }
0x93: {  	_ =	swait.ge [sflag:s11], $0x4000  }
0x94: {  	[sflag:s11] =	ssyncset.done $0x0  }
0x95: {  	s26 =	sadd.s32 $0x5400, s24;
	[sflag:s11] =	ssyncadd.s32 $0xFFFFC000  }
0x96: {  	[spmem:s2] =	stream.indirect.scatter.add.f32 [tilespmem:s3], [sflag:$0x1], $0x80, s26, s16, $0xb8;
	[tilespmem:$0x1C000] =	vst v63  }
0x97: {  	_ =	swait.ge [sflag:s11], $0x4000  }
0x98: {  	[sflag:s11] =	ssyncset.done $0x0  }
0x99: {  	s26 =	sadd.s32 $0x5800, s24;
	[sflag:s11] =	ssyncadd.s32 $0xFFFFC000  }
0x9a: {  	[spmem:s2] =	stream.indirect.scatter.add.f32 [tilespmem:s3], [sflag:$0x1], $0x80, s26, s16, $0xb8;
	[tilespmem:$0x1C000] =	vst v63  }
0x9b: {  	_ =	swait.ge [sflag:s11], $0x4000  }
0x9c: {  	[sflag:s11] =	ssyncset.done $0x0  }
0x9d: {  	s26 =	sadd.s32 $0x5C00, s24;
	[sflag:s11] =	ssyncadd.s32 $0xFFFFC000  }
0x9e: {  	[spmem:s2] =	stream.indirect.scatter.add.f32 [tilespmem:s3], [sflag:$0x1], $0x80, s26, s16, $0xb8;
	[tilespmem:$0x1C000] =	vst v63  }
0x9f: {  	_ =	swait.ge [sflag:s11], $0x4000  }
0xa0: {  	[sflag:s11] =	ssyncset.done $0x0  }
0xa1: {  	s26 =	sadd.s32 $0x6000, s24;
	[sflag:s11] =	ssyncadd.s32 $0xFFFFC000  }
0xa2: {  	[spmem:s2] =	stream.indirect.scatter.add.f32 [tilespmem:s3], [sflag:$0x1], $0x80, s26, s16, $0xb8;
	[tilespmem:$0x1C000] =	vst v63  }
0xa3: {  	_ =	swait.ge [sflag:s11], $0x4000  }
0xa4: {  	[sflag:s11] =	ssyncset.done $0x0  }
0xa5: {  	s26 =	sadd.s32 $0x6400, s24;
	[sflag:s11] =	ssyncadd.s32 $0xFFFFC000  }
0xa6: {  	[spmem:s2] =	stream.indirect.scatter.add.f32 [tilespmem:s3], [sflag:$0x1], $0x80, s26, s16, $0xb8;
	[tilespmem:$0x1C000] =	vst v63  }
0xa7: {  	_ =	swait.ge [sflag:s11], $0x4000  }
0xa8: {  	[sflag:s11] =	ssyncset.done $0x0  }
0xa9: {  	s26 =	sadd.s32 $0x6800, s24;
	[sflag:s11] =	ssyncadd.s32 $0xFFFFC000  }
0xaa: {  	[spmem:s2] =	stream.indirect.scatter.add.f32 [tilespmem:s3], [sflag:$0x1], $0x80, s26, s16, $0xb8;
	[tilespmem:$0x1C000] =	vst v63  }
0xab: {  	_ =	swait.ge [sflag:s11], $0x4000  }
0xac: {  	[sflag:s11] =	ssyncset.done $0x0  }
0xad: {  	s26 =	sadd.s32 $0x6C00, s24;
	[sflag:s11] =	ssyncadd.s32 $0xFFFFC000  }
0xae: {  	[spmem:s2] =	stream.indirect.scatter.add.f32 [tilespmem:s3], [sflag:$0x1], $0x80, s26, s16, $0xb8;
	[tilespmem:$0x1C000] =	vst v63  }
0xaf: {  	_ =	swait.ge [sflag:s11], $0x4000  }
0xb0: {  	[sflag:s11] =	ssyncset.done $0x0  }
0xb1: {  	s26 =	sadd.s32 $0x7000, s24;
	[sflag:s11] =	ssyncadd.s32 $0xFFFFC000  }
0xb2: {  	[spmem:s2] =	stream.indirect.scatter.add.f32 [tilespmem:s3], [sflag:$0x1], $0x80, s26, s16, $0xb8;
	[tilespmem:$0x1C000] =	vst v63  }
0xb3: {  	_ =	swait.ge [sflag:s11], $0x4000  }
0xb4: {  	[sflag:s11] =	ssyncset.done $0x0  }
0xb5: {  	s26 =	sadd.s32 $0x7400, s24;
	[sflag:s11] =	ssyncadd.s32 $0xFFFFC000  }
0xb6: {  	[spmem:s2] =	stream.indirect.scatter.add.f32 [tilespmem:s3], [sflag:$0x1], $0x80, s26, s16, $0xb8;
	[tilespmem:$0x1C000] =	vst v63  }
0xb7: {  	_ =	swait.ge [sflag:s11], $0x4000  }
0xb8: {  	[sflag:s11] =	ssyncset.done $0x0  }
0xb9: {  	s26 =	sadd.s32 $0x7800, s24;
	[sflag:s11] =	ssyncadd.s32 $0xFFFFC000  }
0xba: {  	[spmem:s2] =	stream.indirect.scatter.add.f32 [tilespmem:s3], [sflag:$0x1], $0x80, s26, s16, $0xb8;
	[tilespmem:$0x1C000] =	vst v63  }
0xbb: {  	_ =	swait.ge [sflag:s11], $0x4000  }
.Ltmp0:
0xbc: {  	[sflag:s11] =	ssyncset.done $0x0;
	(pc) =	sbr.rel @p0 .LBB2_2-.Ltmp0, $4  }
0xbd: {  	s24 =	sadd.s32 $0x7C00, s24;
	[sflag:s11] =	ssyncadd.s32 $0xFFFFC000  }
0xbe: {  	[spmem:s2] =	stream.indirect.scatter.add.f32 [tilespmem:s3], [sflag:$0x1], $0x80, s24, s16, $0xb8;
	[tilespmem:$0x1C000] =	vst v63  }
0xbf: {  	_ =	swait.ge [sflag:s11], $0x4000  }
0xc0: {  	[sflag:s11] =	ssyncset.done $0x0  }
0xc1: {  	s18 =	sadd.s32 $0x1, s18  }
0xc2: {  	[sflag:s11] =	ssyncadd.s32 $0xFFFFC000;
	p0 =	sne.s32 s18, s8  }
.Ltmp1:
0xc3: {  	[bflag:$0x0] =	sbarrier.arrive $0xFFFF;
	(pc) =	sbr.rel @p0 .LBB2_1-.Ltmp1, $4  }
0xc4: {  	[hbm:s7], [sflag:s5] =	dma.local [spmem:s10], $0x2800  }
0xc5: {  	_ =	swait.ge [sflag:s11], $0x2800  }
0xc6: {  	[sflag:s11] =	ssyncset.done $0x0  }
0xc7: {  	[sflag:s11] =	ssyncadd.s32 $0xFFFFD800  }
0xc8: {  	_ =	sfence.sel $0x180000  }
0xc9: {  	[bflag:$0x0] =	sbarrier.arrive $0xFFFF  }
0xca: {  	_ =	strace $0x90000047  }
0xcb: {  	s0 =	stileid.u32;
	[bflag:$0x2] =	sbarrier.arrive $0xFFFF  }
0xcc: {  	p0 =	sne.s32 s0, $0x0;
	s0 =	rddreg [dreg:$0x3]  }
0xcd: {  	s0 =	sadd.s32 @!p0 $0x100000, s0  }
0xce: {  	[sflag:s0] =	ssyncadd.tile.s32 @!p0 $0x1;
	_ =	shalt  }
.Lfunc_end2:
_tile_overlayer_lowered:
.L_overlay_start_2:
0xcf: {  	(tag) =	ssettag $0x2  }
0xd0: {  	s0 =	rddreg [dreg:$0x0];
	s2 =	stileid.u32  }
0xd1: {  	s1 =	rddreg [dreg:$0x1];
	p0 =	sne.s32 s2, $0x0  }
0xd2: {  	s3 =	rddreg [dreg:$0x2];
	[bflag:$0x3] =	sbarrier.arrive $0xFFFF;
	s2 =	simm.s32 @!p0 $0x1C01  }
0xd3: {  	[timem:s3], [sflag:s2] =	dma.local @!p0 [hbm:s0], s1  }
0xd4: {  	s0 =	simm.s32 @!p0 $0x1  }
0xd5: {  	_ =	swait.ge @!p0 [sflag:s0], s1  }
0xd6: {  	s1 =	ssub.s32 @!p0 $0x0, s1;
	[sflag:s0] =	ssyncset.done @!p0 $0x0  }
0xd7: {  	[sflag:s0] =	ssyncadd.s32 @!p0 s1  }
0xd8: {  	[bflag:$0x3] =	sbarrier.arrive $0xFFFF  }
0xd9: {  	_ =	shalt  }

// kernel: kernel.14.cloned.1.call-start
scs
__scs_entry_jumppad:
0x0: {  	(pc) =	sbr.rel $0x88, $3  }
0x1: {  	(tag) =	ssettag $0x0;
	lr =	simm.s32 $0x1  }
0x2: {  	[smem:$0x3F8A] =	sst lr;
	_ =	strace $0xD0000000  }
0x3: {  	_ = 	snop  }
0x4: {  	_ = 	snop  }
0x5: {  	_ = 	snop  }
0x6: {  	_ = 	snop  }
0x7: {  	_ = 	snop  }
__scs_overlays_trampoline_lowered:
0x8: {  	[smem:$0x3F99] =	sst s0  }
0x9: {  	[smem:$0x3F9A] =	sst s1  }
0xa: {  	[smem:$0x3F9B] =	sst s2  }
0xb: {  	[smem:$0x3F9C] =	sst s3  }
0xc: {  	[smem:$0x3F9D] =	sst s4  }
0xd: {  	[smem:$0x3F9E] =	sst s5  }
0xe: {  	[smem:$0x3F9F] =	sst s6  }
0xf: {  	[smem:$0x3FA0] =	sst s7  }
0x10: {  	[smem:$0x3FA1] =	sst s8  }
0x11: {  	[smem:$0x3FA2] =	sst s9;
	s0 =	simm.s32 @!p0 $0x0  }
0x12: {  	s1 =	sld [smem:$0x3F88];
	s0 =	simm.s32 @p0 $0x1  }
0x13: {  	[smem:$0x3FA3] =	sst s0;
	s0 =	simm.s32 @!p1 $0x0  }
0x14: {  	s2 =	sld [smem:$0x3F87];
	s0 =	simm.s32 @p1 $0x1  }
0x15: {  	[smem:$0x3FA4] =	sst s0;
	s0 =	simm.s32 @!p2 $0x0  }
0x16: {  	s3 =	sld [smem:$0x3FDB];
	s0 =	simm.s32 @p2 $0x1  }
0x17: {  	s4 =	simm.s32 $0x1BF5;
	[smem:$0x3FA6] =	sst s0  }
0x18: {  	s0 =	sld [smem:$0x3F89];
	_ =	swait.ge [sflag:s4], $0x0  }
0x19: {  	s7 =	sld [smem:$0x3F8A]  }
0x1a: {  	s8 =	sadd.s32 $0xFFFFE003, lr  }
0x1b: {  	s9 =	sadd.s32 $0xFFFFFEF7, lr;
	s5 =	simm.s32 $0xFFFFFFFF;
	p2 =	slt.u32 s8, $0xFFFFF086  }
0x1c: {  	p1 =	slt.u32 s9, $0xF7A;
	s5 =	simm.s32 @!p2 $0x0  }
0x1d: {  	s5 =	simm.s32 @p1 $0x1;
	p0 =	seq.s32 s7, s2  }
0x1e: {  	s7 =	smul.u32 @!p0 $0xF7A, s2;
	p2 =	seq.s32 @!p0 s5, $0x0  }
0x1f: {  	s9 =	smul.u32 $0xF7A, s1;
	s8 =	simm.s32 @!p0 $0x1BF5;
	p2 =	por !p2, p0  }
0x20: {  	[sflag:s8] =	ssyncset.s32 @!p0 $0xFFFFF086;
	s6 =	sadd.s32 @!p0 s3, s7;
	s7 =	simm.s32 @!p0 $0x108  }
0x21: {  	s3 =	sadd.s32 s3, s9;
	s6 =	sadd.s32 @!p0 $0x88, s6;
	s7 =	simm.s32 @p2 $0x1082  }
0x22: {  	[simem:s7], [sflag:s8] =	dma.local @!p0 [hbm:s6], $0xF7A  }
0x23: {  	s9 =	sor.u32 $0xD0000000, s2;
	s6 =	simm.s32 $0x108;
	_ =	swait.ge @!p0 [sflag:s8], $0x0  }
0x24: {  	s3 =	sadd.s32 $0x88, s3;
	s6 =	simm.s32 @!p1 $0x1082;
	[sflag:s4] =	ssyncset.s32 $0xFFFFF086  }
0x25: {  	[simem:s6], [sflag:s4] =	dma.local [hbm:s3], $0xF7A  }
0x26: {  	[smem:$0x3F8A] =	sst s1;
	(tag) =	ssettag s2;
	_ =	strace s9  }
0x27: {  	s1 =	sld [smem:$0x3F9A]  }
0x28: {  	s2 =	sld [smem:$0x3F9B]  }
0x29: {  	s4 =	sld [smem:$0x3F9D]  }
0x2a: {  	p0 =	seq.s32 s5, $0x0;
	s5 =	sld [smem:$0x3F9E]  }
0x2b: {  	s6 =	sld [smem:$0x3F9F]  }
0x2c: {  	s7 =	sld [smem:$0x3FA0]  }
0x2d: {  	s3 =	simm.s32 $0x108;
	s8 =	sld [smem:$0x3FA1]  }
0x2e: {  	s3 =	simm.s32 @!p0 $0x1082;
	s9 =	sld [smem:$0x3FA2]  }
0x2f: {  	lr =	sadd.s32 s0, s3;
	s0 =	sld [smem:$0x3F99]  }
0x30: {  	s3 =	sld [smem:$0x3F9C]  }
0x31: {  	[smem:$0x3FA5] =	sst s10  }
0x32: {  	s10 =	sld [smem:$0x3FA3];
	_ =	sdelay $0x3  }
0x33: {  	p0 =	seq.s32 s10, $0x1;
	s10 =	sld [smem:$0x3FA5];
	_ =	sdelay $0x3  }
0x34: {  	[smem:$0x3FA5] =	sst s10  }
0x35: {  	s10 =	sld [smem:$0x3FA4];
	_ =	sdelay $0x3  }
0x36: {  	p1 =	seq.s32 s10, $0x1;
	s10 =	sld [smem:$0x3FA5];
	_ =	sdelay $0x3  }
0x37: {  	[smem:$0x3FA5] =	sst s10  }
0x38: {  	s10 =	sld [smem:$0x3FA6]  }
0x39: {  	_ = 	snop;
	(pc) =	sbr.ind lr, $3  }
0x3a: {  	_ = 	snop  }
0x3b: {  	_ = 	snop  }
0x3c: {  	p2 =	seq.s32 s10, $0x1;
	s10 =	sld [smem:$0x3FA5]  }
0x3d: {  	_ =	shalt  }
0x3e: {  	_ =	shalt  }
0x3f: {  	_ =	shalt  }
0x40: {  	_ =	shalt  }
0x41: {  	_ =	shalt  }
0x42: {  	_ =	shalt  }
0x43: {  	_ =	shalt  }
0x44: {  	_ =	shalt  }
0x45: {  	_ =	shalt  }
0x46: {  	_ =	shalt  }
0x47: {  	_ =	shalt  }
0x48: {  	_ =	shalt  }
0x49: {  	_ =	shalt  }
0x4a: {  	_ =	shalt  }
0x4b: {  	_ =	shalt  }
0x4c: {  	_ =	shalt  }
0x4d: {  	_ =	shalt  }
0x4e: {  	_ =	shalt  }
0x4f: {  	_ =	shalt  }
0x50: {  	_ =	shalt  }
0x51: {  	_ =	shalt  }
0x52: {  	_ =	shalt  }
0x53: {  	_ =	shalt  }
0x54: {  	_ =	shalt  }
0x55: {  	_ =	shalt  }
0x56: {  	_ =	shalt  }
0x57: {  	_ =	shalt  }
0x58: {  	_ =	shalt  }
0x59: {  	_ =	shalt  }
0x5a: {  	_ =	shalt  }
0x5b: {  	_ =	shalt  }
0x5c: {  	_ =	shalt  }
0x5d: {  	_ =	shalt  }
0x5e: {  	_ =	shalt  }
0x5f: {  	_ =	shalt  }
0x60: {  	_ =	shalt  }
0x61: {  	_ =	shalt  }
0x62: {  	_ =	shalt  }
0x63: {  	_ =	shalt  }
0x64: {  	_ =	shalt  }
0x65: {  	_ =	shalt  }
0x66: {  	_ =	shalt  }
0x67: {  	_ =	shalt  }
0x68: {  	_ =	shalt  }
0x69: {  	_ =	shalt  }
0x6a: {  	_ =	shalt  }
0x6b: {  	_ =	shalt  }
0x6c: {  	_ =	shalt  }
0x6d: {  	_ =	shalt  }
0x6e: {  	_ =	shalt  }
0x6f: {  	_ =	shalt  }
0x70: {  	_ =	shalt  }
0x71: {  	_ =	shalt  }
0x72: {  	_ =	shalt  }
0x73: {  	_ =	shalt  }
0x74: {  	_ =	shalt  }
0x75: {  	_ =	shalt  }
0x76: {  	_ =	shalt  }
0x77: {  	_ =	shalt  }
0x78: {  	_ =	shalt  }
0x79: {  	_ =	shalt  }
0x7a: {  	_ =	shalt  }
0x7b: {  	_ =	shalt  }
0x7c: {  	_ =	shalt  }
0x7d: {  	_ =	shalt  }
0x7e: {  	_ =	shalt  }
0x7f: {  	_ =	shalt  }
0x80: {  	_ =	shalt  }
0x81: {  	_ =	shalt  }
0x82: {  	_ =	shalt  }
0x83: {  	_ =	shalt  }
0x84: {  	_ =	shalt  }
0x85: {  	_ =	shalt  }
0x86: {  	_ =	shalt  }
0x87: {  	_ =	shalt  }
.Lfunc_end0:
.L_simem_size_0:
called_computation.1_lowered:
.L_overlay_start_0:
0x88: {  	s2 =	sld [smem:$0x3FD9]  }
0x89: {  	s3 =	sld [smem:$0x3FFE];
	_ =	sdelay $0x1  }
0x8a: {  	s1 =	srdreg.scid  }
0x8b: {  	s0 =	sand.u32 $0x1, s1  }
0x8c: {  	s15 =	sshll.u32 s0, $0xA;
	s2 =	sadd.s32 s3, s2  }
0x8d: {  	s2 =	sadd.s32 s2, s15  }
0x8e: {  	[smem:$0x3FB1] =	sst s2  }
0x8f: {  	_ = 	snop  }
0x90: {  	s2 =	sld [smem:$0x3FD0];
	_ =	sdelay $0x2  }
0x91: {  	s16 =	simm.s32 $0xB;
	s4 =	simm.s32 $0x10  }
0x92: {  	[smem:s4], [sflag:s16] =	dma.local [hbm:s2], $0x1  }
0x93: {  	_ =	swait.eq [sflag:s16], $0x1  }
0x94: {  	[sflag:s16] =	ssyncset.done $0x0  }
0x95: {  	[sflag:s16] =	ssyncadd.s32 $0xFFFFFFFF  }
0x96: {  	s17 =	sld [smem:$0x11];
	(tm) =	ssettm $0x1  }
0x97: {  	s18 =	sld [smem:$0x3FFB];
	_ =	sdelay $0x3  }
0x98: {  	_ =	strace s18  }
0x99: {  	s2 =	sld [smem:$0x3FFC];
	_ =	sdelay $0x3  }
0x9a: {  	_ =	strace s2  }
0x9b: {  	s2 =	sld [smem:$0x3FFD];
	_ =	sdelay $0x3  }
0x9c: {  	_ =	strace s2  }
0x9d: {  	_ =	strace $0x8FFFFFFF  }
0x9e: {  	s19 =	sld [smem:$0x3FDB];
	_ =	sdelay $0x1  }
0x9f: {  	s20 =	simm.s32 $_scs_section_size  }
0xa0: {  	s5 =	simm.s32 $_size__tile_overlayer_lowered;
	s6 =	simm.s32 $_tile_overlayer_lowered  }
0xa1: {  	s7 =	simm.s32 $0x1BFF;
	s21 =	sshll.u32 s6, $0x1;
	s4 =	sadd.s32 s20, s19  }
0xa2: {  	s22 =	simm.s32 $0x0;
	s5 =	sshll.u32 s5, $0x1;
	s6 =	sadd.s32 s21, s4  }
0xa3: {  	[timem:s22], [sflag:s7] =	dma.local [hbm:s6], s5  }
0xa4: {  	_ =	swait.ge [sflag:s7], s5  }
0xa5: {  	s5 =	ssub.s32 $0x0, s5;
	[sflag:s7] =	ssyncset.done $0x0  }
0xa6: {  	[sflag:s7] =	ssyncadd.s32 s5;
	_ =	sdelay $0x1  }
0xa7: {  	s23 =	simm.s32 $0x1B8B  }
0xa8: {  	_ =	swait.ge [sflag:s23], $0x1  }
0xa9: {  	[sflag:s23] =	ssyncset.done $0x0  }
0xaa: {  	[sflag:s23] =	ssyncadd.s32 $0xFFFFFFFF  }
0xab: {  	s5 =	sld [smem:$0x0]  }
0xac: {  	s6 =	sand.u32 $0xFFFFFFFE, s1  }
0xad: {  	p0 =	sne.s32 s1, s6  }
0xae: {  	s6 =	sshll.u32 @p0 s6, $0xE  }
0xaf: {  	s6 =	sadd.s32 @p0 $0x11B8D, s6;
	s7 =	sshll.u32 @p0 s5, $0x11  }
0xb0: {  	s6 =	sor.u32 @p0 s7, s6  }
0xb1: {  	[sflag:s6] =	ssyncadd.remote.s32 @p0 $0x1;
	_ =	sdelay $0x1  }
0xb2: {  	s6 =	simm.s32 @p0 $0x1B8D  }
0xb3: {  	_ =	swait.eq @p0 [sflag:s6], $0x1  }
0xb4: {  	[sflag:s6] =	ssyncadd.s32 @p0 $0xFFFFFFFF  }
0xb5: {  	s7 =	sshll.u32 @!p0 s1, $0xE  }
0xb6: {  	s7 =	sor.u32 @!p0 $0x4000, s7;
	s6 =	simm.s32 @!p0 $0x1B8D  }
0xb7: {  	s5 =	sshll.u32 @!p0 s5, $0x11;
	s7 =	sadd.s32 @!p0 $0x11B8D, s7;
	_ =	swait.eq @!p0 [sflag:s6], $0x1  }
0xb8: {  	s5 =	sor.u32 @!p0 s5, s7;
	[sflag:s6] =	ssyncadd.s32 @!p0 $0xFFFFFFFF  }
0xb9: {  	s25 =	simm.s32 $0x1B8E;
	s24 =	sld [smem:$0x3FFE];
	[sflag:s5] =	ssyncadd.remote.s32 @!p0 $0x1  }
0xba: {  	s26 =	simm.s32 $execute0_lowered;
	[smem:$0x3FD2] =	sst s25  }
0xbb: {  	s6 =	sshll.u32 s26, $0x1;
	_ =	strace $0x80000049;
	[dreg:$0x1] =	wrdreg $0xFFFFFFFF  }
0xbc: {  	s28 =	simm.s32 $_size_execute0_lowered;
	s4 =	sadd.s32 s4, s6;
	[dreg:$0x0] =	wrdreg $0x0  }
0xbd: {  	s6 =	sshll.u32 s28, $0x1;
	[dreg:$0x2] =	wrdreg s4  }
0xbe: {  	[dreg:$0x3] =	wrdreg s6  }
0xbf: {  	[dreg:$0x4] =	wrdreg $0xC0  }
0xc0: {  	_ =	task [dreg:s22], $0x5FFFF  }
0xc1: {  	[dreg:$0x1] =	wrdreg $0xFFFFFFFF  }
0xc2: {  	[dreg:$0x0] =	wrdreg $0x60  }
0xc3: {  	[dreg:$0x2] =	wrdreg s24  }
0xc4: {  	[dreg:$0x3] =	wrdreg s17  }
0xc5: {  	[dreg:$0x4] =	wrdreg $0x80000  }
0xc6: {  	[dreg:$0x5] =	wrdreg $0xA  }
0xc7: {  	_ =	task.clear_ibuf [dreg:s22], $0x6FFFF;
	_ =	strace $0x90000049  }
0xc8: {  	s29 =	simm.s32 $0xA;
	_ =	strace $0x8000004B  }
0xc9: {  	_ =	swait.ge [sflag:s29], $0x1  }
0xca: {  	[sflag:s29] =	ssyncadd.s32 $0xFFFFFFFF  }
0xcb: {  	_ =	strace $0x9000004B  }
0xcc: {  	_ =	sfence  }
0xcd: {  	s30 =	sld [smem:$0x0];
	_ =	sdelay $0x2  }
0xce: {  	s31 =	sshll.u32 s1, $0xD;
	s1 =	sshrl.u32 s1, $0x2  }
0xcf: {  	s4 =	sand.u32 $0x4000, s31;
	s1 =	sadd.s32 s1, s30  }
0xd0: {  	s0 =	sor.u32 s4, s0;
	s1 =	sshll.u32 s1, $0x11  }
0xd1: {  	s0 =	sor.u32 s1, s0  }
0xd2: {  	s0 =	sadd.s32 $0x8F2B, s0  }
0xd3: {  	[sflag:s0] =	ssyncadd.remote.s32 $0x1  }
0xd4: {  	_ =	sfence.sel $0xFFFF  }
0xd5: {  	[dreg:$0x0] =	wrdreg $0xFFFFFFFF;
	(pc) =	sbr.abs _section_cstart, $3  }
0xd6: {  	[dreg:$0x1] =	wrdreg $0xFFFFFFFF  }
0xd7: {  	_ =	task.clear_ibuf [dreg:s22], $0x2FFFF;
	_ =	strace $0x9FFFFFFF  }
0xd8: {  	(tm) =	ssettm $0x7FFFFFFF  }
0xd9: {  	_ =	shalt  }
tec
execute0_lowered:
.L_overlay_start_1:
0x0: {  	(tag) =	ssettag $0x1  }
0x1: {  	s0 =	rddreg [dreg:$0x0]  }
0x2: {  	s1 =	rddreg [dreg:$0x1];
	s11 =	stileid.u32  }
0x3: {  	s3 =	srdreg.scid;
	s2 =	rddreg [dreg:$0x2];
	s28 =	simm.s32 $0x6000  }
0x4: {  	s29 =	simm.s32 $0x6400;
	s30 =	simm.s32 $0x6800;
	s31 =	simm.s32 $0x6C00  }
0x5: {  	s12 =	simm.s32 $0x7800;
	s14 =	simm.s32 $0x7C00;
	s5 =	smul.u32 $0x280, s11  }
0x6: {  	s16 =	simm.s32 $0x80;
	s18 =	simm.s32 $0x0;
	s7 =	smul.u32 $0x2800, s11  }
0x7: {  	s4 =	sand.u32 $0x1, s3;
	s3 =	simm.s32 $0x0;
	s22 =	smul.u32 $0x50000, s11  }
0x8: {  	s24 =	sshll.u32 s11, $0x6;
	s25 =	sshll.u32 s11, $0xB;
	s11 =	simm.s32 $0x1  }
0x9: {  	s6 =	smul.u32 $0x2800, s4;
	[smem:$0x7FF] =	sst s3;
	s8 =	ssub.s32 $0x2, s4  }
0xa: {  	s10 =	smul.u32 $0x28000, s4;
	_ =	strace $0x8000004A;
	s7 =	sadd.s32 s7, s0  }
0xb: {  	s23 =	sshrl.u32 s8, $0x1;
	s5 =	sadd.s32 s5, s6;
	s6 =	sshrl.u32 s22, $0x2  }
0xc: {  	s8 =	ssub.s32 s8, s23;
	s4 =	sadd.s32 $0x55600, s7;
	s26 =	sadd.s32 s10, s7  }
0xd: {  	s5 =	sshll.u32 s5, $0x4;
	s9 =	sadd.s32 s6, s2;
	s6 =	sadd.s32 s1, s25  }
0xe: {  	s8 =	smax.u32 s8, $0x1;
	s22 =	sadd.s32 $0x11D600, s26;
	s1 =	simm.s32 $0x7000  }
0xf: {  	s0 =	sadd.s32 s5, s0;
	s5 =	sor.u32 $0x1C01, s24;
	s10 =	sshrl.u32 s9, $0x3  }
0x10: {  	s13 =	sadd.s32 $0x80, s6;
	s15 =	sadd.s32 $0x100, s6;
	s17 =	sadd.s32 $0x180, s6  }
0x11: {  	s19 =	sadd.s32 $0x200, s6;
	s21 =	sadd.s32 $0x280, s6;
	s23 =	sadd.s32 $0x300, s6  }
0x12: {  	s25 =	sadd.s32 $0x380, s6;
	s7 =	sadd.s32 $0x16D600, s0;
	s0 =	simm.s32 $0x7400  }
.LBB2_1:
0x13: {  	[spmem:s10], [sflag:s5] =	dma.local [hbm:s4], $0x2800  }
0x14: {  	_ =	swait.ge [sflag:s11], $0x2800  }
0x15: {  	[sflag:s11] =	ssyncset.done $0x0  }
0x16: {  	s9 =	simm.s32 $0x4000;
	[sflag:s11] =	ssyncadd.s32 $0xFFFFD800  }
0x17: {  	[tilespmem:s9], [sflag:$0x1] =	stream.linear.gather [hbm4b:s6+s3], $0x280, $0x38;
	[tilespmem:$0x1C000] =	vst v63  }
0x18: {  	s26 =	simm.s32 $0x4400  }
0x19: {  	[tilespmem:s26], [sflag:$0x1] =	stream.linear.gather [hbm4b:s13+s3], $0x280, $0x38;
	[tilespmem:$0x1C000] =	vst v63  }
0x1a: {  	s20 =	simm.s32 $0x4800  }
0x1b: {  	[tilespmem:s20], [sflag:$0x1] =	stream.linear.gather [hbm4b:s15+s3], $0x280, $0x38;
	[tilespmem:$0x1C000] =	vst v63  }
0x1c: {  	s24 =	simm.s32 $0x4C00  }
0x1d: {  	[tilespmem:s24], [sflag:$0x1] =	stream.linear.gather [hbm4b:s17+s3], $0x280, $0x38;
	[tilespmem:$0x1C000] =	vst v63  }
0x1e: {  	s26 =	simm.s32 $0x5000  }
0x1f: {  	[tilespmem:s26], [sflag:$0x1] =	stream.linear.gather [hbm4b:s19+s3], $0x280, $0x38;
	[tilespmem:$0x1C000] =	vst v63  }
0x20: {  	s20 =	simm.s32 $0x5400  }
0x21: {  	[tilespmem:s20], [sflag:$0x1] =	stream.linear.gather [hbm4b:s21+s3], $0x280, $0x38;
	[tilespmem:$0x1C000] =	vst v63  }
0x22: {  	s24 =	simm.s32 $0x5800  }
0x23: {  	[tilespmem:s24], [sflag:$0x1] =	stream.linear.gather [hbm4b:s23+s3], $0x280, $0x38;
	[tilespmem:$0x1C000] =	vst v63  }
0x24: {  	s26 =	simm.s32 $0x5C00  }
0x25: {  	[tilespmem:s26], [sflag:$0x1] =	stream.linear.gather [hbm4b:s25+s3], $0x280, $0x38;
	[tilespmem:$0x1C000] =	vst v63  }
0x26: {  	s20 =	sadd.s32 $0x400, s6  }
0x27: {  	[tilespmem:s28], [sflag:$0x1] =	stream.linear.gather [hbm4b:s20+s3], $0x280, $0x38;
	[tilespmem:$0x1C000] =	vst v63  }
0x28: {  	s24 =	sadd.s32 $0x480, s6  }
0x29: {  	[tilespmem:s29], [sflag:$0x1] =	stream.linear.gather [hbm4b:s24+s3], $0x280, $0x38;
	[tilespmem:$0x1C000] =	vst v63  }
0x2a: {  	s26 =	sadd.s32 $0x500, s6  }
0x2b: {  	[tilespmem:s30], [sflag:$0x1] =	stream.linear.gather [hbm4b:s26+s3], $0x280, $0x38;
	[tilespmem:$0x1C000] =	vst v63  }
0x2c: {  	s20 =	sadd.s32 $0x580, s6  }
0x2d: {  	[tilespmem:s31], [sflag:$0x1] =	stream.linear.gather [hbm4b:s20+s3], $0x280, $0x38;
	[tilespmem:$0x1C000] =	vst v63  }
0x2e: {  	s24 =	sadd.s32 $0x600, s6  }
0x2f: {  	[tilespmem:s1], [sflag:$0x1] =	stream.linear.gather [hbm4b:s24+s3], $0x280, $0x38;
	[tilespmem:$0x1C000] =	vst v63  }
0x30: {  	s26 =	sadd.s32 $0x680, s6  }
0x31: {  	[tilespmem:s0], [sflag:$0x1] =	stream.linear.gather [hbm4b:s26+s3], $0x280, $0x38;
	[tilespmem:$0x1C000] =	vst v63  }
0x32: {  	s20 =	sadd.s32 $0x700, s6  }
0x33: {  	[tilespmem:s12], [sflag:$0x1] =	stream.linear.gather [hbm4b:s20+s3], $0x280, $0x38;
	[tilespmem:$0x1C000] =	vst v63  }
0x34: {  	s24 =	sadd.s32 $0x780, s6  }
0x35: {  	[tilespmem:s14], [sflag:$0x1] =	stream.linear.gather [hbm4b:s24+s3], $0x280, $0x38;
	[tilespmem:$0x1C000] =	vst v63  }
0x36: {  	_ =	swait.ge [sflag:s11], $0x2800  }
0x37: {  	[sflag:s11] =	ssyncset.done $0x0  }
0x38: {  	[sflag:s11] =	ssyncadd.s32 $0xFFFFD800  }
0x39: {  	[bflag:$0x0] =	sbarrier.arrive $0xFFFF  }
0x3a: {  	[tilespmem:s3], [sflag:$0x1] =	stream.linear.gather [hbm4b:s22+s3], $0x4000, $0x38;
	[tilespmem:$0x1C000] =	vst v63  }
0x3b: {  	_ =	swait.ge [sflag:s11], $0x4000  }
0x3c: {  	[sflag:s11] =	ssyncset.done $0x0  }
0x3d: {  	s26 =	simm.s32 $0x4000;
	[sflag:s11] =	ssyncadd.s32 $0xFFFFC000  }
0x3e: {  	[spmem:s2] =	stream.indirect.scatter.add.f32 [tilespmem:s3], [sflag:$0x1], $0x80, s26, s16, $0xb8;
	[tilespmem:$0x1C000] =	vst v63  }
0x3f: {  	_ =	swait.ge [sflag:s11], $0x4000  }
0x40: {  	[sflag:s11] =	ssyncset.done $0x0  }
0x41: {  	s20 =	simm.s32 $0x4400;
	[sflag:s11] =	ssyncadd.s32 $0xFFFFC000  }
0x42: {  	[spmem:s2] =	stream.indirect.scatter.add.f32 [tilespmem:s3], [sflag:$0x1], $0x80, s20, s16, $0xb8;
	[tilespmem:$0x1C000] =	vst v63  }
0x43: {  	_ =	swait.ge [sflag:s11], $0x4000  }
0x44: {  	[sflag:s11] =	ssyncset.done $0x0  }
0x45: {  	s24 =	simm.s32 $0x4800;
	[sflag:s11] =	ssyncadd.s32 $0xFFFFC000  }
0x46: {  	[spmem:s2] =	stream.indirect.scatter.add.f32 [tilespmem:s3], [sflag:$0x1], $0x80, s24, s16, $0xb8;
	[tilespmem:$0x1C000] =	vst v63  }
0x47: {  	_ =	swait.ge [sflag:s11], $0x4000  }
0x48: {  	[sflag:s11] =	ssyncset.done $0x0  }
0x49: {  	s26 =	simm.s32 $0x4C00;
	[sflag:s11] =	ssyncadd.s32 $0xFFFFC000  }
0x4a: {  	[spmem:s2] =	stream.indirect.scatter.add.f32 [tilespmem:s3], [sflag:$0x1], $0x80, s26, s16, $0xb8;
	[tilespmem:$0x1C000] =	vst v63  }
0x4b: {  	_ =	swait.ge [sflag:s11], $0x4000  }
0x4c: {  	[sflag:s11] =	ssyncset.done $0x0  }
0x4d: {  	s20 =	simm.s32 $0x5000;
	[sflag:s11] =	ssyncadd.s32 $0xFFFFC000  }
0x4e: {  	[spmem:s2] =	stream.indirect.scatter.add.f32 [tilespmem:s3], [sflag:$0x1], $0x80, s20, s16, $0xb8;
	[tilespmem:$0x1C000] =	vst v63  }
0x4f: {  	_ =	swait.ge [sflag:s11], $0x4000  }
0x50: {  	[sflag:s11] =	ssyncset.done $0x0  }
0x51: {  	s24 =	simm.s32 $0x5400;
	[sflag:s11] =	ssyncadd.s32 $0xFFFFC000  }
0x52: {  	[spmem:s2] =	stream.indirect.scatter.add.f32 [tilespmem:s3], [sflag:$0x1], $0x80, s24, s16, $0xb8;
	[tilespmem:$0x1C000] =	vst v63  }
0x53: {  	_ =	swait.ge [sflag:s11], $0x4000  }
0x54: {  	[sflag:s11] =	ssyncset.done $0x0  }
0x55: {  	s26 =	simm.s32 $0x5800;
	[sflag:s11] =	ssyncadd.s32 $0xFFFFC000  }
0x56: {  	[spmem:s2] =	stream.indirect.scatter.add.f32 [tilespmem:s3], [sflag:$0x1], $0x80, s26, s16, $0xb8;
	[tilespmem:$0x1C000] =	vst v63  }
0x57: {  	_ =	swait.ge [sflag:s11], $0x4000  }
0x58: {  	[sflag:s11] =	ssyncset.done $0x0  }
0x59: {  	s20 =	simm.s32 $0x5C00;
	[sflag:s11] =	ssyncadd.s32 $0xFFFFC000  }
0x5a: {  	[spmem:s2] =	stream.indirect.scatter.add.f32 [tilespmem:s3], [sflag:$0x1], $0x80, s20, s16, $0xb8;
	[tilespmem:$0x1C000] =	vst v63  }
0x5b: {  	_ =	swait.ge [sflag:s11], $0x4000  }
0x5c: {  	[sflag:s11] =	ssyncset.done $0x0  }
0x5d: {  	s24 =	simm.s32 $0x6000;
	[sflag:s11] =	ssyncadd.s32 $0xFFFFC000  }
0x5e: {  	[spmem:s2] =	stream.indirect.scatter.add.f32 [tilespmem:s3], [sflag:$0x1], $0x80, s24, s16, $0xb8;
	[tilespmem:$0x1C000] =	vst v63  }
0x5f: {  	_ =	swait.ge [sflag:s11], $0x4000  }
0x60: {  	[sflag:s11] =	ssyncset.done $0x0  }
0x61: {  	s26 =	simm.s32 $0x6400;
	[sflag:s11] =	ssyncadd.s32 $0xFFFFC000  }
0x62: {  	[spmem:s2] =	stream.indirect.scatter.add.f32 [tilespmem:s3], [sflag:$0x1], $0x80, s26, s16, $0xb8;
	[tilespmem:$0x1C000] =	vst v63  }
0x63: {  	_ =	swait.ge [sflag:s11], $0x4000  }
0x64: {  	[sflag:s11] =	ssyncset.done $0x0  }
0x65: {  	s20 =	simm.s32 $0x6800;
	[sflag:s11] =	ssyncadd.s32 $0xFFFFC000  }
0x66: {  	[spmem:s2] =	stream.indirect.scatter.add.f32 [tilespmem:s3], [sflag:$0x1], $0x80, s20, s16, $0xb8;
	[tilespmem:$0x1C000] =	vst v63  }
0x67: {  	_ =	swait.ge [sflag:s11], $0x4000  }
0x68: {  	[sflag:s11] =	ssyncset.done $0x0  }
0x69: {  	s24 =	simm.s32 $0x6C00;
	[sflag:s11] =	ssyncadd.s32 $0xFFFFC000  }
0x6a: {  	[spmem:s2] =	stream.indirect.scatter.add.f32 [tilespmem:s3], [sflag:$0x1], $0x80, s24, s16, $0xb8;
	[tilespmem:$0x1C000] =	vst v63  }
0x6b: {  	_ =	swait.ge [sflag:s11], $0x4000  }
0x6c: {  	[sflag:s11] =	ssyncset.done $0x0  }
0x6d: {  	s26 =	simm.s32 $0x7000;
	[sflag:s11] =	ssyncadd.s32 $0xFFFFC000  }
0x6e: {  	[spmem:s2] =	stream.indirect.scatter.add.f32 [tilespmem:s3], [sflag:$0x1], $0x80, s26, s16, $0xb8;
	[tilespmem:$0x1C000] =	vst v63  }
0x6f: {  	_ =	swait.ge [sflag:s11], $0x4000  }
0x70: {  	[sflag:s11] =	ssyncset.done $0x0  }
0x71: {  	s20 =	simm.s32 $0x7400;
	[sflag:s11] =	ssyncadd.s32 $0xFFFFC000  }
0x72: {  	[spmem:s2] =	stream.indirect.scatter.add.f32 [tilespmem:s3], [sflag:$0x1], $0x80, s20, s16, $0xb8;
	[tilespmem:$0x1C000] =	vst v63  }
0x73: {  	_ =	swait.ge [sflag:s11], $0x4000  }
0x74: {  	[sflag:s11] =	ssyncset.done $0x0  }
0x75: {  	s24 =	simm.s32 $0x7800;
	[sflag:s11] =	ssyncadd.s32 $0xFFFFC000  }
0x76: {  	[spmem:s2] =	stream.indirect.scatter.add.f32 [tilespmem:s3], [sflag:$0x1], $0x80, s24, s16, $0xb8;
	[tilespmem:$0x1C000] =	vst v63  }
0x77: {  	_ =	swait.ge [sflag:s11], $0x4000  }
0x78: {  	[sflag:s11] =	ssyncset.done $0x0  }
0x79: {  	s26 =	simm.s32 $0x7C00;
	[sflag:s11] =	ssyncadd.s32 $0xFFFFC000  }
0x7a: {  	[spmem:s2] =	stream.indirect.scatter.add.f32 [tilespmem:s3], [sflag:$0x1], $0x80, s26, s16, $0xb8;
	[tilespmem:$0x1C000] =	vst v63  }
0x7b: {  	_ =	swait.ge [sflag:s11], $0x4000  }
0x7c: {  	s9 =	smov.u32 s22;
	s20 =	simm.s32 $0x200;
	[sflag:s11] =	ssyncset.done $0x0  }
.LBB2_2:
0x7d: {  	p0 =	sne.s32 s20, $0x800;
	[sflag:s11] =	ssyncadd.s32 $0xFFFFC000;
	s9 =	sadd.s32 $0x800, s9  }
0x7e: {  	[tilespmem:s3], [sflag:$0x1] =	stream.linear.gather [hbm4b:s9+s3], $0x4000, $0x38;
	[tilespmem:$0x1C000] =	vst v63  }
0x7f: {  	s24 =	smov.u32 s20;
	s20 =	sadd.s32 $0x200, s20;
	_ =	swait.ge [sflag:s11], $0x4000  }
0x80: {  	s24 =	sshra.s32 s24, $0x2;
	[sflag:s11] =	ssyncset.done $0x0  }
0x81: {  	s26 =	sadd.s32 $0x4000, s24;
	[sflag:s11] =	ssyncadd.s32 $0xFFFFC000  }
0x82: {  	[spmem:s2] =	stream.indirect.scatter.add.f32 [tilespmem:s3], [sflag:$0x1], $0x80, s26, s16, $0xb8;
	[tilespmem:$0x1C000] =	vst v63  }
0x83: {  	_ =	swait.ge [sflag:s11], $0x4000  }
0x84: {  	[sflag:s11] =	ssyncset.done $0x0  }
0x85: {  	s26 =	sadd.s32 $0x4400, s24;
	[sflag:s11] =	ssyncadd.s32 $0xFFFFC000  }
0x86: {  	[spmem:s2] =	stream.indirect.scatter.add.f32 [tilespmem:s3], [sflag:$0x1], $0x80, s26, s16, $0xb8;
	[tilespmem:$0x1C000] =	vst v63  }
0x87: {  	_ =	swait.ge [sflag:s11], $0x4000  }
0x88: {  	[sflag:s11] =	ssyncset.done $0x0  }
0x89: {  	s26 =	sadd.s32 $0x4800, s24;
	[sflag:s11] =	ssyncadd.s32 $0xFFFFC000  }
0x8a: {  	[spmem:s2] =	stream.indirect.scatter.add.f32 [tilespmem:s3], [sflag:$0x1], $0x80, s26, s16, $0xb8;
	[tilespmem:$0x1C000] =	vst v63  }
0x8b: {  	_ =	swait.ge [sflag:s11], $0x4000  }
0x8c: {  	[sflag:s11] =	ssyncset.done $0x0  }
0x8d: {  	s26 =	sadd.s32 $0x4C00, s24;
	[sflag:s11] =	ssyncadd.s32 $0xFFFFC000  }
0x8e: {  	[spmem:s2] =	stream.indirect.scatter.add.f32 [tilespmem:s3], [sflag:$0x1], $0x80, s26, s16, $0xb8;
	[tilespmem:$0x1C000] =	vst v63  }
0x8f: {  	_ =	swait.ge [sflag:s11], $0x4000  }
0x90: {  	[sflag:s11] =	ssyncset.done $0x0  }
0x91: {  	s26 =	sadd.s32 $0x5000, s24;
	[sflag:s11] =	ssyncadd.s32 $0xFFFFC000  }
0x92: {  	[spmem:s2] =	stream.indirect.scatter.add.f32 [tilespmem:s3], [sflag:$0x1], $0x80, s26, s16, $0xb8;
	[tilespmem:$0x1C000] =	vst v63  }
0x93: {  	_ =	swait.ge [sflag:s11], $0x4000  }
0x94: {  	[sflag:s11] =	ssyncset.done $0x0  }
0x95: {  	s26 =	sadd.s32 $0x5400, s24;
	[sflag:s11] =	ssyncadd.s32 $0xFFFFC000  }
0x96: {  	[spmem:s2] =	stream.indirect.scatter.add.f32 [tilespmem:s3], [sflag:$0x1], $0x80, s26, s16, $0xb8;
	[tilespmem:$0x1C000] =	vst v63  }
0x97: {  	_ =	swait.ge [sflag:s11], $0x4000  }
0x98: {  	[sflag:s11] =	ssyncset.done $0x0  }
0x99: {  	s26 =	sadd.s32 $0x5800, s24;
	[sflag:s11] =	ssyncadd.s32 $0xFFFFC000  }
0x9a: {  	[spmem:s2] =	stream.indirect.scatter.add.f32 [tilespmem:s3], [sflag:$0x1], $0x80, s26, s16, $0xb8;
	[tilespmem:$0x1C000] =	vst v63  }
0x9b: {  	_ =	swait.ge [sflag:s11], $0x4000  }
0x9c: {  	[sflag:s11] =	ssyncset.done $0x0  }
0x9d: {  	s26 =	sadd.s32 $0x5C00, s24;
	[sflag:s11] =	ssyncadd.s32 $0xFFFFC000  }
0x9e: {  	[spmem:s2] =	stream.indirect.scatter.add.f32 [tilespmem:s3], [sflag:$0x1], $0x80, s26, s16, $0xb8;
	[tilespmem:$0x1C000] =	vst v63  }
0x9f: {  	_ =	swait.ge [sflag:s11], $0x4000  }
0xa0: {  	[sflag:s11] =	ssyncset.done $0x0  }
0xa1: {  	s26 =	sadd.s32 $0x6000, s24;
	[sflag:s11] =	ssyncadd.s32 $0xFFFFC000  }
0xa2: {  	[spmem:s2] =	stream.indirect.scatter.add.f32 [tilespmem:s3], [sflag:$0x1], $0x80, s26, s16, $0xb8;
	[tilespmem:$0x1C000] =	vst v63  }
0xa3: {  	_ =	swait.ge [sflag:s11], $0x4000  }
0xa4: {  	[sflag:s11] =	ssyncset.done $0x0  }
0xa5: {  	s26 =	sadd.s32 $0x6400, s24;
	[sflag:s11] =	ssyncadd.s32 $0xFFFFC000  }
0xa6: {  	[spmem:s2] =	stream.indirect.scatter.add.f32 [tilespmem:s3], [sflag:$0x1], $0x80, s26, s16, $0xb8;
	[tilespmem:$0x1C000] =	vst v63  }
0xa7: {  	_ =	swait.ge [sflag:s11], $0x4000  }
0xa8: {  	[sflag:s11] =	ssyncset.done $0x0  }
0xa9: {  	s26 =	sadd.s32 $0x6800, s24;
	[sflag:s11] =	ssyncadd.s32 $0xFFFFC000  }
0xaa: {  	[spmem:s2] =	stream.indirect.scatter.add.f32 [tilespmem:s3], [sflag:$0x1], $0x80, s26, s16, $0xb8;
	[tilespmem:$0x1C000] =	vst v63  }
0xab: {  	_ =	swait.ge [sflag:s11], $0x4000  }
0xac: {  	[sflag:s11] =	ssyncset.done $0x0  }
0xad: {  	s26 =	sadd.s32 $0x6C00, s24;
	[sflag:s11] =	ssyncadd.s32 $0xFFFFC000  }
0xae: {  	[spmem:s2] =	stream.indirect.scatter.add.f32 [tilespmem:s3], [sflag:$0x1], $0x80, s26, s16, $0xb8;
	[tilespmem:$0x1C000] =	vst v63  }
0xaf: {  	_ =	swait.ge [sflag:s11], $0x4000  }
0xb0: {  	[sflag:s11] =	ssyncset.done $0x0  }
0xb1: {  	s26 =	sadd.s32 $0x7000, s24;
	[sflag:s11] =	ssyncadd.s32 $0xFFFFC000  }
0xb2: {  	[spmem:s2] =	stream.indirect.scatter.add.f32 [tilespmem:s3], [sflag:$0x1], $0x80, s26, s16, $0xb8;
	[tilespmem:$0x1C000] =	vst v63  }
0xb3: {  	_ =	swait.ge [sflag:s11], $0x4000  }
0xb4: {  	[sflag:s11] =	ssyncset.done $0x0  }
0xb5: {  	s26 =	sadd.s32 $0x7400, s24;
	[sflag:s11] =	ssyncadd.s32 $0xFFFFC000  }
0xb6: {  	[spmem:s2] =	stream.indirect.scatter.add.f32 [tilespmem:s3], [sflag:$0x1], $0x80, s26, s16, $0xb8;
	[tilespmem:$0x1C000] =	vst v63  }
0xb7: {  	_ =	swait.ge [sflag:s11], $0x4000  }
0xb8: {  	[sflag:s11] =	ssyncset.done $0x0  }
0xb9: {  	s26 =	sadd.s32 $0x7800, s24;
	[sflag:s11] =	ssyncadd.s32 $0xFFFFC000  }
0xba: {  	[spmem:s2] =	stream.indirect.scatter.add.f32 [tilespmem:s3], [sflag:$0x1], $0x80, s26, s16, $0xb8;
	[tilespmem:$0x1C000] =	vst v63  }
0xbb: {  	_ =	swait.ge [sflag:s11], $0x4000  }
.Ltmp0:
0xbc: {  	[sflag:s11] =	ssyncset.done $0x0;
	(pc) =	sbr.rel @p0 .LBB2_2-.Ltmp0, $4  }
0xbd: {  	s24 =	sadd.s32 $0x7C00, s24;
	[sflag:s11] =	ssyncadd.s32 $0xFFFFC000  }
0xbe: {  	[spmem:s2] =	stream.indirect.scatter.add.f32 [tilespmem:s3], [sflag:$0x1], $0x80, s24, s16, $0xb8;
	[tilespmem:$0x1C000] =	vst v63  }
0xbf: {  	_ =	swait.ge [sflag:s11], $0x4000  }
0xc0: {  	[sflag:s11] =	ssyncset.done $0x0  }
0xc1: {  	s18 =	sadd.s32 $0x1, s18  }
0xc2: {  	[sflag:s11] =	ssyncadd.s32 $0xFFFFC000;
	p0 =	sne.s32 s18, s8  }
.Ltmp1:
0xc3: {  	[bflag:$0x0] =	sbarrier.arrive $0xFFFF;
	(pc) =	sbr.rel @p0 .LBB2_1-.Ltmp1, $4  }
0xc4: {  	[hbm:s7], [sflag:s5] =	dma.local [spmem:s10], $0x2800  }
0xc5: {  	_ =	swait.ge [sflag:s11], $0x2800  }
0xc6: {  	[sflag:s11] =	ssyncset.done $0x0  }
0xc7: {  	[sflag:s11] =	ssyncadd.s32 $0xFFFFD800  }
0xc8: {  	_ =	sfence.sel $0x180000  }
0xc9: {  	[bflag:$0x0] =	sbarrier.arrive $0xFFFF  }
0xca: {  	_ =	strace $0x9000004A  }
0xcb: {  	s0 =	stileid.u32;
	[bflag:$0x2] =	sbarrier.arrive $0xFFFF  }
0xcc: {  	p0 =	sne.s32 s0, $0x0;
	s0 =	rddreg [dreg:$0x3]  }
0xcd: {  	s0 =	sadd.s32 @!p0 $0x100000, s0  }
0xce: {  	[sflag:s0] =	ssyncadd.tile.s32 @!p0 $0x1;
	_ =	shalt  }
.Lfunc_end2:
_tile_overlayer_lowered:
.L_overlay_start_2:
0xcf: {  	(tag) =	ssettag $0x2  }
0xd0: {  	s0 =	rddreg [dreg:$0x0];
	s2 =	stileid.u32  }
0xd1: {  	s1 =	rddreg [dreg:$0x1];
	p0 =	sne.s32 s2, $0x0  }
0xd2: {  	s3 =	rddreg [dreg:$0x2];
	[bflag:$0x3] =	sbarrier.arrive $0xFFFF;
	s2 =	simm.s32 @!p0 $0x1C01  }
0xd3: {  	[timem:s3], [sflag:s2] =	dma.local @!p0 [hbm:s0], s1  }
0xd4: {  	s0 =	simm.s32 @!p0 $0x1  }
0xd5: {  	_ =	swait.ge @!p0 [sflag:s0], s1  }
0xd6: {  	s1 =	ssub.s32 @!p0 $0x0, s1;
	[sflag:s0] =	ssyncset.done @!p0 $0x0  }
0xd7: {  	[sflag:s0] =	ssyncadd.s32 @!p0 s1  }
0xd8: {  	[bflag:$0x3] =	sbarrier.arrive $0xFFFF  }
0xd9: {  	_ =	shalt  }

// kernel: kernel.17.cloned.1.call-start
scs
__scs_entry_jumppad:
0x0: {  	(pc) =	sbr.rel $0x88, $3  }
0x1: {  	(tag) =	ssettag $0x0;
	lr =	simm.s32 $0x1  }
0x2: {  	[smem:$0x3F8A] =	sst lr;
	_ =	strace $0xD0000000  }
0x3: {  	_ = 	snop  }
0x4: {  	_ = 	snop  }
0x5: {  	_ = 	snop  }
0x6: {  	_ = 	snop  }
0x7: {  	_ = 	snop  }
__scs_overlays_trampoline_lowered:
0x8: {  	[smem:$0x3F99] =	sst s0  }
0x9: {  	[smem:$0x3F9A] =	sst s1  }
0xa: {  	[smem:$0x3F9B] =	sst s2  }
0xb: {  	[smem:$0x3F9C] =	sst s3  }
0xc: {  	[smem:$0x3F9D] =	sst s4  }
0xd: {  	[smem:$0x3F9E] =	sst s5  }
0xe: {  	[smem:$0x3F9F] =	sst s6  }
0xf: {  	[smem:$0x3FA0] =	sst s7  }
0x10: {  	[smem:$0x3FA1] =	sst s8  }
0x11: {  	[smem:$0x3FA2] =	sst s9;
	s0 =	simm.s32 @!p0 $0x0  }
0x12: {  	s1 =	sld [smem:$0x3F88];
	s0 =	simm.s32 @p0 $0x1  }
0x13: {  	[smem:$0x3FA3] =	sst s0;
	s0 =	simm.s32 @!p1 $0x0  }
0x14: {  	s2 =	sld [smem:$0x3F87];
	s0 =	simm.s32 @p1 $0x1  }
0x15: {  	[smem:$0x3FA4] =	sst s0;
	s0 =	simm.s32 @!p2 $0x0  }
0x16: {  	s3 =	sld [smem:$0x3FDB];
	s0 =	simm.s32 @p2 $0x1  }
0x17: {  	s4 =	simm.s32 $0x1BF5;
	[smem:$0x3FA6] =	sst s0  }
0x18: {  	s0 =	sld [smem:$0x3F89];
	_ =	swait.ge [sflag:s4], $0x0  }
0x19: {  	s7 =	sld [smem:$0x3F8A]  }
0x1a: {  	s8 =	sadd.s32 $0xFFFFE003, lr  }
0x1b: {  	s9 =	sadd.s32 $0xFFFFFEF7, lr;
	s5 =	simm.s32 $0xFFFFFFFF;
	p2 =	slt.u32 s8, $0xFFFFF086  }
0x1c: {  	p1 =	slt.u32 s9, $0xF7A;
	s5 =	simm.s32 @!p2 $0x0  }
0x1d: {  	s5 =	simm.s32 @p1 $0x1;
	p0 =	seq.s32 s7, s2  }
0x1e: {  	s7 =	smul.u32 @!p0 $0xF7A, s2;
	p2 =	seq.s32 @!p0 s5, $0x0  }
0x1f: {  	s9 =	smul.u32 $0xF7A, s1;
	s8 =	simm.s32 @!p0 $0x1BF5;
	p2 =	por !p2, p0  }
0x20: {  	[sflag:s8] =	ssyncset.s32 @!p0 $0xFFFFF086;
	s6 =	sadd.s32 @!p0 s3, s7;
	s7 =	simm.s32 @!p0 $0x108  }
0x21: {  	s3 =	sadd.s32 s3, s9;
	s6 =	sadd.s32 @!p0 $0x88, s6;
	s7 =	simm.s32 @p2 $0x1082  }
0x22: {  	[simem:s7], [sflag:s8] =	dma.local @!p0 [hbm:s6], $0xF7A  }
0x23: {  	s9 =	sor.u32 $0xD0000000, s2;
	s6 =	simm.s32 $0x108;
	_ =	swait.ge @!p0 [sflag:s8], $0x0  }
0x24: {  	s3 =	sadd.s32 $0x88, s3;
	s6 =	simm.s32 @!p1 $0x1082;
	[sflag:s4] =	ssyncset.s32 $0xFFFFF086  }
0x25: {  	[simem:s6], [sflag:s4] =	dma.local [hbm:s3], $0xF7A  }
0x26: {  	[smem:$0x3F8A] =	sst s1;
	(tag) =	ssettag s2;
	_ =	strace s9  }
0x27: {  	s1 =	sld [smem:$0x3F9A]  }
0x28: {  	s2 =	sld [smem:$0x3F9B]  }
0x29: {  	s4 =	sld [smem:$0x3F9D]  }
0x2a: {  	p0 =	seq.s32 s5, $0x0;
	s5 =	sld [smem:$0x3F9E]  }
0x2b: {  	s6 =	sld [smem:$0x3F9F]  }
0x2c: {  	s7 =	sld [smem:$0x3FA0]  }
0x2d: {  	s3 =	simm.s32 $0x108;
	s8 =	sld [smem:$0x3FA1]  }
0x2e: {  	s3 =	simm.s32 @!p0 $0x1082;
	s9 =	sld [smem:$0x3FA2]  }
0x2f: {  	lr =	sadd.s32 s0, s3;
	s0 =	sld [smem:$0x3F99]  }
0x30: {  	s3 =	sld [smem:$0x3F9C]  }
0x31: {  	[smem:$0x3FA5] =	sst s10  }
0x32: {  	s10 =	sld [smem:$0x3FA3];
	_ =	sdelay $0x3  }
0x33: {  	p0 =	seq.s32 s10, $0x1;
	s10 =	sld [smem:$0x3FA5];
	_ =	sdelay $0x3  }
0x34: {  	[smem:$0x3FA5] =	sst s10  }
0x35: {  	s10 =	sld [smem:$0x3FA4];
	_ =	sdelay $0x3  }
0x36: {  	p1 =	seq.s32 s10, $0x1;
	s10 =	sld [smem:$0x3FA5];
	_ =	sdelay $0x3  }
0x37: {  	[smem:$0x3FA5] =	sst s10  }
0x38: {  	s10 =	sld [smem:$0x3FA6]  }
0x39: {  	_ = 	snop;
	(pc) =	sbr.ind lr, $3  }
0x3a: {  	_ = 	snop  }
0x3b: {  	_ = 	snop  }
0x3c: {  	p2 =	seq.s32 s10, $0x1;
	s10 =	sld [smem:$0x3FA5]  }
0x3d: {  	_ =	shalt  }
0x3e: {  	_ =	shalt  }
0x3f: {  	_ =	shalt  }
0x40: {  	_ =	shalt  }
0x41: {  	_ =	shalt  }
0x42: {  	_ =	shalt  }
0x43: {  	_ =	shalt  }
0x44: {  	_ =	shalt  }
0x45: {  	_ =	shalt  }
0x46: {  	_ =	shalt  }
0x47: {  	_ =	shalt  }
0x48: {  	_ =	shalt  }
0x49: {  	_ =	shalt  }
0x4a: {  	_ =	shalt  }
0x4b: {  	_ =	shalt  }
0x4c: {  	_ =	shalt  }
0x4d: {  	_ =	shalt  }
0x4e: {  	_ =	shalt  }
0x4f: {  	_ =	shalt  }
0x50: {  	_ =	shalt  }
0x51: {  	_ =	shalt  }
0x52: {  	_ =	shalt  }
0x53: {  	_ =	shalt  }
0x54: {  	_ =	shalt  }
0x55: {  	_ =	shalt  }
0x56: {  	_ =	shalt  }
0x57: {  	_ =	shalt  }
0x58: {  	_ =	shalt  }
0x59: {  	_ =	shalt  }
0x5a: {  	_ =	shalt  }
0x5b: {  	_ =	shalt  }
0x5c: {  	_ =	shalt  }
0x5d: {  	_ =	shalt  }
0x5e: {  	_ =	shalt  }
0x5f: {  	_ =	shalt  }
0x60: {  	_ =	shalt  }
0x61: {  	_ =	shalt  }
0x62: {  	_ =	shalt  }
0x63: {  	_ =	shalt  }
0x64: {  	_ =	shalt  }
0x65: {  	_ =	shalt  }
0x66: {  	_ =	shalt  }
0x67: {  	_ =	shalt  }
0x68: {  	_ =	shalt  }
0x69: {  	_ =	shalt  }
0x6a: {  	_ =	shalt  }
0x6b: {  	_ =	shalt  }
0x6c: {  	_ =	shalt  }
0x6d: {  	_ =	shalt  }
0x6e: {  	_ =	shalt  }
0x6f: {  	_ =	shalt  }
0x70: {  	_ =	shalt  }
0x71: {  	_ =	shalt  }
0x72: {  	_ =	shalt  }
0x73: {  	_ =	shalt  }
0x74: {  	_ =	shalt  }
0x75: {  	_ =	shalt  }
0x76: {  	_ =	shalt  }
0x77: {  	_ =	shalt  }
0x78: {  	_ =	shalt  }
0x79: {  	_ =	shalt  }
0x7a: {  	_ =	shalt  }
0x7b: {  	_ =	shalt  }
0x7c: {  	_ =	shalt  }
0x7d: {  	_ =	shalt  }
0x7e: {  	_ =	shalt  }
0x7f: {  	_ =	shalt  }
0x80: {  	_ =	shalt  }
0x81: {  	_ =	shalt  }
0x82: {  	_ =	shalt  }
0x83: {  	_ =	shalt  }
0x84: {  	_ =	shalt  }
0x85: {  	_ =	shalt  }
0x86: {  	_ =	shalt  }
0x87: {  	_ =	shalt  }
.Lfunc_end0:
.L_simem_size_0:
called_computation.2_lowered:
.L_overlay_start_0:
0x88: {  	s2 =	sld [smem:$0x3FD9]  }
0x89: {  	s3 =	sld [smem:$0x3FFE];
	_ =	sdelay $0x1  }
0x8a: {  	s1 =	srdreg.scid  }
0x8b: {  	s0 =	sand.u32 $0x1, s1  }
0x8c: {  	s14 =	sshll.u32 s0, $0xA;
	s2 =	sadd.s32 s3, s2  }
0x8d: {  	s2 =	sadd.s32 s2, s14  }
0x8e: {  	[smem:$0x3FB1] =	sst s2  }
0x8f: {  	_ = 	snop  }
0x90: {  	s2 =	sld [smem:$0x3FD0];
	_ =	sdelay $0x2  }
0x91: {  	s15 =	simm.s32 $0xB;
	s4 =	simm.s32 $0x10  }
0x92: {  	[smem:s4], [sflag:s15] =	dma.local [hbm:s2], $0x1  }
0x93: {  	_ =	swait.eq [sflag:s15], $0x1  }
0x94: {  	[sflag:s15] =	ssyncset.done $0x0  }
0x95: {  	[sflag:s15] =	ssyncadd.s32 $0xFFFFFFFF  }
0x96: {  	s16 =	sld [smem:$0x11];
	(tm) =	ssettm $0x1  }
0x97: {  	s17 =	sld [smem:$0x3FFB];
	_ =	sdelay $0x3  }
0x98: {  	_ =	strace s17  }
0x99: {  	s3 =	sld [smem:$0x3FFC];
	_ =	sdelay $0x3  }
0x9a: {  	_ =	strace s3  }
0x9b: {  	s3 =	sld [smem:$0x3FFD];
	_ =	sdelay $0x3  }
0x9c: {  	_ =	strace s3  }
0x9d: {  	_ =	strace $0x8FFFFFFF  }
0x9e: {  	s18 =	sld [smem:$0x3FDB];
	_ =	sdelay $0x1  }
0x9f: {  	s19 =	simm.s32 $_scs_section_size  }
0xa0: {  	s5 =	simm.s32 $_size__tile_overlayer_lowered;
	s6 =	simm.s32 $_tile_overlayer_lowered  }
0xa1: {  	s22 =	simm.s32 $0x1BFF;
	s21 =	sshll.u32 s6, $0x1;
	s3 =	sadd.s32 s19, s18  }
0xa2: {  	s7 =	simm.s32 $0x0;
	s20 =	sshll.u32 s5, $0x1;
	s5 =	sadd.s32 s21, s3  }
0xa3: {  	[timem:s7], [sflag:s22] =	dma.local [hbm:s5], s20  }
0xa4: {  	_ =	swait.ge [sflag:s22], s20  }
0xa5: {  	s4 =	ssub.s32 $0x0, s20;
	[sflag:s22] =	ssyncset.done $0x0  }
0xa6: {  	[sflag:s22] =	ssyncadd.s32 s4;
	_ =	sdelay $0x1  }
0xa7: {  	s23 =	simm.s32 $0x1B8B  }
0xa8: {  	_ =	swait.ge [sflag:s23], $0x1  }
0xa9: {  	[sflag:s23] =	ssyncset.done $0x0  }
0xaa: {  	s25 =	simm.s32 $0x1B8E;
	s24 =	sld [smem:$0x3FFE];
	[sflag:s23] =	ssyncadd.s32 $0xFFFFFFFF  }
0xab: {  	s26 =	simm.s32 $execute0_lowered;
	[smem:$0x3FD2] =	sst s25  }
0xac: {  	s5 =	sshll.u32 s26, $0x1;
	_ =	strace $0x8000004C;
	[dreg:$0x1] =	wrdreg $0xFFFFFFFF  }
0xad: {  	s28 =	simm.s32 $_size_execute0_lowered;
	s3 =	sadd.s32 s3, s5;
	[dreg:$0x0] =	wrdreg $0x0  }
0xae: {  	s5 =	sshll.u32 s28, $0x1;
	[dreg:$0x2] =	wrdreg s3  }
0xaf: {  	[dreg:$0x3] =	wrdreg s5  }
0xb0: {  	[dreg:$0x4] =	wrdreg $0xC0  }
0xb1: {  	_ =	task [dreg:s7], $0x5FFFF  }
0xb2: {  	[dreg:$0x1] =	wrdreg $0xFFFFFFFF  }
0xb3: {  	[dreg:$0x0] =	wrdreg $0x60  }
0xb4: {  	[dreg:$0x2] =	wrdreg s24  }
0xb5: {  	[dreg:$0x3] =	wrdreg s16  }
0xb6: {  	[dreg:$0x4] =	wrdreg $0x80000  }
0xb7: {  	[dreg:$0x5] =	wrdreg $0x9  }
0xb8: {  	_ =	task.clear_ibuf [dreg:s7], $0x6FFFF;
	_ =	strace $0x9000004C  }
0xb9: {  	s29 =	simm.s32 $0x9;
	_ =	strace $0x8000004E  }
0xba: {  	_ =	swait.ge [sflag:s29], $0x1  }
0xbb: {  	[sflag:s29] =	ssyncadd.s32 $0xFFFFFFFF  }
0xbc: {  	_ =	strace $0x9000004E  }
0xbd: {  	_ =	sfence  }
0xbe: {  	s30 =	sld [smem:$0x0];
	_ =	sdelay $0x2  }
0xbf: {  	s31 =	sshll.u32 s1, $0xD;
	s1 =	sshrl.u32 s1, $0x2  }
0xc0: {  	s3 =	sand.u32 $0x4000, s31;
	s1 =	sadd.s32 s1, s30  }
0xc1: {  	s0 =	sor.u32 s3, s0;
	s1 =	sshll.u32 s1, $0x11  }
0xc2: {  	s0 =	sor.u32 s1, s0  }
0xc3: {  	s0 =	sadd.s32 $0x8F2B, s0  }
0xc4: {  	[sflag:s0] =	ssyncadd.remote.s32 $0x1  }
0xc5: {  	_ =	sfence.sel $0xFFFF  }
0xc6: {  	[dreg:$0x0] =	wrdreg $0xFFFFFFFF;
	(pc) =	sbr.abs _section_cstart, $3  }
0xc7: {  	[dreg:$0x1] =	wrdreg $0xFFFFFFFF  }
0xc8: {  	_ =	task.clear_ibuf [dreg:s7], $0x2FFFF;
	_ =	strace $0x9FFFFFFF  }
0xc9: {  	(tm) =	ssettm $0x7FFFFFFF  }
tec
execute0_lowered:
.L_overlay_start_1:
0x0: {  	(tag) =	ssettag $0x1  }
0x1: {  	s0 =	rddreg [dreg:$0x0]  }
0x2: {  	s1 =	rddreg [dreg:$0x1];
	s11 =	stileid.u32  }
0x3: {  	s3 =	srdreg.scid;
	s2 =	rddreg [dreg:$0x2];
	s28 =	simm.s32 $0x6000  }
0x4: {  	s29 =	simm.s32 $0x6400;
	s30 =	simm.s32 $0x6800;
	s31 =	simm.s32 $0x6C00  }
0x5: {  	s12 =	simm.s32 $0x7800;
	s14 =	simm.s32 $0x7C00;
	s5 =	smul.u32 $0x280, s11  }
0x6: {  	s16 =	simm.s32 $0x80;
	s18 =	simm.s32 $0x0;
	s7 =	smul.u32 $0x2800, s11  }
0x7: {  	s4 =	sand.u32 $0x1, s3;
	s3 =	simm.s32 $0x0;
	s22 =	smul.u32 $0x50000, s11  }
0x8: {  	s24 =	sshll.u32 s11, $0x6;
	s25 =	sshll.u32 s11, $0xB;
	s11 =	simm.s32 $0x1  }
0x9: {  	s6 =	smul.u32 $0x2800, s4;
	[smem:$0x7FF] =	sst s3;
	s8 =	ssub.s32 $0x2, s4  }
0xa: {  	s10 =	smul.u32 $0x28000, s4;
	_ =	strace $0x8000004D;
	s7 =	sadd.s32 s7, s0  }
0xb: {  	s23 =	sshrl.u32 s8, $0x1;
	s5 =	sadd.s32 s5, s6;
	s6 =	sshrl.u32 s22, $0x2  }
0xc: {  	s8 =	ssub.s32 s8, s23;
	s4 =	sadd.s32 $0x55600, s7;
	s26 =	sadd.s32 s10, s7  }
0xd: {  	s5 =	sshll.u32 s5, $0x4;
	s9 =	sadd.s32 s6, s2;
	s6 =	sadd.s32 s1, s25  }
0xe: {  	s8 =	smax.u32 s8, $0x1;
	s22 =	sadd.s32 $0x7D600, s26;
	s1 =	simm.s32 $0x7000  }
0xf: {  	s0 =	sadd.s32 s5, s0;
	s5 =	sor.u32 $0x1C01, s24;
	s10 =	sshrl.u32 s9, $0x3  }
0x10: {  	s13 =	sadd.s32 $0x80, s6;
	s15 =	sadd.s32 $0x100, s6;
	s17 =	sadd.s32 $0x180, s6  }
0x11: {  	s19 =	sadd.s32 $0x200, s6;
	s21 =	sadd.s32 $0x280, s6;
	s23 =	sadd.s32 $0x300, s6  }
0x12: {  	s25 =	sadd.s32 $0x380, s6;
	s7 =	sadd.s32 $0xCD600, s0;
	s0 =	simm.s32 $0x7400  }
.LBB2_1:
0x13: {  	[spmem:s10], [sflag:s5] =	dma.local [hbm:s4], $0x2800  }
0x14: {  	_ =	swait.ge [sflag:s11], $0x2800  }
0x15: {  	[sflag:s11] =	ssyncset.done $0x0  }
0x16: {  	s9 =	simm.s32 $0x4000;
	[sflag:s11] =	ssyncadd.s32 $0xFFFFD800  }
0x17: {  	[tilespmem:s9], [sflag:$0x1] =	stream.linear.gather [hbm4b:s6+s3], $0x280, $0x38;
	[tilespmem:$0x1C000] =	vst v63  }
0x18: {  	s26 =	simm.s32 $0x4400  }
0x19: {  	[tilespmem:s26], [sflag:$0x1] =	stream.linear.gather [hbm4b:s13+s3], $0x280, $0x38;
	[tilespmem:$0x1C000] =	vst v63  }
0x1a: {  	s20 =	simm.s32 $0x4800  }
0x1b: {  	[tilespmem:s20], [sflag:$0x1] =	stream.linear.gather [hbm4b:s15+s3], $0x280, $0x38;
	[tilespmem:$0x1C000] =	vst v63  }
0x1c: {  	s24 =	simm.s32 $0x4C00  }
0x1d: {  	[tilespmem:s24], [sflag:$0x1] =	stream.linear.gather [hbm4b:s17+s3], $0x280, $0x38;
	[tilespmem:$0x1C000] =	vst v63  }
0x1e: {  	s26 =	simm.s32 $0x5000  }
0x1f: {  	[tilespmem:s26], [sflag:$0x1] =	stream.linear.gather [hbm4b:s19+s3], $0x280, $0x38;
	[tilespmem:$0x1C000] =	vst v63  }
0x20: {  	s20 =	simm.s32 $0x5400  }
0x21: {  	[tilespmem:s20], [sflag:$0x1] =	stream.linear.gather [hbm4b:s21+s3], $0x280, $0x38;
	[tilespmem:$0x1C000] =	vst v63  }
0x22: {  	s24 =	simm.s32 $0x5800  }
0x23: {  	[tilespmem:s24], [sflag:$0x1] =	stream.linear.gather [hbm4b:s23+s3], $0x280, $0x38;
	[tilespmem:$0x1C000] =	vst v63  }
0x24: {  	s26 =	simm.s32 $0x5C00  }
0x25: {  	[tilespmem:s26], [sflag:$0x1] =	stream.linear.gather [hbm4b:s25+s3], $0x280, $0x38;
	[tilespmem:$0x1C000] =	vst v63  }
0x26: {  	s20 =	sadd.s32 $0x400, s6  }
0x27: {  	[tilespmem:s28], [sflag:$0x1] =	stream.linear.gather [hbm4b:s20+s3], $0x280, $0x38;
	[tilespmem:$0x1C000] =	vst v63  }
0x28: {  	s24 =	sadd.s32 $0x480, s6  }
0x29: {  	[tilespmem:s29], [sflag:$0x1] =	stream.linear.gather [hbm4b:s24+s3], $0x280, $0x38;
	[tilespmem:$0x1C000] =	vst v63  }
0x2a: {  	s26 =	sadd.s32 $0x500, s6  }
0x2b: {  	[tilespmem:s30], [sflag:$0x1] =	stream.linear.gather [hbm4b:s26+s3], $0x280, $0x38;
	[tilespmem:$0x1C000] =	vst v63  }
0x2c: {  	s20 =	sadd.s32 $0x580, s6  }
0x2d: {  	[tilespmem:s31], [sflag:$0x1] =	stream.linear.gather [hbm4b:s20+s3], $0x280, $0x38;
	[tilespmem:$0x1C000] =	vst v63  }
0x2e: {  	s24 =	sadd.s32 $0x600, s6  }
0x2f: {  	[tilespmem:s1], [sflag:$0x1] =	stream.linear.gather [hbm4b:s24+s3], $0x280, $0x38;
	[tilespmem:$0x1C000] =	vst v63  }
0x30: {  	s26 =	sadd.s32 $0x680, s6  }
0x31: {  	[tilespmem:s0], [sflag:$0x1] =	stream.linear.gather [hbm4b:s26+s3], $0x280, $0x38;
	[tilespmem:$0x1C000] =	vst v63  }
0x32: {  	s20 =	sadd.s32 $0x700, s6  }
0x33: {  	[tilespmem:s12], [sflag:$0x1] =	stream.linear.gather [hbm4b:s20+s3], $0x280, $0x38;
	[tilespmem:$0x1C000] =	vst v63  }
0x34: {  	s24 =	sadd.s32 $0x780, s6  }
0x35: {  	[tilespmem:s14], [sflag:$0x1] =	stream.linear.gather [hbm4b:s24+s3], $0x280, $0x38;
	[tilespmem:$0x1C000] =	vst v63  }
0x36: {  	_ =	swait.ge [sflag:s11], $0x2800  }
0x37: {  	[sflag:s11] =	ssyncset.done $0x0  }
0x38: {  	[sflag:s11] =	ssyncadd.s32 $0xFFFFD800  }
0x39: {  	[bflag:$0x0] =	sbarrier.arrive $0xFFFF  }
0x3a: {  	[tilespmem:s3], [sflag:$0x1] =	stream.linear.gather [hbm4b:s22+s3], $0x4000, $0x38;
	[tilespmem:$0x1C000] =	vst v63  }
0x3b: {  	_ =	swait.ge [sflag:s11], $0x4000  }
0x3c: {  	[sflag:s11] =	ssyncset.done $0x0  }
0x3d: {  	s26 =	simm.s32 $0x4000;
	[sflag:s11] =	ssyncadd.s32 $0xFFFFC000  }
0x3e: {  	[spmem:s2] =	stream.indirect.scatter.add.f32 [tilespmem:s3], [sflag:$0x1], $0x80, s26, s16, $0xb8;
	[tilespmem:$0x1C000] =	vst v63  }
0x3f: {  	_ =	swait.ge [sflag:s11], $0x4000  }
0x40: {  	[sflag:s11] =	ssyncset.done $0x0  }
0x41: {  	s20 =	simm.s32 $0x4400;
	[sflag:s11] =	ssyncadd.s32 $0xFFFFC000  }
0x42: {  	[spmem:s2] =	stream.indirect.scatter.add.f32 [tilespmem:s3], [sflag:$0x1], $0x80, s20, s16, $0xb8;
	[tilespmem:$0x1C000] =	vst v63  }
0x43: {  	_ =	swait.ge [sflag:s11], $0x4000  }
0x44: {  	[sflag:s11] =	ssyncset.done $0x0  }
0x45: {  	s24 =	simm.s32 $0x4800;
	[sflag:s11] =	ssyncadd.s32 $0xFFFFC000  }
0x46: {  	[spmem:s2] =	stream.indirect.scatter.add.f32 [tilespmem:s3], [sflag:$0x1], $0x80, s24, s16, $0xb8;
	[tilespmem:$0x1C000] =	vst v63  }
0x47: {  	_ =	swait.ge [sflag:s11], $0x4000  }
0x48: {  	[sflag:s11] =	ssyncset.done $0x0  }
0x49: {  	s26 =	simm.s32 $0x4C00;
	[sflag:s11] =	ssyncadd.s32 $0xFFFFC000  }
0x4a: {  	[spmem:s2] =	stream.indirect.scatter.add.f32 [tilespmem:s3], [sflag:$0x1], $0x80, s26, s16, $0xb8;
	[tilespmem:$0x1C000] =	vst v63  }
0x4b: {  	_ =	swait.ge [sflag:s11], $0x4000  }
0x4c: {  	[sflag:s11] =	ssyncset.done $0x0  }
0x4d: {  	s20 =	simm.s32 $0x5000;
	[sflag:s11] =	ssyncadd.s32 $0xFFFFC000  }
0x4e: {  	[spmem:s2] =	stream.indirect.scatter.add.f32 [tilespmem:s3], [sflag:$0x1], $0x80, s20, s16, $0xb8;
	[tilespmem:$0x1C000] =	vst v63  }
0x4f: {  	_ =	swait.ge [sflag:s11], $0x4000  }
0x50: {  	[sflag:s11] =	ssyncset.done $0x0  }
0x51: {  	s24 =	simm.s32 $0x5400;
	[sflag:s11] =	ssyncadd.s32 $0xFFFFC000  }
0x52: {  	[spmem:s2] =	stream.indirect.scatter.add.f32 [tilespmem:s3], [sflag:$0x1], $0x80, s24, s16, $0xb8;
	[tilespmem:$0x1C000] =	vst v63  }
0x53: {  	_ =	swait.ge [sflag:s11], $0x4000  }
0x54: {  	[sflag:s11] =	ssyncset.done $0x0  }
0x55: {  	s26 =	simm.s32 $0x5800;
	[sflag:s11] =	ssyncadd.s32 $0xFFFFC000  }
0x56: {  	[spmem:s2] =	stream.indirect.scatter.add.f32 [tilespmem:s3], [sflag:$0x1], $0x80, s26, s16, $0xb8;
	[tilespmem:$0x1C000] =	vst v63  }
0x57: {  	_ =	swait.ge [sflag:s11], $0x4000  }
0x58: {  	[sflag:s11] =	ssyncset.done $0x0  }
0x59: {  	s20 =	simm.s32 $0x5C00;
	[sflag:s11] =	ssyncadd.s32 $0xFFFFC000  }
0x5a: {  	[spmem:s2] =	stream.indirect.scatter.add.f32 [tilespmem:s3], [sflag:$0x1], $0x80, s20, s16, $0xb8;
	[tilespmem:$0x1C000] =	vst v63  }
0x5b: {  	_ =	swait.ge [sflag:s11], $0x4000  }
0x5c: {  	[sflag:s11] =	ssyncset.done $0x0  }
0x5d: {  	s24 =	simm.s32 $0x6000;
	[sflag:s11] =	ssyncadd.s32 $0xFFFFC000  }
0x5e: {  	[spmem:s2] =	stream.indirect.scatter.add.f32 [tilespmem:s3], [sflag:$0x1], $0x80, s24, s16, $0xb8;
	[tilespmem:$0x1C000] =	vst v63  }
0x5f: {  	_ =	swait.ge [sflag:s11], $0x4000  }
0x60: {  	[sflag:s11] =	ssyncset.done $0x0  }
0x61: {  	s26 =	simm.s32 $0x6400;
	[sflag:s11] =	ssyncadd.s32 $0xFFFFC000  }
0x62: {  	[spmem:s2] =	stream.indirect.scatter.add.f32 [tilespmem:s3], [sflag:$0x1], $0x80, s26, s16, $0xb8;
	[tilespmem:$0x1C000] =	vst v63  }
0x63: {  	_ =	swait.ge [sflag:s11], $0x4000  }
0x64: {  	[sflag:s11] =	ssyncset.done $0x0  }
0x65: {  	s20 =	simm.s32 $0x6800;
	[sflag:s11] =	ssyncadd.s32 $0xFFFFC000  }
0x66: {  	[spmem:s2] =	stream.indirect.scatter.add.f32 [tilespmem:s3], [sflag:$0x1], $0x80, s20, s16, $0xb8;
	[tilespmem:$0x1C000] =	vst v63  }
0x67: {  	_ =	swait.ge [sflag:s11], $0x4000  }
0x68: {  	[sflag:s11] =	ssyncset.done $0x0  }
0x69: {  	s24 =	simm.s32 $0x6C00;
	[sflag:s11] =	ssyncadd.s32 $0xFFFFC000  }
0x6a: {  	[spmem:s2] =	stream.indirect.scatter.add.f32 [tilespmem:s3], [sflag:$0x1], $0x80, s24, s16, $0xb8;
	[tilespmem:$0x1C000] =	vst v63  }
0x6b: {  	_ =	swait.ge [sflag:s11], $0x4000  }
0x6c: {  	[sflag:s11] =	ssyncset.done $0x0  }
0x6d: {  	s26 =	simm.s32 $0x7000;
	[sflag:s11] =	ssyncadd.s32 $0xFFFFC000  }
0x6e: {  	[spmem:s2] =	stream.indirect.scatter.add.f32 [tilespmem:s3], [sflag:$0x1], $0x80, s26, s16, $0xb8;
	[tilespmem:$0x1C000] =	vst v63  }
0x6f: {  	_ =	swait.ge [sflag:s11], $0x4000  }
0x70: {  	[sflag:s11] =	ssyncset.done $0x0  }
0x71: {  	s20 =	simm.s32 $0x7400;
	[sflag:s11] =	ssyncadd.s32 $0xFFFFC000  }
0x72: {  	[spmem:s2] =	stream.indirect.scatter.add.f32 [tilespmem:s3], [sflag:$0x1], $0x80, s20, s16, $0xb8;
	[tilespmem:$0x1C000] =	vst v63  }
0x73: {  	_ =	swait.ge [sflag:s11], $0x4000  }
0x74: {  	[sflag:s11] =	ssyncset.done $0x0  }
0x75: {  	s24 =	simm.s32 $0x7800;
	[sflag:s11] =	ssyncadd.s32 $0xFFFFC000  }
0x76: {  	[spmem:s2] =	stream.indirect.scatter.add.f32 [tilespmem:s3], [sflag:$0x1], $0x80, s24, s16, $0xb8;
	[tilespmem:$0x1C000] =	vst v63  }
0x77: {  	_ =	swait.ge [sflag:s11], $0x4000  }
0x78: {  	[sflag:s11] =	ssyncset.done $0x0  }
0x79: {  	s26 =	simm.s32 $0x7C00;
	[sflag:s11] =	ssyncadd.s32 $0xFFFFC000  }
0x7a: {  	[spmem:s2] =	stream.indirect.scatter.add.f32 [tilespmem:s3], [sflag:$0x1], $0x80, s26, s16, $0xb8;
	[tilespmem:$0x1C000] =	vst v63  }
0x7b: {  	_ =	swait.ge [sflag:s11], $0x4000  }
0x7c: {  	s9 =	smov.u32 s22;
	s20 =	simm.s32 $0x200;
	[sflag:s11] =	ssyncset.done $0x0  }
.LBB2_2:
0x7d: {  	p0 =	sne.s32 s20, $0x800;
	[sflag:s11] =	ssyncadd.s32 $0xFFFFC000;
	s9 =	sadd.s32 $0x800, s9  }
0x7e: {  	[tilespmem:s3], [sflag:$0x1] =	stream.linear.gather [hbm4b:s9+s3], $0x4000, $0x38;
	[tilespmem:$0x1C000] =	vst v63  }
0x7f: {  	s24 =	smov.u32 s20;
	s20 =	sadd.s32 $0x200, s20;
	_ =	swait.ge [sflag:s11], $0x4000  }
0x80: {  	s24 =	sshra.s32 s24, $0x2;
	[sflag:s11] =	ssyncset.done $0x0  }
0x81: {  	s26 =	sadd.s32 $0x4000, s24;
	[sflag:s11] =	ssyncadd.s32 $0xFFFFC000  }
0x82: {  	[spmem:s2] =	stream.indirect.scatter.add.f32 [tilespmem:s3], [sflag:$0x1], $0x80, s26, s16, $0xb8;
	[tilespmem:$0x1C000] =	vst v63  }
0x83: {  	_ =	swait.ge [sflag:s11], $0x4000  }
0x84: {  	[sflag:s11] =	ssyncset.done $0x0  }
0x85: {  	s26 =	sadd.s32 $0x4400, s24;
	[sflag:s11] =	ssyncadd.s32 $0xFFFFC000  }
0x86: {  	[spmem:s2] =	stream.indirect.scatter.add.f32 [tilespmem:s3], [sflag:$0x1], $0x80, s26, s16, $0xb8;
	[tilespmem:$0x1C000] =	vst v63  }
0x87: {  	_ =	swait.ge [sflag:s11], $0x4000  }
0x88: {  	[sflag:s11] =	ssyncset.done $0x0  }
0x89: {  	s26 =	sadd.s32 $0x4800, s24;
	[sflag:s11] =	ssyncadd.s32 $0xFFFFC000  }
0x8a: {  	[spmem:s2] =	stream.indirect.scatter.add.f32 [tilespmem:s3], [sflag:$0x1], $0x80, s26, s16, $0xb8;
	[tilespmem:$0x1C000] =	vst v63  }
0x8b: {  	_ =	swait.ge [sflag:s11], $0x4000  }
0x8c: {  	[sflag:s11] =	ssyncset.done $0x0  }
0x8d: {  	s26 =	sadd.s32 $0x4C00, s24;
	[sflag:s11] =	ssyncadd.s32 $0xFFFFC000  }
0x8e: {  	[spmem:s2] =	stream.indirect.scatter.add.f32 [tilespmem:s3], [sflag:$0x1], $0x80, s26, s16, $0xb8;
	[tilespmem:$0x1C000] =	vst v63  }
0x8f: {  	_ =	swait.ge [sflag:s11], $0x4000  }
0x90: {  	[sflag:s11] =	ssyncset.done $0x0  }
0x91: {  	s26 =	sadd.s32 $0x5000, s24;
	[sflag:s11] =	ssyncadd.s32 $0xFFFFC000  }
0x92: {  	[spmem:s2] =	stream.indirect.scatter.add.f32 [tilespmem:s3], [sflag:$0x1], $0x80, s26, s16, $0xb8;
	[tilespmem:$0x1C000] =	vst v63  }
0x93: {  	_ =	swait.ge [sflag:s11], $0x4000  }
0x94: {  	[sflag:s11] =	ssyncset.done $0x0  }
0x95: {  	s26 =	sadd.s32 $0x5400, s24;
	[sflag:s11] =	ssyncadd.s32 $0xFFFFC000  }
0x96: {  	[spmem:s2] =	stream.indirect.scatter.add.f32 [tilespmem:s3], [sflag:$0x1], $0x80, s26, s16, $0xb8;
	[tilespmem:$0x1C000] =	vst v63  }
0x97: {  	_ =	swait.ge [sflag:s11], $0x4000  }
0x98: {  	[sflag:s11] =	ssyncset.done $0x0  }
0x99: {  	s26 =	sadd.s32 $0x5800, s24;
	[sflag:s11] =	ssyncadd.s32 $0xFFFFC000  }
0x9a: {  	[spmem:s2] =	stream.indirect.scatter.add.f32 [tilespmem:s3], [sflag:$0x1], $0x80, s26, s16, $0xb8;
	[tilespmem:$0x1C000] =	vst v63  }
0x9b: {  	_ =	swait.ge [sflag:s11], $0x4000  }
0x9c: {  	[sflag:s11] =	ssyncset.done $0x0  }
0x9d: {  	s26 =	sadd.s32 $0x5C00, s24;
	[sflag:s11] =	ssyncadd.s32 $0xFFFFC000  }
0x9e: {  	[spmem:s2] =	stream.indirect.scatter.add.f32 [tilespmem:s3], [sflag:$0x1], $0x80, s26, s16, $0xb8;
	[tilespmem:$0x1C000] =	vst v63  }
0x9f: {  	_ =	swait.ge [sflag:s11], $0x4000  }
0xa0: {  	[sflag:s11] =	ssyncset.done $0x0  }
0xa1: {  	s26 =	sadd.s32 $0x6000, s24;
	[sflag:s11] =	ssyncadd.s32 $0xFFFFC000  }
0xa2: {  	[spmem:s2] =	stream.indirect.scatter.add.f32 [tilespmem:s3], [sflag:$0x1], $0x80, s26, s16, $0xb8;
	[tilespmem:$0x1C000] =	vst v63  }
0xa3: {  	_ =	swait.ge [sflag:s11], $0x4000  }
0xa4: {  	[sflag:s11] =	ssyncset.done $0x0  }
0xa5: {  	s26 =	sadd.s32 $0x6400, s24;
	[sflag:s11] =	ssyncadd.s32 $0xFFFFC000  }
0xa6: {  	[spmem:s2] =	stream.indirect.scatter.add.f32 [tilespmem:s3], [sflag:$0x1], $0x80, s26, s16, $0xb8;
	[tilespmem:$0x1C000] =	vst v63  }
0xa7: {  	_ =	swait.ge [sflag:s11], $0x4000  }
0xa8: {  	[sflag:s11] =	ssyncset.done $0x0  }
0xa9: {  	s26 =	sadd.s32 $0x6800, s24;
	[sflag:s11] =	ssyncadd.s32 $0xFFFFC000  }
0xaa: {  	[spmem:s2] =	stream.indirect.scatter.add.f32 [tilespmem:s3], [sflag:$0x1], $0x80, s26, s16, $0xb8;
	[tilespmem:$0x1C000] =	vst v63  }
0xab: {  	_ =	swait.ge [sflag:s11], $0x4000  }
0xac: {  	[sflag:s11] =	ssyncset.done $0x0  }
0xad: {  	s26 =	sadd.s32 $0x6C00, s24;
	[sflag:s11] =	ssyncadd.s32 $0xFFFFC000  }
0xae: {  	[spmem:s2] =	stream.indirect.scatter.add.f32 [tilespmem:s3], [sflag:$0x1], $0x80, s26, s16, $0xb8;
	[tilespmem:$0x1C000] =	vst v63  }
0xaf: {  	_ =	swait.ge [sflag:s11], $0x4000  }
0xb0: {  	[sflag:s11] =	ssyncset.done $0x0  }
0xb1: {  	s26 =	sadd.s32 $0x7000, s24;
	[sflag:s11] =	ssyncadd.s32 $0xFFFFC000  }
0xb2: {  	[spmem:s2] =	stream.indirect.scatter.add.f32 [tilespmem:s3], [sflag:$0x1], $0x80, s26, s16, $0xb8;
	[tilespmem:$0x1C000] =	vst v63  }
0xb3: {  	_ =	swait.ge [sflag:s11], $0x4000  }
0xb4: {  	[sflag:s11] =	ssyncset.done $0x0  }
0xb5: {  	s26 =	sadd.s32 $0x7400, s24;
	[sflag:s11] =	ssyncadd.s32 $0xFFFFC000  }
0xb6: {  	[spmem:s2] =	stream.indirect.scatter.add.f32 [tilespmem:s3], [sflag:$0x1], $0x80, s26, s16, $0xb8;
	[tilespmem:$0x1C000] =	vst v63  }
0xb7: {  	_ =	swait.ge [sflag:s11], $0x4000  }
0xb8: {  	[sflag:s11] =	ssyncset.done $0x0  }
0xb9: {  	s26 =	sadd.s32 $0x7800, s24;
	[sflag:s11] =	ssyncadd.s32 $0xFFFFC000  }
0xba: {  	[spmem:s2] =	stream.indirect.scatter.add.f32 [tilespmem:s3], [sflag:$0x1], $0x80, s26, s16, $0xb8;
	[tilespmem:$0x1C000] =	vst v63  }
0xbb: {  	_ =	swait.ge [sflag:s11], $0x4000  }
.Ltmp0:
0xbc: {  	[sflag:s11] =	ssyncset.done $0x0;
	(pc) =	sbr.rel @p0 .LBB2_2-.Ltmp0, $4  }
0xbd: {  	s24 =	sadd.s32 $0x7C00, s24;
	[sflag:s11] =	ssyncadd.s32 $0xFFFFC000  }
0xbe: {  	[spmem:s2] =	stream.indirect.scatter.add.f32 [tilespmem:s3], [sflag:$0x1], $0x80, s24, s16, $0xb8;
	[tilespmem:$0x1C000] =	vst v63  }
0xbf: {  	_ =	swait.ge [sflag:s11], $0x4000  }
0xc0: {  	[sflag:s11] =	ssyncset.done $0x0  }
0xc1: {  	s18 =	sadd.s32 $0x1, s18  }
0xc2: {  	[sflag:s11] =	ssyncadd.s32 $0xFFFFC000;
	p0 =	sne.s32 s18, s8  }
.Ltmp1:
0xc3: {  	[bflag:$0x0] =	sbarrier.arrive $0xFFFF;
	(pc) =	sbr.rel @p0 .LBB2_1-.Ltmp1, $4  }
0xc4: {  	[hbm:s7], [sflag:s5] =	dma.local [spmem:s10], $0x2800  }
0xc5: {  	_ =	swait.ge [sflag:s11], $0x2800  }
0xc6: {  	[sflag:s11] =	ssyncset.done $0x0  }
0xc7: {  	[sflag:s11] =	ssyncadd.s32 $0xFFFFD800  }
0xc8: {  	_ =	sfence.sel $0x180000  }
0xc9: {  	[bflag:$0x0] =	sbarrier.arrive $0xFFFF  }
0xca: {  	_ =	strace $0x9000004D  }
0xcb: {  	s0 =	stileid.u32;
	[bflag:$0x2] =	sbarrier.arrive $0xFFFF  }
0xcc: {  	p0 =	sne.s32 s0, $0x0;
	s0 =	rddreg [dreg:$0x3]  }
0xcd: {  	s0 =	sadd.s32 @!p0 $0x100000, s0  }
0xce: {  	[sflag:s0] =	ssyncadd.tile.s32 @!p0 $0x1;
	_ =	shalt  }
.Lfunc_end2:
_tile_overlayer_lowered:
.L_overlay_start_2:
0xcf: {  	(tag) =	ssettag $0x2  }
0xd0: {  	s0 =	rddreg [dreg:$0x0];
	s2 =	stileid.u32  }
0xd1: {  	s1 =	rddreg [dreg:$0x1];
	p0 =	sne.s32 s2, $0x0  }
0xd2: {  	s3 =	rddreg [dreg:$0x2];
	[bflag:$0x3] =	sbarrier.arrive $0xFFFF;
	s2 =	simm.s32 @!p0 $0x1C01  }
0xd3: {  	[timem:s3], [sflag:s2] =	dma.local @!p0 [hbm:s0], s1  }
0xd4: {  	s0 =	simm.s32 @!p0 $0x1  }
0xd5: {  	_ =	swait.ge @!p0 [sflag:s0], s1  }
0xd6: {  	s1 =	ssub.s32 @!p0 $0x0, s1;
	[sflag:s0] =	ssyncset.done @!p0 $0x0  }
0xd7: {  	[sflag:s0] =	ssyncadd.s32 @!p0 s1  }
0xd8: {  	[bflag:$0x3] =	sbarrier.arrive $0xFFFF  }
0xd9: {  	_ =	shalt  }

// kernel: kernel.20.cloned.1.call-start
scs
__scs_entry_jumppad:
0x0: {  	(pc) =	sbr.rel $0x88, $3  }
0x1: {  	(tag) =	ssettag $0x0;
	lr =	simm.s32 $0x1  }
0x2: {  	[smem:$0x3F8A] =	sst lr;
	_ =	strace $0xD0000000  }
0x3: {  	_ = 	snop  }
0x4: {  	_ = 	snop  }
0x5: {  	_ = 	snop  }
0x6: {  	_ = 	snop  }
0x7: {  	_ = 	snop  }
__scs_overlays_trampoline_lowered:
0x8: {  	[smem:$0x3F99] =	sst s0  }
0x9: {  	[smem:$0x3F9A] =	sst s1  }
0xa: {  	[smem:$0x3F9B] =	sst s2  }
0xb: {  	[smem:$0x3F9C] =	sst s3  }
0xc: {  	[smem:$0x3F9D] =	sst s4  }
0xd: {  	[smem:$0x3F9E] =	sst s5  }
0xe: {  	[smem:$0x3F9F] =	sst s6  }
0xf: {  	[smem:$0x3FA0] =	sst s7  }
0x10: {  	[smem:$0x3FA1] =	sst s8  }
0x11: {  	[smem:$0x3FA2] =	sst s9;
	s0 =	simm.s32 @!p0 $0x0  }
0x12: {  	s1 =	sld [smem:$0x3F88];
	s0 =	simm.s32 @p0 $0x1  }
0x13: {  	[smem:$0x3FA3] =	sst s0;
	s0 =	simm.s32 @!p1 $0x0  }
0x14: {  	s2 =	sld [smem:$0x3F87];
	s0 =	simm.s32 @p1 $0x1  }
0x15: {  	[smem:$0x3FA4] =	sst s0;
	s0 =	simm.s32 @!p2 $0x0  }
0x16: {  	s3 =	sld [smem:$0x3FDB];
	s0 =	simm.s32 @p2 $0x1  }
0x17: {  	s4 =	simm.s32 $0x1BF5;
	[smem:$0x3FA6] =	sst s0  }
0x18: {  	s0 =	sld [smem:$0x3F89];
	_ =	swait.ge [sflag:s4], $0x0  }
0x19: {  	s7 =	sld [smem:$0x3F8A]  }
0x1a: {  	s8 =	sadd.s32 $0xFFFFE003, lr  }
0x1b: {  	s9 =	sadd.s32 $0xFFFFFEF7, lr;
	s5 =	simm.s32 $0xFFFFFFFF;
	p2 =	slt.u32 s8, $0xFFFFF086  }
0x1c: {  	p1 =	slt.u32 s9, $0xF7A;
	s5 =	simm.s32 @!p2 $0x0  }
0x1d: {  	s5 =	simm.s32 @p1 $0x1;
	p0 =	seq.s32 s7, s2  }
0x1e: {  	s7 =	smul.u32 @!p0 $0xF7A, s2;
	p2 =	seq.s32 @!p0 s5, $0x0  }
0x1f: {  	s9 =	smul.u32 $0xF7A, s1;
	s8 =	simm.s32 @!p0 $0x1BF5;
	p2 =	por !p2, p0  }
0x20: {  	[sflag:s8] =	ssyncset.s32 @!p0 $0xFFFFF086;
	s6 =	sadd.s32 @!p0 s3, s7;
	s7 =	simm.s32 @!p0 $0x108  }
0x21: {  	s3 =	sadd.s32 s3, s9;
	s6 =	sadd.s32 @!p0 $0x88, s6;
	s7 =	simm.s32 @p2 $0x1082  }
0x22: {  	[simem:s7], [sflag:s8] =	dma.local @!p0 [hbm:s6], $0xF7A  }
0x23: {  	s9 =	sor.u32 $0xD0000000, s2;
	s6 =	simm.s32 $0x108;
	_ =	swait.ge @!p0 [sflag:s8], $0x0  }
0x24: {  	s3 =	sadd.s32 $0x88, s3;
	s6 =	simm.s32 @!p1 $0x1082;
	[sflag:s4] =	ssyncset.s32 $0xFFFFF086  }
0x25: {  	[simem:s6], [sflag:s4] =	dma.local [hbm:s3], $0xF7A  }
0x26: {  	[smem:$0x3F8A] =	sst s1;
	(tag) =	ssettag s2;
	_ =	strace s9  }
0x27: {  	s1 =	sld [smem:$0x3F9A]  }
0x28: {  	s2 =	sld [smem:$0x3F9B]  }
0x29: {  	s4 =	sld [smem:$0x3F9D]  }
0x2a: {  	p0 =	seq.s32 s5, $0x0;
	s5 =	sld [smem:$0x3F9E]  }
0x2b: {  	s6 =	sld [smem:$0x3F9F]  }
0x2c: {  	s7 =	sld [smem:$0x3FA0]  }
0x2d: {  	s3 =	simm.s32 $0x108;
	s8 =	sld [smem:$0x3FA1]  }
0x2e: {  	s3 =	simm.s32 @!p0 $0x1082;
	s9 =	sld [smem:$0x3FA2]  }
0x2f: {  	lr =	sadd.s32 s0, s3;
	s0 =	sld [smem:$0x3F99]  }
0x30: {  	s3 =	sld [smem:$0x3F9C]  }
0x31: {  	[smem:$0x3FA5] =	sst s10  }
0x32: {  	s10 =	sld [smem:$0x3FA3];
	_ =	sdelay $0x3  }
0x33: {  	p0 =	seq.s32 s10, $0x1;
	s10 =	sld [smem:$0x3FA5];
	_ =	sdelay $0x3  }
0x34: {  	[smem:$0x3FA5] =	sst s10  }
0x35: {  	s10 =	sld [smem:$0x3FA4];
	_ =	sdelay $0x3  }
0x36: {  	p1 =	seq.s32 s10, $0x1;
	s10 =	sld [smem:$0x3FA5];
	_ =	sdelay $0x3  }
0x37: {  	[smem:$0x3FA5] =	sst s10  }
0x38: {  	s10 =	sld [smem:$0x3FA6]  }
0x39: {  	_ = 	snop;
	(pc) =	sbr.ind lr, $3  }
0x3a: {  	_ = 	snop  }
0x3b: {  	_ = 	snop  }
0x3c: {  	p2 =	seq.s32 s10, $0x1;
	s10 =	sld [smem:$0x3FA5]  }
0x3d: {  	_ =	shalt  }
0x3e: {  	_ =	shalt  }
0x3f: {  	_ =	shalt  }
0x40: {  	_ =	shalt  }
0x41: {  	_ =	shalt  }
0x42: {  	_ =	shalt  }
0x43: {  	_ =	shalt  }
0x44: {  	_ =	shalt  }
0x45: {  	_ =	shalt  }
0x46: {  	_ =	shalt  }
0x47: {  	_ =	shalt  }
0x48: {  	_ =	shalt  }
0x49: {  	_ =	shalt  }
0x4a: {  	_ =	shalt  }
0x4b: {  	_ =	shalt  }
0x4c: {  	_ =	shalt  }
0x4d: {  	_ =	shalt  }
0x4e: {  	_ =	shalt  }
0x4f: {  	_ =	shalt  }
0x50: {  	_ =	shalt  }
0x51: {  	_ =	shalt  }
0x52: {  	_ =	shalt  }
0x53: {  	_ =	shalt  }
0x54: {  	_ =	shalt  }
0x55: {  	_ =	shalt  }
0x56: {  	_ =	shalt  }
0x57: {  	_ =	shalt  }
0x58: {  	_ =	shalt  }
0x59: {  	_ =	shalt  }
0x5a: {  	_ =	shalt  }
0x5b: {  	_ =	shalt  }
0x5c: {  	_ =	shalt  }
0x5d: {  	_ =	shalt  }
0x5e: {  	_ =	shalt  }
0x5f: {  	_ =	shalt  }
0x60: {  	_ =	shalt  }
0x61: {  	_ =	shalt  }
0x62: {  	_ =	shalt  }
0x63: {  	_ =	shalt  }
0x64: {  	_ =	shalt  }
0x65: {  	_ =	shalt  }
0x66: {  	_ =	shalt  }
0x67: {  	_ =	shalt  }
0x68: {  	_ =	shalt  }
0x69: {  	_ =	shalt  }
0x6a: {  	_ =	shalt  }
0x6b: {  	_ =	shalt  }
0x6c: {  	_ =	shalt  }
0x6d: {  	_ =	shalt  }
0x6e: {  	_ =	shalt  }
0x6f: {  	_ =	shalt  }
0x70: {  	_ =	shalt  }
0x71: {  	_ =	shalt  }
0x72: {  	_ =	shalt  }
0x73: {  	_ =	shalt  }
0x74: {  	_ =	shalt  }
0x75: {  	_ =	shalt  }
0x76: {  	_ =	shalt  }
0x77: {  	_ =	shalt  }
0x78: {  	_ =	shalt  }
0x79: {  	_ =	shalt  }
0x7a: {  	_ =	shalt  }
0x7b: {  	_ =	shalt  }
0x7c: {  	_ =	shalt  }
0x7d: {  	_ =	shalt  }
0x7e: {  	_ =	shalt  }
0x7f: {  	_ =	shalt  }
0x80: {  	_ =	shalt  }
0x81: {  	_ =	shalt  }
0x82: {  	_ =	shalt  }
0x83: {  	_ =	shalt  }
0x84: {  	_ =	shalt  }
0x85: {  	_ =	shalt  }
0x86: {  	_ =	shalt  }
0x87: {  	_ =	shalt  }
.Lfunc_end0:
.L_simem_size_0:
called_computation.3_lowered:
.L_overlay_start_0:
0x88: {  	s2 =	sld [smem:$0x3FD9]  }
0x89: {  	s3 =	sld [smem:$0x3FFE];
	_ =	sdelay $0x1  }
0x8a: {  	s1 =	srdreg.scid  }
0x8b: {  	s0 =	sand.u32 $0x1, s1  }
0x8c: {  	s16 =	sshll.u32 s0, $0xA;
	s2 =	sadd.s32 s3, s2  }
0x8d: {  	s2 =	sadd.s32 s2, s16  }
0x8e: {  	[smem:$0x3FB1] =	sst s2  }
0x8f: {  	_ = 	snop  }
0x90: {  	(tm) =	ssettm $0x1  }
0x91: {  	s17 =	sld [smem:$0x3FFB];
	_ =	sdelay $0x3  }
0x92: {  	_ =	strace s17  }
0x93: {  	s2 =	sld [smem:$0x3FFC];
	_ =	sdelay $0x3  }
0x94: {  	_ =	strace s2  }
0x95: {  	s2 =	sld [smem:$0x3FFD];
	_ =	sdelay $0x3  }
0x96: {  	_ =	strace s2  }
0x97: {  	_ =	strace $0x8FFFFFFF  }
0x98: {  	s18 =	sld [smem:$0x3FDB];
	_ =	sdelay $0x1  }
0x99: {  	s19 =	simm.s32 $_scs_section_size  }
0x9a: {  	s4 =	simm.s32 $_size__tile_overlayer_lowered;
	s5 =	simm.s32 $_tile_overlayer_lowered  }
0x9b: {  	s22 =	simm.s32 $0x1BFF;
	s21 =	sshll.u32 s5, $0x1;
	s2 =	sadd.s32 s19, s18  }
0x9c: {  	s6 =	simm.s32 $0x0;
	s20 =	sshll.u32 s4, $0x1;
	s4 =	sadd.s32 s21, s2  }
0x9d: {  	[timem:s6], [sflag:s22] =	dma.local [hbm:s4], s20  }
0x9e: {  	_ =	swait.ge [sflag:s22], s20  }
0x9f: {  	s3 =	ssub.s32 $0x0, s20;
	[sflag:s22] =	ssyncset.done $0x0  }
0xa0: {  	[sflag:s22] =	ssyncadd.s32 s3;
	_ =	sdelay $0x1  }
0xa1: {  	s23 =	simm.s32 $0x1B8B  }
0xa2: {  	_ =	swait.ge [sflag:s23], $0x1  }
0xa3: {  	[sflag:s23] =	ssyncset.done $0x0  }
0xa4: {  	s25 =	simm.s32 $0x1B8E;
	s24 =	sld [smem:$0x3FFE];
	[sflag:s23] =	ssyncadd.s32 $0xFFFFFFFF  }
0xa5: {  	s26 =	simm.s32 $execute0_lowered;
	[smem:$0x3FD2] =	sst s25  }
0xa6: {  	s4 =	sshll.u32 s26, $0x1;
	_ =	strace $0x8000004F;
	[dreg:$0x1] =	wrdreg $0xFFFFFFFF  }
0xa7: {  	s28 =	simm.s32 $_size_execute0_lowered;
	s2 =	sadd.s32 s2, s4;
	[dreg:$0x0] =	wrdreg $0x0  }
0xa8: {  	s4 =	sshll.u32 s28, $0x1;
	[dreg:$0x2] =	wrdreg s2  }
0xa9: {  	[dreg:$0x3] =	wrdreg s4  }
0xaa: {  	[dreg:$0x4] =	wrdreg $0xC0  }
0xab: {  	_ =	task [dreg:s6], $0x5FFFF  }
0xac: {  	[dreg:$0x1] =	wrdreg $0xFFFFFFFF  }
0xad: {  	[dreg:$0x0] =	wrdreg $0x60  }
0xae: {  	[dreg:$0x2] =	wrdreg s24  }
0xaf: {  	[dreg:$0x3] =	wrdreg $0x54000  }
0xb0: {  	[dreg:$0x4] =	wrdreg $0x9  }
0xb1: {  	_ =	task.clear_ibuf [dreg:s6], $0x5FFFF;
	_ =	strace $0x9000004F  }
0xb2: {  	s29 =	simm.s32 $0x9;
	_ =	strace $0x80000051  }
0xb3: {  	_ =	swait.ge [sflag:s29], $0x1  }
0xb4: {  	[sflag:s29] =	ssyncadd.s32 $0xFFFFFFFF  }
0xb5: {  	_ =	strace $0x90000051  }
0xb6: {  	_ =	sfence  }
0xb7: {  	s30 =	sld [smem:$0x0];
	_ =	sdelay $0x2  }
0xb8: {  	s31 =	sshll.u32 s1, $0xD;
	s1 =	sshrl.u32 s1, $0x2  }
0xb9: {  	s3 =	sand.u32 $0x4000, s31;
	s1 =	sadd.s32 s1, s30  }
0xba: {  	s0 =	sor.u32 s3, s0;
	s1 =	sshll.u32 s1, $0x11  }
0xbb: {  	s0 =	sor.u32 s1, s0  }
0xbc: {  	s0 =	sadd.s32 $0x8F2B, s0  }
0xbd: {  	[sflag:s0] =	ssyncadd.remote.s32 $0x1  }
0xbe: {  	_ =	sfence.sel $0xFFFF  }
0xbf: {  	[dreg:$0x0] =	wrdreg $0xFFFFFFFF;
	(pc) =	sbr.abs _section_cstart, $3  }
0xc0: {  	[dreg:$0x1] =	wrdreg $0xFFFFFFFF  }
0xc1: {  	_ =	task.clear_ibuf [dreg:s6], $0x2FFFF;
	_ =	strace $0x9FFFFFFF  }
0xc2: {  	(tm) =	ssettm $0x7FFFFFFF  }
0xc3: {  	_ =	shalt  }
tec
execute0_lowered:
.L_overlay_start_1:
0x0: {  	(tag) =	ssettag $0x1  }
0x1: {  	s4 =	rddreg [dreg:$0x0]  }
0x2: {  	s0 =	srdreg.scid;
	s1 =	stileid.u32  }
0x3: {  	s2 =	rddreg [dreg:$0x1];
	s7 =	smul.u32 $0x2800, s1  }
0x4: {  	s3 =	simm.s32 $0x0;
	s15 =	simm.s32 $0x1;
	s8 =	smul.u32 $0x500, s1  }
0x5: {  	s5 =	sand.u32 $0x1, s0;
	s0 =	rddreg [dreg:$0x2];
	s26 =	smul.u32 $0x50000, s1  }
0x6: {  	s16 =	simm.s32 $0x0;
	[smem:$0x7FF] =	sst s3;
	s11 =	smul.u32 $0x28000, s1  }
0x7: {  	s12 =	sadd.s32 $0x122600, s4;
	s30 =	sshll.u32 s1, $0x6;
	s6 =	smul.u32 $0x28000, s5  }
0x8: {  	_ =	strace $0x80000050;
	s9 =	ssub.s32 $0x2, s5;
	s10 =	smul.u32 $0x280000, s5  }
0x9: {  	s5 =	sor.u32 $0x1C02, s30;
	s8 =	sadd.s32 s8, s4;
	s28 =	sshrl.u32 s9, $0x1  }
0xa: {  	s29 =	sshrl.u32 s26, $0x2;
	s6 =	sadd.s32 s7, s6;
	s9 =	ssub.s32 s9, s28  }
0xb: {  	s13 =	sadd.s32 s29, s2;
	s31 =	sadd.s32 s11, s10;
	s7 =	sadd.s32 $0x11D600, s8  }
0xc: {  	s10 =	sadd.s32 s10, s12;
	s8 =	sadd.s32 $0x11D880, s8;
	s6 =	sadd.s32 s6, s4  }
0xd: {  	s14 =	sadd.s32 s12, s31;
	s10 =	sadd.s32 s11, s10;
	s11 =	sshrl.u32 s13, $0x3  }
0xe: {  	s12 =	simm.s32 $0x2;
	s13 =	simm.s32 $0x80;
	s4 =	sadd.s32 $0xA3800, s6  }
0xf: {  	s6 =	smax.u32 s9, $0x1;
	s9 =	sadd.s32 $0x14000, s14;
	s14 =	simm.s32 $0x1400  }
.LBB2_1:
0x10: {  	[spmem:s11], [sflag:s5] =	dma.local [hbm:s4], $0x2800  }
0x11: {  	_ =	swait.ge [sflag:s12], $0x2800  }
0x12: {  	[sflag:s12] =	ssyncset.done $0x0  }
0x13: {  	[sflag:s12] =	ssyncadd.s32 $0xFFFFD800  }
0x14: {  	[bflag:$0x0] =	sbarrier.arrive $0xFFFF  }
0x15: {  	[tilespmem:s3], [sflag:$0x2] =	stream.linear.gather [hbm4b:s7+s3], $0x1400, $0x38;
	[tilespmem:$0x19400] =	vst v63  }
0x16: {  	_ =	swait.ge [sflag:s12], $0x1400  }
0x17: {  	[sflag:s12] =	ssyncset.done $0x0  }
0x18: {  	s17 =	simm.s32 $0x0;
	[sflag:s12] =	ssyncadd.s32 $0xFFFFEC00  }
0x19: {  	[tilespmem:s14], [sflag:$0x1] =	stream.indirect.gather [spmem:s2], $0x80, s17, s13, $0xb8;
	[tilespmem:$0x19400] =	vst v63  }
0x1a: {  	_ =	swait.ge [sflag:s15], $0x4000  }
0x1b: {  	[sflag:s15] =	ssyncset.done $0x0  }
0x1c: {  	[sflag:s15] =	ssyncadd.s32 $0xFFFFC000  }
0x1d: {  	[hbm4b:s10+s3] =	stream.linear.scatter [tilespmem:s14], [sflag:$0x2], $0x4000, $0x38;
	[tilespmem:$0x19400] =	vst v63  }
0x1e: {  	s18 =	simm.s32 $0x200;
	_ =	swait.ge [sflag:s12], $0x4000  }
0x1f: {  	s19 =	simm.s32 $0x400;
	s17 =	sadd.s32 $0x800, s10;
	[sflag:s12] =	ssyncset.done $0x0  }
.LBB2_2:
0x20: {  	s20 =	sshra.s32 s18, $0x2  }
0x21: {  	[sflag:s12] =	ssyncadd.s32 $0xFFFFC000;
	s18 =	smov.u32 s19;
	s21 =	sadd.s32 $0x200, s19  }
0x22: {  	[tilespmem:s14], [sflag:$0x1] =	stream.indirect.gather [spmem:s2], $0x80, s20, s13, $0xb8;
	[tilespmem:$0x19400] =	vst v63  }
0x23: {  	p0 =	sne.s32 s19, $0x4E00;
	_ =	swait.ge [sflag:s15], $0x4000  }
.Ltmp0:
0x24: {  	[sflag:s15] =	ssyncset.done $0x0;
	(pc) =	sbr.rel @p0 .LBB2_2-.Ltmp0, $4  }
0x25: {  	[sflag:s15] =	ssyncadd.s32 $0xFFFFC000  }
0x26: {  	[hbm4b:s17+s3] =	stream.linear.scatter [tilespmem:s14], [sflag:$0x2], $0x4000, $0x38;
	[tilespmem:$0x19400] =	vst v63  }
0x27: {  	_ =	swait.ge [sflag:s12], $0x4000  }
0x28: {  	s19 =	smov.u32 s21;
	s17 =	sadd.s32 $0x800, s17;
	[sflag:s12] =	ssyncset.done $0x0  }
0x29: {  	s18 =	sshra.s32 s18, $0x2;
	[sflag:s12] =	ssyncadd.s32 $0xFFFFC000  }
0x2a: {  	[tilespmem:s14], [sflag:$0x1] =	stream.indirect.gather [spmem:s2], $0x80, s18, s13, $0xb8;
	[tilespmem:$0x19400] =	vst v63  }
0x2b: {  	_ =	swait.ge [sflag:s15], $0x4000  }
0x2c: {  	[sflag:s15] =	ssyncset.done $0x0  }
0x2d: {  	[sflag:s15] =	ssyncadd.s32 $0xFFFFC000  }
0x2e: {  	[hbm4b:s17+s3] =	stream.linear.scatter [tilespmem:s14], [sflag:$0x2], $0x4000, $0x38;
	[tilespmem:$0x19400] =	vst v63  }
0x2f: {  	_ =	swait.ge [sflag:s12], $0x4000  }
0x30: {  	[sflag:s12] =	ssyncset.done $0x0  }
0x31: {  	s30 =	simm.s32 $0x0;
	[sflag:s12] =	ssyncadd.s32 $0xFFFFC000  }
0x32: {  	[tilespmem:s30], [sflag:$0x2] =	stream.linear.gather [hbm4b:s8+s30], $0x1400, $0x38;
	[tilespmem:$0x19400] =	vst v63  }
0x33: {  	_ =	swait.ge [sflag:s12], $0x1400  }
0x34: {  	[sflag:s12] =	ssyncset.done $0x0  }
0x35: {  	s31 =	simm.s32 $0x0;
	[sflag:s12] =	ssyncadd.s32 $0xFFFFEC00  }
0x36: {  	[tilespmem:s14], [sflag:$0x1] =	stream.indirect.gather [spmem:s2], $0x80, s31, s13, $0xb8;
	[tilespmem:$0x19400] =	vst v63  }
0x37: {  	_ =	swait.ge [sflag:s15], $0x4000  }
0x38: {  	[sflag:s15] =	ssyncset.done $0x0  }
0x39: {  	[sflag:s15] =	ssyncadd.s32 $0xFFFFC000  }
0x3a: {  	[hbm4b:s9+s3] =	stream.linear.scatter [tilespmem:s14], [sflag:$0x2], $0x4000, $0x38;
	[tilespmem:$0x19400] =	vst v63  }
0x3b: {  	s19 =	simm.s32 $0x400;
	_ =	swait.ge [sflag:s12], $0x4000  }
0x3c: {  	s18 =	simm.s32 $0x200;
	s17 =	sadd.s32 $0x800, s9;
	[sflag:s12] =	ssyncset.done $0x0  }
.LBB2_4:
0x3d: {  	s20 =	sshra.s32 s18, $0x2  }
0x3e: {  	[sflag:s12] =	ssyncadd.s32 $0xFFFFC000;
	s18 =	smov.u32 s19;
	s21 =	sadd.s32 $0x200, s19  }
0x3f: {  	[tilespmem:s14], [sflag:$0x1] =	stream.indirect.gather [spmem:s2], $0x80, s20, s13, $0xb8;
	[tilespmem:$0x19400] =	vst v63  }
0x40: {  	p0 =	sne.s32 s19, $0x4E00;
	_ =	swait.ge [sflag:s15], $0x4000  }
.Ltmp1:
0x41: {  	[sflag:s15] =	ssyncset.done $0x0;
	(pc) =	sbr.rel @p0 .LBB2_4-.Ltmp1, $4  }
0x42: {  	[sflag:s15] =	ssyncadd.s32 $0xFFFFC000  }
0x43: {  	[hbm4b:s17+s3] =	stream.linear.scatter [tilespmem:s14], [sflag:$0x2], $0x4000, $0x38;
	[tilespmem:$0x19400] =	vst v63  }
0x44: {  	_ =	swait.ge [sflag:s12], $0x4000  }
0x45: {  	s19 =	smov.u32 s21;
	s17 =	sadd.s32 $0x800, s17;
	[sflag:s12] =	ssyncset.done $0x0  }
0x46: {  	s18 =	sshra.s32 s18, $0x2;
	[sflag:s12] =	ssyncadd.s32 $0xFFFFC000  }
0x47: {  	[tilespmem:s14], [sflag:$0x1] =	stream.indirect.gather [spmem:s2], $0x80, s18, s13, $0xb8;
	[tilespmem:$0x19400] =	vst v63  }
0x48: {  	s16 =	sadd.s32 $0x1, s16;
	_ =	swait.ge [sflag:s15], $0x4000  }
0x49: {  	p0 =	sne.s32 s16, s6;
	[sflag:s15] =	ssyncset.done $0x0  }
.Ltmp2:
0x4a: {  	[sflag:s15] =	ssyncadd.s32 $0xFFFFC000;
	(pc) =	sbr.rel @p0 .LBB2_1-.Ltmp2, $4  }
0x4b: {  	[hbm4b:s17+s3] =	stream.linear.scatter [tilespmem:s14], [sflag:$0x2], $0x4000, $0x38;
	[tilespmem:$0x19400] =	vst v63  }
0x4c: {  	_ =	swait.ge [sflag:s12], $0x4000  }
0x4d: {  	[sflag:s12] =	ssyncset.done $0x0  }
0x4e: {  	[sflag:s12] =	ssyncadd.s32 $0xFFFFC000  }
0x4f: {  	_ =	sfence.sel $0x180000  }
0x50: {  	[bflag:$0x0] =	sbarrier.arrive $0xFFFF  }
0x51: {  	p0 =	sne.s32 s1, $0x0;
	_ =	strace $0x90000050  }
0x52: {  	s0 =	sadd.s32 @!p0 $0x100000, s0;
	[bflag:$0x2] =	sbarrier.arrive $0xFFFF  }
0x53: {  	[sflag:s0] =	ssyncadd.tile.s32 @!p0 $0x1;
	_ =	shalt  }
.Lfunc_end2:
_tile_overlayer_lowered:
.L_overlay_start_2:
0x54: {  	(tag) =	ssettag $0x2  }
0x55: {  	s0 =	rddreg [dreg:$0x0];
	s2 =	stileid.u32  }
0x56: {  	s1 =	rddreg [dreg:$0x1];
	p0 =	sne.s32 s2, $0x0  }
0x57: {  	s3 =	rddreg [dreg:$0x2];
	[bflag:$0x3] =	sbarrier.arrive $0xFFFF;
	s2 =	simm.s32 @!p0 $0x1C02  }
0x58: {  	[timem:s3], [sflag:s2] =	dma.local @!p0 [hbm:s0], s1  }
0x59: {  	s0 =	simm.s32 @!p0 $0x2  }
0x5a: {  	_ =	swait.ge @!p0 [sflag:s0], s1  }
0x5b: {  	s1 =	ssub.s32 @!p0 $0x0, s1;
	[sflag:s0] =	ssyncset.done @!p0 $0x0  }
0x5c: {  	[sflag:s0] =	ssyncadd.s32 @!p0 s1  }
0x5d: {  	[bflag:$0x3] =	sbarrier.arrive $0xFFFF  }
0x5e: {  	_ =	shalt  }

</sc_bundles>
